<compile_context>
chip_gen: v7x
topology: tpu7x:2x2x1
jax: 0.10.2.dev20260603
libtpu: 0.0.44.dev20260713+nightly
codegen_flags: <defaults>
</compile_context>

<pallas_src>
import jax
import jax.numpy as jnp
from jax import lax
from jax.experimental import pallas as pl
from jax.experimental.pallas import tpu as pltpu
from jax.experimental.pallas import tpu_sc as plsc

N_NODES = 10000
N_EDGES = 320000
D_HID = 128
N_CLASSES = 64

NC = 2
NS = 16
NW = NC * NS
EPW = N_EDGES // NW
CK = 128
NFULL = EPW // CK
TAIL = EPW - NFULL * CK
GR = 80
NG = N_NODES // GR
GPT = (NG + NS - 1) // NS


def _make_agg(d):
  mesh = plsc.VectorSubcoreMesh(core_axis_name="c", subcore_axis_name="s",
                                num_cores=NC, num_subcores=NS)
  depth = 2 if d == D_HID else 3
  assert NFULL % depth == 0

  def body(h_hbm, src_hbm, dst_hbm, out_hbm, *rest):
    sv = rest[0:depth]
    dv = rest[depth:2 * depth]
    rv = rest[2 * depth:3 * depth]
    src_t, dst_t, rows_t, zbuf, acc_sh = rest[3 * depth:3 * depth + 5]
    gs = rest[3 * depth + 5:]
    cid = lax.axis_index("c")
    sid = lax.axis_index("s")
    wid = sid * NC + cid
    e_base = wid * EPW

    zero16 = jnp.zeros((16,), jnp.float32)

    def zrow(r, carry):
      for j in range(d // 16):
        zbuf[r, pl.ds(j * 16, 16)] = zero16
      return carry

    lax.fori_loop(0, GR, zrow, 0)
    for it in range(GPT):
      g = sid + it * NS

      @pl.when(g < NG)
      def _():
        pltpu.sync_copy(zbuf, acc_sh.at[pl.ds(g * GR, GR)])

    plsc.subcore_barrier()

    for c in range(depth - 1):
      pltpu.sync_copy(src_hbm.at[pl.ds(e_base + c * CK, CK)], sv[c])
      pltpu.sync_copy(dst_hbm.at[pl.ds(e_base + c * CK, CK)], dv[c])
      pltpu.async_copy(h_hbm.at[sv[c]], rv[c], gs[c])

    def step(i, carry):
      for u in range(depth):
        cur = i * depth + u
        b = u
        b2 = (u + depth - 1) % depth
        e1 = e_base + (cur + depth - 1) * CK
        pltpu.sync_copy(src_hbm.at[pl.ds(e1, CK)], sv[b2])
        pltpu.sync_copy(dst_hbm.at[pl.ds(e1, CK)], dv[b2])
        pltpu.make_async_copy(h_hbm.at[sv[b]], rv[b], gs[b]).wait()
        pltpu.async_copy(h_hbm.at[sv[b2]], rv[b2], gs[b2])
        pltpu.sync_copy(rv[b], acc_sh.at[dv[b]], add=True)
      return carry

    lax.fori_loop(0, NFULL // depth, step, 0)
    for c in range(depth - 1):
      b = (NFULL + c) % depth
      pltpu.make_async_copy(h_hbm.at[sv[b]], rv[b], gs[b]).wait()

    e0 = e_base + NFULL * CK
    pltpu.sync_copy(src_hbm.at[pl.ds(e0, TAIL)], src_t)
    pltpu.sync_copy(dst_hbm.at[pl.ds(e0, TAIL)], dst_t)
    pltpu.async_copy(h_hbm.at[src_t], rows_t, gs[0]).wait()
    pltpu.sync_copy(rows_t, acc_sh.at[dst_t], add=True)

    plsc.subcore_barrier()
    for it in range(GPT):
      g = sid + it * NS

      @pl.when(g < NG)
      def _():
        pltpu.sync_copy(acc_sh.at[pl.ds(g * GR, GR)], zbuf)
        pltpu.sync_copy(zbuf, out_hbm.at[cid, pl.ds(g * GR, GR)])

  return pl.kernel(
      body,
      out_type=jax.ShapeDtypeStruct((NC, N_NODES, d), jnp.float32),
      mesh=mesh,
      compiler_params=pltpu.CompilerParams(use_tc_tiling_on_sc=(d % 128 == 0)),
      scratch_types=(
          [pltpu.VMEM((CK,), jnp.int32) for _ in range(2 * depth)]
          + [pltpu.VMEM((CK, d), jnp.float32) for _ in range(depth)]
          + [
              pltpu.VMEM((TAIL,), jnp.int32),
              pltpu.VMEM((TAIL,), jnp.int32),
              pltpu.VMEM((TAIL, d), jnp.float32),
              pltpu.VMEM((GR, d), jnp.float32),
              pltpu.VMEM_SHARED((N_NODES, d), jnp.float32),
          ]
          + [pltpu.SemaphoreType.DMA for _ in range(depth)]
      ),
  )


_AGG_HID = _make_agg(D_HID)
_AGG_CLS = _make_agg(N_CLASSES)


def _mm_bias(x_ref, w_ref, b_ref, o_ref):
  o_ref[...] = jnp.dot(x_ref[...], w_ref[...],
                       preferred_element_type=jnp.float32) + b_ref[...]


def _combine_mm_bias(p_ref, w_ref, b_ref, o_ref):
  x = jnp.maximum(p_ref[0] + p_ref[1], 0.0)
  o_ref[...] = jnp.dot(x, w_ref[...],
                       preferred_element_type=jnp.float32) + b_ref[...]


def _combine_relu(p_ref, o_ref):
  o_ref[...] = jnp.maximum(p_ref[0] + p_ref[1], 0.0)


def kernel(node_features, edge_index, W1, b1, W2, b2):
  x = node_features.astype(jnp.float32)
  ei = edge_index.astype(jnp.int32)
  src, dst = ei[0], ei[1]

  slack = jnp.zeros((2 * CK,), jnp.int32)
  src_p = jnp.concatenate([src, slack])
  dst_p = jnp.concatenate([dst, slack])

  h1 = pl.pallas_call(
      _mm_bias,
      out_shape=jax.ShapeDtypeStruct((N_NODES, D_HID), jnp.float32),
  )(x, W1, b1.reshape(1, D_HID))

  p1 = _AGG_HID(h1, src_p, dst_p)

  h2 = pl.pallas_call(
      _combine_mm_bias,
      out_shape=jax.ShapeDtypeStruct((N_NODES, N_CLASSES), jnp.float32),
  )(p1, W2, b2.reshape(1, N_CLASSES))

  p2 = _AGG_CLS(h2, src_p, dst_p)

  out = pl.pallas_call(
      _combine_relu,
      out_shape=jax.ShapeDtypeStruct((N_NODES, N_CLASSES), jnp.float32),
  )(p2)
  return out

# --- scband reference (transcript-rebuilt; emitter-appended) ---
"""Pipeline reference for scband-node-classifier-81810537054299 (READ-ONLY COPY).

The authoritative reference and input builder live on the scoring server;
editing this copy changes nothing except your own understanding.
"""

import jax, jax.numpy as jnp
import numpy as np

N_NODES = 10000
N_EDGES = 320000
D_IN = 128
D_HID = 128
N_CLASSES = 64


def setup_inputs(seed: int = 0) -> dict:
    key = jax.random.key(seed)
    k1, k2, k3, k4, k5, k6, k7 = jax.random.split(key, 7)
    node_features = jax.random.normal(k1, (N_NODES, D_IN), dtype=jnp.float32)
    edge_index = jax.random.randint(k2, (2, N_EDGES), 0, N_NODES, dtype=jnp.int64)
    # Layer 1: in -> hidden, Layer 2: hidden -> num_classes
    W1 = jax.random.normal(k3, (D_IN, D_HID), dtype=jnp.float32) * (1.0 / np.sqrt(D_IN))
    b1 = jnp.zeros((D_HID,), dtype=jnp.float32)
    W2 = jax.random.normal(k4, (D_HID, N_CLASSES), dtype=jnp.float32) * (1.0 / np.sqrt(D_HID))
    b2 = jnp.zeros((N_CLASSES,), dtype=jnp.float32)
    return {"node_features": node_features, "edge_index": edge_index, "W1": W1, "b1": b1, "W2": W2, "b2": b2}


def _mp_layer(x, edge_index, W, b, n_nodes):
    # LinearMessagePassing: linear transform of node features, then
    # messages gathered from source nodes and sum-aggregated at destinations.
    h = x @ W + b
    src = edge_index[0]
    dst = edge_index[1]
    messages = jnp.take(h, src, axis=0)
    agg = jax.ops.segment_sum(messages, dst, num_segments=n_nodes)
    return agg


def reference(node_features, edge_index, W1, b1, W2, b2):
    x = node_features
    x = _mp_layer(x, edge_index, W1, b1, N_NODES)
    x = jax.nn.relu(x)
    x = _mp_layer(x, edge_index, W2, b2, N_NODES)
    x = jax.nn.relu(x)
    return x

if __name__ == "__main__":
    import jax
    _d = setup_inputs()
    print(jax.jit(kernel)(*tuple(_d.values())))

</pallas_src>

<mosaic_0001>
#map = affine_map<(d0, d1) -> (0, 0)>
#map1 = affine_map<(d0, d1) -> (0)>
#map2 = affine_map<(d0, d1) -> (0, 0, 0)>
module attributes {stable_mosaic.version = 14 : i64} {
  func.func @body(%arg0: i32, %arg1: i32, %arg2: memref<10000x64xf32, #tpu.memory_space<hbm>>, %arg3: memref<320256xi32, #tpu.memory_space<hbm>>, %arg4: memref<320256xi32, #tpu.memory_space<hbm>>, %arg5: memref<2x10000x64xf32, #tpu.memory_space<hbm>>, %arg6: memref<128xi32, #tpu.memory_space<vmem>>, %arg7: memref<128xi32, #tpu.memory_space<vmem>>, %arg8: memref<128xi32, #tpu.memory_space<vmem>>, %arg9: memref<128xi32, #tpu.memory_space<vmem>>, %arg10: memref<128xi32, #tpu.memory_space<vmem>>, %arg11: memref<128xi32, #tpu.memory_space<vmem>>, %arg12: memref<128x64xf32, #tpu.memory_space<vmem>>, %arg13: memref<128x64xf32, #tpu.memory_space<vmem>>, %arg14: memref<128x64xf32, #tpu.memory_space<vmem>>, %arg15: memref<16xi32, #tpu.memory_space<vmem>>, %arg16: memref<16xi32, #tpu.memory_space<vmem>>, %arg17: memref<16x64xf32, #tpu.memory_space<vmem>>, %arg18: memref<80x64xf32, #tpu.memory_space<vmem>>, %arg19: memref<10000x64xf32, #tpu.memory_space<vmem_shared>>, %arg20: memref<!tpu.dma_semaphore, #tpu.memory_space<semaphore_mem>>, %arg21: memref<!tpu.dma_semaphore, #tpu.memory_space<semaphore_mem>>, %arg22: memref<!tpu.dma_semaphore, #tpu.memory_space<semaphore_mem>>) attributes {dimension_semantics = [#tpu.dimension_semantics<core_parallel>, #tpu.dimension_semantics<subcore_parallel>], iteration_bounds = array<i64: 2, 16>, scalar_prefetch = 0 : i64, scratch_operands = 17 : i64, tpu.core_type = #tpu.core_type<sc_vector_subcore>, window_params = [{transform_indices = #map}, {transform_indices = #map1}, {transform_indices = #map1}, {transform_indices = #map2}]} {
    %mul3A = arith.constant 2 : i32
    %mul3A_0 = arith.muli %arg1, %mul3A : i32
    %add3A = arith.addi %mul3A_0, %arg0 : i32
    %mul3A_1 = arith.constant 10000 : i32
    %mul3A_2 = arith.muli %add3A, %mul3A_1 : i32
    %broadcast_in_dim3A = arith.constant 0.000000e+00 : f32
    %broadcast_in_dim3A_3 = vector.broadcast %broadcast_in_dim3A : f32 to vector<16xf32>
    %scan3A = arith.constant 0 : i32
    %scan3A_4 = arith.constant 0 : i32
    %scan3A_5 = arith.constant 80 : i32
    %scan3A_6 = arith.addi %scan3A_4, %scan3A_5 : i32
    %scan3A_7 = arith.constant 1 : i32
    scf.for %scan3A_151 = %scan3A_4 to %scan3A_6 step %scan3A_7  : i32 {
      %swap3A = arith.index_cast %scan3A_151 : i32 to index
      %swap3A_152 = arith.constant 0 : index
      %swap3A_153 = tpu.vector_load %arg18[%swap3A, %swap3A_152] {strides = array<i32>} : memref<80x64xf32, #tpu.memory_space<vmem>>, vector<1x16xf32>,
      %swap3A_154 = vector.shape_cast %swap3A_153 : vector<1x16xf32> to vector<16xf32>
      %swap3A_155 = vector.shape_cast %broadcast_in_dim3A_3 : vector<16xf32> to vector<1x16xf32>
      tpu.vector_store %arg18[%swap3A, %swap3A_152], %swap3A_155 {strides = array<i32>} : memref<80x64xf32, #tpu.memory_space<vmem>>, vector<1x16xf32>,
      %swap3A_156 = arith.index_cast %scan3A_151 : i32 to index
      %swap3A_157 = arith.constant 16 : index
      %swap3A_158 = tpu.vector_load %arg18[%swap3A_156, %swap3A_157] {strides = array<i32>} : memref<80x64xf32, #tpu.memory_space<vmem>>, vector<1x16xf32>,
      %swap3A_159 = vector.shape_cast %swap3A_158 : vector<1x16xf32> to vector<16xf32>
      %swap3A_160 = vector.shape_cast %broadcast_in_dim3A_3 : vector<16xf32> to vector<1x16xf32>
      tpu.vector_store %arg18[%swap3A_156, %swap3A_157], %swap3A_160 {strides = array<i32>} : memref<80x64xf32, #tpu.memory_space<vmem>>, vector<1x16xf32>,
      %swap3A_161 = arith.index_cast %scan3A_151 : i32 to index
      %swap3A_162 = arith.constant 32 : index
      %swap3A_163 = tpu.vector_load %arg18[%swap3A_161, %swap3A_162] {strides = array<i32>} : memref<80x64xf32, #tpu.memory_space<vmem>>, vector<1x16xf32>,
      %swap3A_164 = vector.shape_cast %swap3A_163 : vector<1x16xf32> to vector<16xf32>
      %swap3A_165 = vector.shape_cast %broadcast_in_dim3A_3 : vector<16xf32> to vector<1x16xf32>
      tpu.vector_store %arg18[%swap3A_161, %swap3A_162], %swap3A_165 {strides = array<i32>} : memref<80x64xf32, #tpu.memory_space<vmem>>, vector<1x16xf32>,
      %swap3A_166 = arith.index_cast %scan3A_151 : i32 to index
      %swap3A_167 = arith.constant 48 : index
      %swap3A_168 = tpu.vector_load %arg18[%swap3A_166, %swap3A_167] {strides = array<i32>} : memref<80x64xf32, #tpu.memory_space<vmem>>, vector<1x16xf32>,
      %swap3A_169 = vector.shape_cast %swap3A_168 : vector<1x16xf32> to vector<16xf32>
      %swap3A_170 = vector.shape_cast %broadcast_in_dim3A_3 : vector<16xf32> to vector<1x16xf32>
      tpu.vector_store %arg18[%swap3A_166, %swap3A_167], %swap3A_170 {strides = array<i32>} : memref<80x64xf32, #tpu.memory_space<vmem>>, vector<1x16xf32>,
    }
    %scan3A_8 = arith.constant 80 : i32
    %add3A_9 = arith.constant 0 : i32
    %add3A_10 = arith.addi %arg1, %add3A_9 : i32
    %lt3A = arith.constant 125 : i32
    %lt3A_11 = arith.cmpi slt, %add3A_10, %lt3A : i32
    %convert_element_type3A = arith.extui %lt3A_11 : i1 to i32
    %cond3A = arith.constant 0 : i32
    %cond3A_12 = arith.cmpi ne, %convert_element_type3A, %cond3A : i32
    scf.if %cond3A_12 {
      %mul3A_151 = arith.constant 80 : i32
      %mul3A_152 = arith.muli %add3A_10, %mul3A_151 : i32
      "tpu.region"() ({
        %run_scoped3A = tpu.sem_alloc : memref<!tpu.dma_semaphore, #tpu.memory_space<semaphore_mem>>
        %dma_start3A_153 = arith.constant 0 : i32
        %dma_start3A_154 = tpu.memref_slice %arg19[%mul3A_152, %dma_start3A_153] : memref<10000x64xf32, #tpu.memory_space<vmem_shared>> -> memref<80x64xf32, #tpu.memory_space<vmem_shared>>
        %dma_start3A_155 = arith.constant 0 : i32
        %dma_start3A_156 = tpu.memref_slice %arg19[%mul3A_152, %dma_start3A_155] : memref<10000x64xf32, #tpu.memory_space<vmem_shared>> -> memref<80x64xf32, #tpu.memory_space<vmem_shared>>
        tpu.enqueue_dma source(%arg18 : memref<80x64xf32, #tpu.memory_space<vmem>>) target(%dma_start3A_156 : memref<80x64xf32, #tpu.memory_space<vmem_shared>>) target_semaphore(%run_scoped3A : memref<!tpu.dma_semaphore, #tpu.memory_space<semaphore_mem>>)
        %dma_wait3A_157 = arith.constant 0 : i32
        %dma_wait3A_158 = tpu.memref_slice %arg19[%mul3A_152, %dma_wait3A_157] : memref<10000x64xf32, #tpu.memory_space<vmem_shared>> -> memref<80x64xf32, #tpu.memory_space<vmem_shared>>
        %dma_wait3A_159 = arith.constant 0 : i32
        %dma_wait3A_160 = tpu.memref_slice %arg19[%mul3A_152, %dma_wait3A_159] : memref<10000x64xf32, #tpu.memory_space<vmem_shared>> -> memref<80x64xf32, #tpu.memory_space<vmem_shared>>
        tpu.wait_dma2 semaphore(%run_scoped3A : memref<!tpu.dma_semaphore, #tpu.memory_space<semaphore_mem>>) src(%arg18 : memref<80x64xf32, #tpu.memory_space<vmem>>) dst(%dma_wait3A_160 : memref<80x64xf32, #tpu.memory_space<vmem_shared>>)
        tpu.yield
      }) : () -> ()
    } else {
    }
    %add3A_13 = arith.constant 16 : i32
    %add3A_14 = arith.addi %arg1, %add3A_13 : i32
    %lt3A_15 = arith.constant 125 : i32
    %lt3A_16 = arith.cmpi slt, %add3A_14, %lt3A_15 : i32
    %convert_element_type3A_17 = arith.extui %lt3A_16 : i1 to i32
    %cond3A_18 = arith.constant 0 : i32
    %cond3A_19 = arith.cmpi ne, %convert_element_type3A_17, %cond3A_18 : i32
    scf.if %cond3A_19 {
      %mul3A_151 = arith.constant 80 : i32
      %mul3A_152 = arith.muli %add3A_14, %mul3A_151 : i32
      "tpu.region"() ({
        %run_scoped3A = tpu.sem_alloc : memref<!tpu.dma_semaphore, #tpu.memory_space<semaphore_mem>>
        %dma_start3A_153 = arith.constant 0 : i32
        %dma_start3A_154 = tpu.memref_slice %arg19[%mul3A_152, %dma_start3A_153] : memref<10000x64xf32, #tpu.memory_space<vmem_shared>> -> memref<80x64xf32, #tpu.memory_space<vmem_shared>>
        %dma_start3A_155 = arith.constant 0 : i32
        %dma_start3A_156 = tpu.memref_slice %arg19[%mul3A_152, %dma_start3A_155] : memref<10000x64xf32, #tpu.memory_space<vmem_shared>> -> memref<80x64xf32, #tpu.memory_space<vmem_shared>>
        tpu.enqueue_dma source(%arg18 : memref<80x64xf32, #tpu.memory_space<vmem>>) target(%dma_start3A_156 : memref<80x64xf32, #tpu.memory_space<vmem_shared>>) target_semaphore(%run_scoped3A : memref<!tpu.dma_semaphore, #tpu.memory_space<semaphore_mem>>)
        %dma_wait3A_157 = arith.constant 0 : i32
        %dma_wait3A_158 = tpu.memref_slice %arg19[%mul3A_152, %dma_wait3A_157] : memref<10000x64xf32, #tpu.memory_space<vmem_shared>> -> memref<80x64xf32, #tpu.memory_space<vmem_shared>>
        %dma_wait3A_159 = arith.constant 0 : i32
        %dma_wait3A_160 = tpu.memref_slice %arg19[%mul3A_152, %dma_wait3A_159] : memref<10000x64xf32, #tpu.memory_space<vmem_shared>> -> memref<80x64xf32, #tpu.memory_space<vmem_shared>>
        tpu.wait_dma2 semaphore(%run_scoped3A : memref<!tpu.dma_semaphore, #tpu.memory_space<semaphore_mem>>) src(%arg18 : memref<80x64xf32, #tpu.memory_space<vmem>>) dst(%dma_wait3A_160 : memref<80x64xf32, #tpu.memory_space<vmem_shared>>)
        tpu.yield
      }) : () -> ()
    } else {
    }
    %add3A_20 = arith.constant 32 : i32
    %add3A_21 = arith.addi %arg1, %add3A_20 : i32
    %lt3A_22 = arith.constant 125 : i32
    %lt3A_23 = arith.cmpi slt, %add3A_21, %lt3A_22 : i32
    %convert_element_type3A_24 = arith.extui %lt3A_23 : i1 to i32
    %cond3A_25 = arith.constant 0 : i32
    %cond3A_26 = arith.cmpi ne, %convert_element_type3A_24, %cond3A_25 : i32
    scf.if %cond3A_26 {
      %mul3A_151 = arith.constant 80 : i32
      %mul3A_152 = arith.muli %add3A_21, %mul3A_151 : i32
      "tpu.region"() ({
        %run_scoped3A = tpu.sem_alloc : memref<!tpu.dma_semaphore, #tpu.memory_space<semaphore_mem>>
        %dma_start3A_153 = arith.constant 0 : i32
        %dma_start3A_154 = tpu.memref_slice %arg19[%mul3A_152, %dma_start3A_153] : memref<10000x64xf32, #tpu.memory_space<vmem_shared>> -> memref<80x64xf32, #tpu.memory_space<vmem_shared>>
        %dma_start3A_155 = arith.constant 0 : i32
        %dma_start3A_156 = tpu.memref_slice %arg19[%mul3A_152, %dma_start3A_155] : memref<10000x64xf32, #tpu.memory_space<vmem_shared>> -> memref<80x64xf32, #tpu.memory_space<vmem_shared>>
        tpu.enqueue_dma source(%arg18 : memref<80x64xf32, #tpu.memory_space<vmem>>) target(%dma_start3A_156 : memref<80x64xf32, #tpu.memory_space<vmem_shared>>) target_semaphore(%run_scoped3A : memref<!tpu.dma_semaphore, #tpu.memory_space<semaphore_mem>>)
        %dma_wait3A_157 = arith.constant 0 : i32
        %dma_wait3A_158 = tpu.memref_slice %arg19[%mul3A_152, %dma_wait3A_157] : memref<10000x64xf32, #tpu.memory_space<vmem_shared>> -> memref<80x64xf32, #tpu.memory_space<vmem_shared>>
        %dma_wait3A_159 = arith.constant 0 : i32
        %dma_wait3A_160 = tpu.memref_slice %arg19[%mul3A_152, %dma_wait3A_159] : memref<10000x64xf32, #tpu.memory_space<vmem_shared>> -> memref<80x64xf32, #tpu.memory_space<vmem_shared>>
        tpu.wait_dma2 semaphore(%run_scoped3A : memref<!tpu.dma_semaphore, #tpu.memory_space<semaphore_mem>>) src(%arg18 : memref<80x64xf32, #tpu.memory_space<vmem>>) dst(%dma_wait3A_160 : memref<80x64xf32, #tpu.memory_space<vmem_shared>>)
        tpu.yield
      }) : () -> ()
    } else {
    }
    %add3A_27 = arith.constant 48 : i32
    %add3A_28 = arith.addi %arg1, %add3A_27 : i32
    %lt3A_29 = arith.constant 125 : i32
    %lt3A_30 = arith.cmpi slt, %add3A_28, %lt3A_29 : i32
    %convert_element_type3A_31 = arith.extui %lt3A_30 : i1 to i32
    %cond3A_32 = arith.constant 0 : i32
    %cond3A_33 = arith.cmpi ne, %convert_element_type3A_31, %cond3A_32 : i32
    scf.if %cond3A_33 {
      %mul3A_151 = arith.constant 80 : i32
      %mul3A_152 = arith.muli %add3A_28, %mul3A_151 : i32
      "tpu.region"() ({
        %run_scoped3A = tpu.sem_alloc : memref<!tpu.dma_semaphore, #tpu.memory_space<semaphore_mem>>
        %dma_start3A_153 = arith.constant 0 : i32
        %dma_start3A_154 = tpu.memref_slice %arg19[%mul3A_152, %dma_start3A_153] : memref<10000x64xf32, #tpu.memory_space<vmem_shared>> -> memref<80x64xf32, #tpu.memory_space<vmem_shared>>
        %dma_start3A_155 = arith.constant 0 : i32
        %dma_start3A_156 = tpu.memref_slice %arg19[%mul3A_152, %dma_start3A_155] : memref<10000x64xf32, #tpu.memory_space<vmem_shared>> -> memref<80x64xf32, #tpu.memory_space<vmem_shared>>
        tpu.enqueue_dma source(%arg18 : memref<80x64xf32, #tpu.memory_space<vmem>>) target(%dma_start3A_156 : memref<80x64xf32, #tpu.memory_space<vmem_shared>>) target_semaphore(%run_scoped3A : memref<!tpu.dma_semaphore, #tpu.memory_space<semaphore_mem>>)
        %dma_wait3A_157 = arith.constant 0 : i32
        %dma_wait3A_158 = tpu.memref_slice %arg19[%mul3A_152, %dma_wait3A_157] : memref<10000x64xf32, #tpu.memory_space<vmem_shared>> -> memref<80x64xf32, #tpu.memory_space<vmem_shared>>
        %dma_wait3A_159 = arith.constant 0 : i32
        %dma_wait3A_160 = tpu.memref_slice %arg19[%mul3A_152, %dma_wait3A_159] : memref<10000x64xf32, #tpu.memory_space<vmem_shared>> -> memref<80x64xf32, #tpu.memory_space<vmem_shared>>
        tpu.wait_dma2 semaphore(%run_scoped3A : memref<!tpu.dma_semaphore, #tpu.memory_space<semaphore_mem>>) src(%arg18 : memref<80x64xf32, #tpu.memory_space<vmem>>) dst(%dma_wait3A_160 : memref<80x64xf32, #tpu.memory_space<vmem_shared>>)
        tpu.yield
      }) : () -> ()
    } else {
    }
    %add3A_34 = arith.constant 64 : i32
    %add3A_35 = arith.addi %arg1, %add3A_34 : i32
    %lt3A_36 = arith.constant 125 : i32
    %lt3A_37 = arith.cmpi slt, %add3A_35, %lt3A_36 : i32
    %convert_element_type3A_38 = arith.extui %lt3A_37 : i1 to i32
    %cond3A_39 = arith.constant 0 : i32
    %cond3A_40 = arith.cmpi ne, %convert_element_type3A_38, %cond3A_39 : i32
    scf.if %cond3A_40 {
      %mul3A_151 = arith.constant 80 : i32
      %mul3A_152 = arith.muli %add3A_35, %mul3A_151 : i32
      "tpu.region"() ({
        %run_scoped3A = tpu.sem_alloc : memref<!tpu.dma_semaphore, #tpu.memory_space<semaphore_mem>>
        %dma_start3A_153 = arith.constant 0 : i32
        %dma_start3A_154 = tpu.memref_slice %arg19[%mul3A_152, %dma_start3A_153] : memref<10000x64xf32, #tpu.memory_space<vmem_shared>> -> memref<80x64xf32, #tpu.memory_space<vmem_shared>>
        %dma_start3A_155 = arith.constant 0 : i32
        %dma_start3A_156 = tpu.memref_slice %arg19[%mul3A_152, %dma_start3A_155] : memref<10000x64xf32, #tpu.memory_space<vmem_shared>> -> memref<80x64xf32, #tpu.memory_space<vmem_shared>>
        tpu.enqueue_dma source(%arg18 : memref<80x64xf32, #tpu.memory_space<vmem>>) target(%dma_start3A_156 : memref<80x64xf32, #tpu.memory_space<vmem_shared>>) target_semaphore(%run_scoped3A : memref<!tpu.dma_semaphore, #tpu.memory_space<semaphore_mem>>)
        %dma_wait3A_157 = arith.constant 0 : i32
        %dma_wait3A_158 = tpu.memref_slice %arg19[%mul3A_152, %dma_wait3A_157] : memref<10000x64xf32, #tpu.memory_space<vmem_shared>> -> memref<80x64xf32, #tpu.memory_space<vmem_shared>>
        %dma_wait3A_159 = arith.constant 0 : i32
        %dma_wait3A_160 = tpu.memref_slice %arg19[%mul3A_152, %dma_wait3A_159] : memref<10000x64xf32, #tpu.memory_space<vmem_shared>> -> memref<80x64xf32, #tpu.memory_space<vmem_shared>>
        tpu.wait_dma2 semaphore(%run_scoped3A : memref<!tpu.dma_semaphore, #tpu.memory_space<semaphore_mem>>) src(%arg18 : memref<80x64xf32, #tpu.memory_space<vmem>>) dst(%dma_wait3A_160 : memref<80x64xf32, #tpu.memory_space<vmem_shared>>)
        tpu.yield
      }) : () -> ()
    } else {
    }
    %add3A_41 = arith.constant 80 : i32
    %add3A_42 = arith.addi %arg1, %add3A_41 : i32
    %lt3A_43 = arith.constant 125 : i32
    %lt3A_44 = arith.cmpi slt, %add3A_42, %lt3A_43 : i32
    %convert_element_type3A_45 = arith.extui %lt3A_44 : i1 to i32
    %cond3A_46 = arith.constant 0 : i32
    %cond3A_47 = arith.cmpi ne, %convert_element_type3A_45, %cond3A_46 : i32
    scf.if %cond3A_47 {
      %mul3A_151 = arith.constant 80 : i32
      %mul3A_152 = arith.muli %add3A_42, %mul3A_151 : i32
      "tpu.region"() ({
        %run_scoped3A = tpu.sem_alloc : memref<!tpu.dma_semaphore, #tpu.memory_space<semaphore_mem>>
        %dma_start3A_153 = arith.constant 0 : i32
        %dma_start3A_154 = tpu.memref_slice %arg19[%mul3A_152, %dma_start3A_153] : memref<10000x64xf32, #tpu.memory_space<vmem_shared>> -> memref<80x64xf32, #tpu.memory_space<vmem_shared>>
        %dma_start3A_155 = arith.constant 0 : i32
        %dma_start3A_156 = tpu.memref_slice %arg19[%mul3A_152, %dma_start3A_155] : memref<10000x64xf32, #tpu.memory_space<vmem_shared>> -> memref<80x64xf32, #tpu.memory_space<vmem_shared>>
        tpu.enqueue_dma source(%arg18 : memref<80x64xf32, #tpu.memory_space<vmem>>) target(%dma_start3A_156 : memref<80x64xf32, #tpu.memory_space<vmem_shared>>) target_semaphore(%run_scoped3A : memref<!tpu.dma_semaphore, #tpu.memory_space<semaphore_mem>>)
        %dma_wait3A_157 = arith.constant 0 : i32
        %dma_wait3A_158 = tpu.memref_slice %arg19[%mul3A_152, %dma_wait3A_157] : memref<10000x64xf32, #tpu.memory_space<vmem_shared>> -> memref<80x64xf32, #tpu.memory_space<vmem_shared>>
        %dma_wait3A_159 = arith.constant 0 : i32
        %dma_wait3A_160 = tpu.memref_slice %arg19[%mul3A_152, %dma_wait3A_159] : memref<10000x64xf32, #tpu.memory_space<vmem_shared>> -> memref<80x64xf32, #tpu.memory_space<vmem_shared>>
        tpu.wait_dma2 semaphore(%run_scoped3A : memref<!tpu.dma_semaphore, #tpu.memory_space<semaphore_mem>>) src(%arg18 : memref<80x64xf32, #tpu.memory_space<vmem>>) dst(%dma_wait3A_160 : memref<80x64xf32, #tpu.memory_space<vmem_shared>>)
        tpu.yield
      }) : () -> ()
    } else {
    }
    %add3A_48 = arith.constant 96 : i32
    %add3A_49 = arith.addi %arg1, %add3A_48 : i32
    %lt3A_50 = arith.constant 125 : i32
    %lt3A_51 = arith.cmpi slt, %add3A_49, %lt3A_50 : i32
    %convert_element_type3A_52 = arith.extui %lt3A_51 : i1 to i32
    %cond3A_53 = arith.constant 0 : i32
    %cond3A_54 = arith.cmpi ne, %convert_element_type3A_52, %cond3A_53 : i32
    scf.if %cond3A_54 {
      %mul3A_151 = arith.constant 80 : i32
      %mul3A_152 = arith.muli %add3A_49, %mul3A_151 : i32
      "tpu.region"() ({
        %run_scoped3A = tpu.sem_alloc : memref<!tpu.dma_semaphore, #tpu.memory_space<semaphore_mem>>
        %dma_start3A_153 = arith.constant 0 : i32
        %dma_start3A_154 = tpu.memref_slice %arg19[%mul3A_152, %dma_start3A_153] : memref<10000x64xf32, #tpu.memory_space<vmem_shared>> -> memref<80x64xf32, #tpu.memory_space<vmem_shared>>
        %dma_start3A_155 = arith.constant 0 : i32
        %dma_start3A_156 = tpu.memref_slice %arg19[%mul3A_152, %dma_start3A_155] : memref<10000x64xf32, #tpu.memory_space<vmem_shared>> -> memref<80x64xf32, #tpu.memory_space<vmem_shared>>
        tpu.enqueue_dma source(%arg18 : memref<80x64xf32, #tpu.memory_space<vmem>>) target(%dma_start3A_156 : memref<80x64xf32, #tpu.memory_space<vmem_shared>>) target_semaphore(%run_scoped3A : memref<!tpu.dma_semaphore, #tpu.memory_space<semaphore_mem>>)
        %dma_wait3A_157 = arith.constant 0 : i32
        %dma_wait3A_158 = tpu.memref_slice %arg19[%mul3A_152, %dma_wait3A_157] : memref<10000x64xf32, #tpu.memory_space<vmem_shared>> -> memref<80x64xf32, #tpu.memory_space<vmem_shared>>
        %dma_wait3A_159 = arith.constant 0 : i32
        %dma_wait3A_160 = tpu.memref_slice %arg19[%mul3A_152, %dma_wait3A_159] : memref<10000x64xf32, #tpu.memory_space<vmem_shared>> -> memref<80x64xf32, #tpu.memory_space<vmem_shared>>
        tpu.wait_dma2 semaphore(%run_scoped3A : memref<!tpu.dma_semaphore, #tpu.memory_space<semaphore_mem>>) src(%arg18 : memref<80x64xf32, #tpu.memory_space<vmem>>) dst(%dma_wait3A_160 : memref<80x64xf32, #tpu.memory_space<vmem_shared>>)
        tpu.yield
      }) : () -> ()
    } else {
    }
    %add3A_55 = arith.constant 112 : i32
    %add3A_56 = arith.addi %arg1, %add3A_55 : i32
    %lt3A_57 = arith.constant 125 : i32
    %lt3A_58 = arith.cmpi slt, %add3A_56, %lt3A_57 : i32
    %convert_element_type3A_59 = arith.extui %lt3A_58 : i1 to i32
    %cond3A_60 = arith.constant 0 : i32
    %cond3A_61 = arith.cmpi ne, %convert_element_type3A_59, %cond3A_60 : i32
    scf.if %cond3A_61 {
      %mul3A_151 = arith.constant 80 : i32
      %mul3A_152 = arith.muli %add3A_56, %mul3A_151 : i32
      "tpu.region"() ({
        %run_scoped3A = tpu.sem_alloc : memref<!tpu.dma_semaphore, #tpu.memory_space<semaphore_mem>>
        %dma_start3A_153 = arith.constant 0 : i32
        %dma_start3A_154 = tpu.memref_slice %arg19[%mul3A_152, %dma_start3A_153] : memref<10000x64xf32, #tpu.memory_space<vmem_shared>> -> memref<80x64xf32, #tpu.memory_space<vmem_shared>>
        %dma_start3A_155 = arith.constant 0 : i32
        %dma_start3A_156 = tpu.memref_slice %arg19[%mul3A_152, %dma_start3A_155] : memref<10000x64xf32, #tpu.memory_space<vmem_shared>> -> memref<80x64xf32, #tpu.memory_space<vmem_shared>>
        tpu.enqueue_dma source(%arg18 : memref<80x64xf32, #tpu.memory_space<vmem>>) target(%dma_start3A_156 : memref<80x64xf32, #tpu.memory_space<vmem_shared>>) target_semaphore(%run_scoped3A : memref<!tpu.dma_semaphore, #tpu.memory_space<semaphore_mem>>)
        %dma_wait3A_157 = arith.constant 0 : i32
        %dma_wait3A_158 = tpu.memref_slice %arg19[%mul3A_152, %dma_wait3A_157] : memref<10000x64xf32, #tpu.memory_space<vmem_shared>> -> memref<80x64xf32, #tpu.memory_space<vmem_shared>>
        %dma_wait3A_159 = arith.constant 0 : i32
        %dma_wait3A_160 = tpu.memref_slice %arg19[%mul3A_152, %dma_wait3A_159] : memref<10000x64xf32, #tpu.memory_space<vmem_shared>> -> memref<80x64xf32, #tpu.memory_space<vmem_shared>>
        tpu.wait_dma2 semaphore(%run_scoped3A : memref<!tpu.dma_semaphore, #tpu.memory_space<semaphore_mem>>) src(%arg18 : memref<80x64xf32, #tpu.memory_space<vmem>>) dst(%dma_wait3A_160 : memref<80x64xf32, #tpu.memory_space<vmem_shared>>)
        tpu.yield
      }) : () -> ()
    } else {
    }
    %barrier3A = arith.constant 0 : index
    tpu.barrier barrier_id(%barrier3A)
    %add3A_62 = arith.constant 0 : i32
    %add3A_63 = arith.addi %mul3A_2, %add3A_62 : i32
    "tpu.region"() ({
      %run_scoped3A = tpu.sem_alloc : memref<!tpu.dma_semaphore, #tpu.memory_space<semaphore_mem>>
      %dma_start3A_151 = tpu.memref_slice %arg3[%add3A_63] : memref<320256xi32, #tpu.memory_space<hbm>> -> memref<128xi32, #tpu.memory_space<hbm>>
      %dma_start3A_152 = tpu.memref_slice %arg3[%add3A_63] : memref<320256xi32, #tpu.memory_space<hbm>> -> memref<128xi32, #tpu.memory_space<hbm>>
      tpu.enqueue_dma source(%dma_start3A_152 : memref<128xi32, #tpu.memory_space<hbm>>) target(%arg6 : memref<128xi32, #tpu.memory_space<vmem>>) target_semaphore(%run_scoped3A : memref<!tpu.dma_semaphore, #tpu.memory_space<semaphore_mem>>)
      %dma_wait3A_153 = tpu.memref_slice %arg3[%add3A_63] : memref<320256xi32, #tpu.memory_space<hbm>> -> memref<128xi32, #tpu.memory_space<hbm>>
      %dma_wait3A_154 = tpu.memref_slice %arg3[%add3A_63] : memref<320256xi32, #tpu.memory_space<hbm>> -> memref<128xi32, #tpu.memory_space<hbm>>
      tpu.wait_dma2 semaphore(%run_scoped3A : memref<!tpu.dma_semaphore, #tpu.memory_space<semaphore_mem>>) src(%dma_wait3A_154 : memref<128xi32, #tpu.memory_space<hbm>>) dst(%arg6 : memref<128xi32, #tpu.memory_space<vmem>>)
      tpu.yield
    }) : () -> ()
    %add3A_64 = arith.constant 0 : i32
    %add3A_65 = arith.addi %mul3A_2, %add3A_64 : i32
    "tpu.region"() ({
      %run_scoped3A = tpu.sem_alloc : memref<!tpu.dma_semaphore, #tpu.memory_space<semaphore_mem>>
      %dma_start3A_151 = tpu.memref_slice %arg4[%add3A_65] : memref<320256xi32, #tpu.memory_space<hbm>> -> memref<128xi32, #tpu.memory_space<hbm>>
      %dma_start3A_152 = tpu.memref_slice %arg4[%add3A_65] : memref<320256xi32, #tpu.memory_space<hbm>> -> memref<128xi32, #tpu.memory_space<hbm>>
      tpu.enqueue_dma source(%dma_start3A_152 : memref<128xi32, #tpu.memory_space<hbm>>) target(%arg9 : memref<128xi32, #tpu.memory_space<vmem>>) target_semaphore(%run_scoped3A : memref<!tpu.dma_semaphore, #tpu.memory_space<semaphore_mem>>)
      %dma_wait3A_153 = tpu.memref_slice %arg4[%add3A_65] : memref<320256xi32, #tpu.memory_space<hbm>> -> memref<128xi32, #tpu.memory_space<hbm>>
      %dma_wait3A_154 = tpu.memref_slice %arg4[%add3A_65] : memref<320256xi32, #tpu.memory_space<hbm>> -> memref<128xi32, #tpu.memory_space<hbm>>
      tpu.wait_dma2 semaphore(%run_scoped3A : memref<!tpu.dma_semaphore, #tpu.memory_space<semaphore_mem>>) src(%dma_wait3A_154 : memref<128xi32, #tpu.memory_space<hbm>>) dst(%arg9 : memref<128xi32, #tpu.memory_space<vmem>>)
      tpu.yield
    }) : () -> ()
    %dma_start3A = arith.constant 0 : i32
    %dma_start3A_66 = arith.constant 0 : i32
    %dma_start3A_67 = tpu.memref_slice %arg2[%dma_start3A, %dma_start3A_66] : memref<10000x64xf32, #tpu.memory_space<hbm>> -> memref<10000x64xf32, #tpu.memory_space<hbm>>
    tpu.enqueue_indirect_dma source(%dma_start3A_67 : memref<10000x64xf32, #tpu.memory_space<hbm>>) target(%arg12 : memref<128x64xf32, #tpu.memory_space<vmem>>) offsets(%arg6 : memref<128xi32, #tpu.memory_space<vmem>>) semaphore(%arg20 : memref<!tpu.dma_semaphore, #tpu.memory_space<semaphore_mem>>)
    %add3A_68 = arith.constant 128 : i32
    %add3A_69 = arith.addi %mul3A_2, %add3A_68 : i32
    "tpu.region"() ({
      %run_scoped3A = tpu.sem_alloc : memref<!tpu.dma_semaphore, #tpu.memory_space<semaphore_mem>>
      %dma_start3A_151 = tpu.memref_slice %arg3[%add3A_69] : memref<320256xi32, #tpu.memory_space<hbm>> -> memref<128xi32, #tpu.memory_space<hbm>>
      %dma_start3A_152 = tpu.memref_slice %arg3[%add3A_69] : memref<320256xi32, #tpu.memory_space<hbm>> -> memref<128xi32, #tpu.memory_space<hbm>>
      tpu.enqueue_dma source(%dma_start3A_152 : memref<128xi32, #tpu.memory_space<hbm>>) target(%arg7 : memref<128xi32, #tpu.memory_space<vmem>>) target_semaphore(%run_scoped3A : memref<!tpu.dma_semaphore, #tpu.memory_space<semaphore_mem>>)
      %dma_wait3A_153 = tpu.memref_slice %arg3[%add3A_69] : memref<320256xi32, #tpu.memory_space<hbm>> -> memref<128xi32, #tpu.memory_space<hbm>>
      %dma_wait3A_154 = tpu.memref_slice %arg3[%add3A_69] : memref<320256xi32, #tpu.memory_space<hbm>> -> memref<128xi32, #tpu.memory_space<hbm>>
      tpu.wait_dma2 semaphore(%run_scoped3A : memref<!tpu.dma_semaphore, #tpu.memory_space<semaphore_mem>>) src(%dma_wait3A_154 : memref<128xi32, #tpu.memory_space<hbm>>) dst(%arg7 : memref<128xi32, #tpu.memory_space<vmem>>)
      tpu.yield
    }) : () -> ()
    %add3A_70 = arith.constant 128 : i32
    %add3A_71 = arith.addi %mul3A_2, %add3A_70 : i32
    "tpu.region"() ({
      %run_scoped3A = tpu.sem_alloc : memref<!tpu.dma_semaphore, #tpu.memory_space<semaphore_mem>>
      %dma_start3A_151 = tpu.memref_slice %arg4[%add3A_71] : memref<320256xi32, #tpu.memory_space<hbm>> -> memref<128xi32, #tpu.memory_space<hbm>>
      %dma_start3A_152 = tpu.memref_slice %arg4[%add3A_71] : memref<320256xi32, #tpu.memory_space<hbm>> -> memref<128xi32, #tpu.memory_space<hbm>>
      tpu.enqueue_dma source(%dma_start3A_152 : memref<128xi32, #tpu.memory_space<hbm>>) target(%arg10 : memref<128xi32, #tpu.memory_space<vmem>>) target_semaphore(%run_scoped3A : memref<!tpu.dma_semaphore, #tpu.memory_space<semaphore_mem>>)
      %dma_wait3A_153 = tpu.memref_slice %arg4[%add3A_71] : memref<320256xi32, #tpu.memory_space<hbm>> -> memref<128xi32, #tpu.memory_space<hbm>>
      %dma_wait3A_154 = tpu.memref_slice %arg4[%add3A_71] : memref<320256xi32, #tpu.memory_space<hbm>> -> memref<128xi32, #tpu.memory_space<hbm>>
      tpu.wait_dma2 semaphore(%run_scoped3A : memref<!tpu.dma_semaphore, #tpu.memory_space<semaphore_mem>>) src(%dma_wait3A_154 : memref<128xi32, #tpu.memory_space<hbm>>) dst(%arg10 : memref<128xi32, #tpu.memory_space<vmem>>)
      tpu.yield
    }) : () -> ()
    %dma_start3A_72 = arith.constant 0 : i32
    %dma_start3A_73 = arith.constant 0 : i32
    %dma_start3A_74 = tpu.memref_slice %arg2[%dma_start3A_72, %dma_start3A_73] : memref<10000x64xf32, #tpu.memory_space<hbm>> -> memref<10000x64xf32, #tpu.memory_space<hbm>>
    tpu.enqueue_indirect_dma source(%dma_start3A_74 : memref<10000x64xf32, #tpu.memory_space<hbm>>) target(%arg13 : memref<128x64xf32, #tpu.memory_space<vmem>>) offsets(%arg7 : memref<128xi32, #tpu.memory_space<vmem>>) semaphore(%arg21 : memref<!tpu.dma_semaphore, #tpu.memory_space<semaphore_mem>>)
    %scan3A_75 = arith.constant 0 : i32
    %scan3A_76 = arith.constant 0 : i32
    %scan3A_77 = arith.constant 26 : i32
    %scan3A_78 = arith.addi %scan3A_76, %scan3A_77 : i32
    %scan3A_79 = arith.constant 1 : i32
    scf.for %scan3A_151 = %scan3A_76 to %scan3A_78 step %scan3A_79  : i32 {
      %mul3A_152 = arith.constant 3 : i32
      %mul3A_153 = arith.muli %scan3A_151, %mul3A_152 : i32
      %add3A_154 = arith.constant 0 : i32
      %add3A_155 = arith.addi %mul3A_153, %add3A_154 : i32
      %add3A_156 = arith.constant 3 : i32
      %add3A_157 = arith.addi %add3A_155, %add3A_156 : i32
      %sub3A = arith.constant 1 : i32
      %sub3A_158 = arith.subi %add3A_157, %sub3A : i32
      %mul3A_159 = arith.constant 128 : i32
      %mul3A_160 = arith.muli %sub3A_158, %mul3A_159 : i32
      %add3A_161 = arith.addi %mul3A_2, %mul3A_160 : i32
      "tpu.region"() ({
        %run_scoped3A = tpu.sem_alloc : memref<!tpu.dma_semaphore, #tpu.memory_space<semaphore_mem>>
        %dma_start3A_202 = tpu.memref_slice %arg3[%add3A_161] : memref<320256xi32, #tpu.memory_space<hbm>> -> memref<128xi32, #tpu.memory_space<hbm>>
        %dma_start3A_203 = tpu.memref_slice %arg3[%add3A_161] : memref<320256xi32, #tpu.memory_space<hbm>> -> memref<128xi32, #tpu.memory_space<hbm>>
        tpu.enqueue_dma source(%dma_start3A_203 : memref<128xi32, #tpu.memory_space<hbm>>) target(%arg8 : memref<128xi32, #tpu.memory_space<vmem>>) target_semaphore(%run_scoped3A : memref<!tpu.dma_semaphore, #tpu.memory_space<semaphore_mem>>)
        %dma_wait3A_204 = tpu.memref_slice %arg3[%add3A_161] : memref<320256xi32, #tpu.memory_space<hbm>> -> memref<128xi32, #tpu.memory_space<hbm>>
        %dma_wait3A_205 = tpu.memref_slice %arg3[%add3A_161] : memref<320256xi32, #tpu.memory_space<hbm>> -> memref<128xi32, #tpu.memory_space<hbm>>
        tpu.wait_dma2 semaphore(%run_scoped3A : memref<!tpu.dma_semaphore, #tpu.memory_space<semaphore_mem>>) src(%dma_wait3A_205 : memref<128xi32, #tpu.memory_space<hbm>>) dst(%arg8 : memref<128xi32, #tpu.memory_space<vmem>>)
        tpu.yield
      }) : () -> ()
      "tpu.region"() ({
        %run_scoped3A = tpu.sem_alloc : memref<!tpu.dma_semaphore, #tpu.memory_space<semaphore_mem>>
        %dma_start3A_202 = tpu.memref_slice %arg4[%add3A_161] : memref<320256xi32, #tpu.memory_space<hbm>> -> memref<128xi32, #tpu.memory_space<hbm>>
        %dma_start3A_203 = tpu.memref_slice %arg4[%add3A_161] : memref<320256xi32, #tpu.memory_space<hbm>> -> memref<128xi32, #tpu.memory_space<hbm>>
        tpu.enqueue_dma source(%dma_start3A_203 : memref<128xi32, #tpu.memory_space<hbm>>) target(%arg11 : memref<128xi32, #tpu.memory_space<vmem>>) target_semaphore(%run_scoped3A : memref<!tpu.dma_semaphore, #tpu.memory_space<semaphore_mem>>)
        %dma_wait3A_204 = tpu.memref_slice %arg4[%add3A_161] : memref<320256xi32, #tpu.memory_space<hbm>> -> memref<128xi32, #tpu.memory_space<hbm>>
        %dma_wait3A_205 = tpu.memref_slice %arg4[%add3A_161] : memref<320256xi32, #tpu.memory_space<hbm>> -> memref<128xi32, #tpu.memory_space<hbm>>
        tpu.wait_dma2 semaphore(%run_scoped3A : memref<!tpu.dma_semaphore, #tpu.memory_space<semaphore_mem>>) src(%dma_wait3A_205 : memref<128xi32, #tpu.memory_space<hbm>>) dst(%arg11 : memref<128xi32, #tpu.memory_space<vmem>>)
        tpu.yield
      }) : () -> ()
      %dma_wait3A_162 = arith.constant 0 : i32
      %dma_wait3A_163 = arith.constant 0 : i32
      %dma_wait3A_164 = tpu.memref_slice %arg2[%dma_wait3A_162, %dma_wait3A_163] : memref<10000x64xf32, #tpu.memory_space<hbm>> -> memref<10000x64xf32, #tpu.memory_space<hbm>>
      tpu.wait_indirect_dma semaphore(%arg20 : memref<!tpu.dma_semaphore, #tpu.memory_space<semaphore_mem>>) src(%dma_wait3A_164 : memref<10000x64xf32, #tpu.memory_space<hbm>>) dst(%arg12 : memref<128x64xf32, #tpu.memory_space<vmem>>)
      %dma_start3A_165 = arith.constant 0 : i32
      %dma_start3A_166 = arith.constant 0 : i32
      %dma_start3A_167 = tpu.memref_slice %arg2[%dma_start3A_165, %dma_start3A_166] : memref<10000x64xf32, #tpu.memory_space<hbm>> -> memref<10000x64xf32, #tpu.memory_space<hbm>>
      tpu.enqueue_indirect_dma source(%dma_start3A_167 : memref<10000x64xf32, #tpu.memory_space<hbm>>) target(%arg14 : memref<128x64xf32, #tpu.memory_space<vmem>>) offsets(%arg8 : memref<128xi32, #tpu.memory_space<vmem>>) semaphore(%arg22 : memref<!tpu.dma_semaphore, #tpu.memory_space<semaphore_mem>>)
      "tpu.region"() ({
        %run_scoped3A = tpu.sem_alloc : memref<!tpu.dma_semaphore, #tpu.memory_space<semaphore_mem>>
        %dma_start3A_202 = arith.constant 0 : i32
        %dma_start3A_203 = arith.constant 0 : i32
        %dma_start3A_204 = tpu.memref_slice %arg19[%dma_start3A_202, %dma_start3A_203] : memref<10000x64xf32, #tpu.memory_space<vmem_shared>> -> memref<10000x64xf32, #tpu.memory_space<vmem_shared>>
        tpu.enqueue_indirect_dma source(%arg12 : memref<128x64xf32, #tpu.memory_space<vmem>>) target(%dma_start3A_204 : memref<10000x64xf32, #tpu.memory_space<vmem_shared>>) offsets(%arg9 : memref<128xi32, #tpu.memory_space<vmem>>) semaphore(%run_scoped3A : memref<!tpu.dma_semaphore, #tpu.memory_space<semaphore_mem>>) {add = true}
        %dma_wait3A_205 = arith.constant 0 : i32
        %dma_wait3A_206 = arith.constant 0 : i32
        %dma_wait3A_207 = tpu.memref_slice %arg19[%dma_wait3A_205, %dma_wait3A_206] : memref<10000x64xf32, #tpu.memory_space<vmem_shared>> -> memref<10000x64xf32, #tpu.memory_space<vmem_shared>>
        tpu.wait_indirect_dma semaphore(%run_scoped3A : memref<!tpu.dma_semaphore, #tpu.memory_space<semaphore_mem>>) src(%arg12 : memref<128x64xf32, #tpu.memory_space<vmem>>) dst(%dma_wait3A_207 : memref<10000x64xf32, #tpu.memory_space<vmem_shared>>)
        tpu.yield
      }) : () -> ()
      %mul3A_168 = arith.constant 3 : i32
      %mul3A_169 = arith.muli %scan3A_151, %mul3A_168 : i32
      %add3A_170 = arith.constant 1 : i32
      %add3A_171 = arith.addi %mul3A_169, %add3A_170 : i32
      %add3A_172 = arith.constant 3 : i32
      %add3A_173 = arith.addi %add3A_171, %add3A_172 : i32
      %sub3A_174 = arith.constant 1 : i32
      %sub3A_175 = arith.subi %add3A_173, %sub3A_174 : i32
      %mul3A_176 = arith.constant 128 : i32
      %mul3A_177 = arith.muli %sub3A_175, %mul3A_176 : i32
      %add3A_178 = arith.addi %mul3A_2, %mul3A_177 : i32
      "tpu.region"() ({
        %run_scoped3A = tpu.sem_alloc : memref<!tpu.dma_semaphore, #tpu.memory_space<semaphore_mem>>
        %dma_start3A_202 = tpu.memref_slice %arg3[%add3A_178] : memref<320256xi32, #tpu.memory_space<hbm>> -> memref<128xi32, #tpu.memory_space<hbm>>
        %dma_start3A_203 = tpu.memref_slice %arg3[%add3A_178] : memref<320256xi32, #tpu.memory_space<hbm>> -> memref<128xi32, #tpu.memory_space<hbm>>
        tpu.enqueue_dma source(%dma_start3A_203 : memref<128xi32, #tpu.memory_space<hbm>>) target(%arg6 : memref<128xi32, #tpu.memory_space<vmem>>) target_semaphore(%run_scoped3A : memref<!tpu.dma_semaphore, #tpu.memory_space<semaphore_mem>>)
        %dma_wait3A_204 = tpu.memref_slice %arg3[%add3A_178] : memref<320256xi32, #tpu.memory_space<hbm>> -> memref<128xi32, #tpu.memory_space<hbm>>
        %dma_wait3A_205 = tpu.memref_slice %arg3[%add3A_178] : memref<320256xi32, #tpu.memory_space<hbm>> -> memref<128xi32, #tpu.memory_space<hbm>>
        tpu.wait_dma2 semaphore(%run_scoped3A : memref<!tpu.dma_semaphore, #tpu.memory_space<semaphore_mem>>) src(%dma_wait3A_205 : memref<128xi32, #tpu.memory_space<hbm>>) dst(%arg6 : memref<128xi32, #tpu.memory_space<vmem>>)
        tpu.yield
      }) : () -> ()
      "tpu.region"() ({
        %run_scoped3A = tpu.sem_alloc : memref<!tpu.dma_semaphore, #tpu.memory_space<semaphore_mem>>
        %dma_start3A_202 = tpu.memref_slice %arg4[%add3A_178] : memref<320256xi32, #tpu.memory_space<hbm>> -> memref<128xi32, #tpu.memory_space<hbm>>
        %dma_start3A_203 = tpu.memref_slice %arg4[%add3A_178] : memref<320256xi32, #tpu.memory_space<hbm>> -> memref<128xi32, #tpu.memory_space<hbm>>
        tpu.enqueue_dma source(%dma_start3A_203 : memref<128xi32, #tpu.memory_space<hbm>>) target(%arg9 : memref<128xi32, #tpu.memory_space<vmem>>) target_semaphore(%run_scoped3A : memref<!tpu.dma_semaphore, #tpu.memory_space<semaphore_mem>>)
        %dma_wait3A_204 = tpu.memref_slice %arg4[%add3A_178] : memref<320256xi32, #tpu.memory_space<hbm>> -> memref<128xi32, #tpu.memory_space<hbm>>
        %dma_wait3A_205 = tpu.memref_slice %arg4[%add3A_178] : memref<320256xi32, #tpu.memory_space<hbm>> -> memref<128xi32, #tpu.memory_space<hbm>>
        tpu.wait_dma2 semaphore(%run_scoped3A : memref<!tpu.dma_semaphore, #tpu.memory_space<semaphore_mem>>) src(%dma_wait3A_205 : memref<128xi32, #tpu.memory_space<hbm>>) dst(%arg9 : memref<128xi32, #tpu.memory_space<vmem>>)
        tpu.yield
      }) : () -> ()
      %dma_wait3A_179 = arith.constant 0 : i32
      %dma_wait3A_180 = arith.constant 0 : i32
      %dma_wait3A_181 = tpu.memref_slice %arg2[%dma_wait3A_179, %dma_wait3A_180] : memref<10000x64xf32, #tpu.memory_space<hbm>> -> memref<10000x64xf32, #tpu.memory_space<hbm>>
      tpu.wait_indirect_dma semaphore(%arg21 : memref<!tpu.dma_semaphore, #tpu.memory_space<semaphore_mem>>) src(%dma_wait3A_181 : memref<10000x64xf32, #tpu.memory_space<hbm>>) dst(%arg13 : memref<128x64xf32, #tpu.memory_space<vmem>>)
      %dma_start3A_182 = arith.constant 0 : i32
      %dma_start3A_183 = arith.constant 0 : i32
      %dma_start3A_184 = tpu.memref_slice %arg2[%dma_start3A_182, %dma_start3A_183] : memref<10000x64xf32, #tpu.memory_space<hbm>> -> memref<10000x64xf32, #tpu.memory_space<hbm>>
      tpu.enqueue_indirect_dma source(%dma_start3A_184 : memref<10000x64xf32, #tpu.memory_space<hbm>>) target(%arg12 : memref<128x64xf32, #tpu.memory_space<vmem>>) offsets(%arg6 : memref<128xi32, #tpu.memory_space<vmem>>) semaphore(%arg20 : memref<!tpu.dma_semaphore, #tpu.memory_space<semaphore_mem>>)
      "tpu.region"() ({
        %run_scoped3A = tpu.sem_alloc : memref<!tpu.dma_semaphore, #tpu.memory_space<semaphore_mem>>
        %dma_start3A_202 = arith.constant 0 : i32
        %dma_start3A_203 = arith.constant 0 : i32
        %dma_start3A_204 = tpu.memref_slice %arg19[%dma_start3A_202, %dma_start3A_203] : memref<10000x64xf32, #tpu.memory_space<vmem_shared>> -> memref<10000x64xf32, #tpu.memory_space<vmem_shared>>
        tpu.enqueue_indirect_dma source(%arg13 : memref<128x64xf32, #tpu.memory_space<vmem>>) target(%dma_start3A_204 : memref<10000x64xf32, #tpu.memory_space<vmem_shared>>) offsets(%arg10 : memref<128xi32, #tpu.memory_space<vmem>>) semaphore(%run_scoped3A : memref<!tpu.dma_semaphore, #tpu.memory_space<semaphore_mem>>) {add = true}
        %dma_wait3A_205 = arith.constant 0 : i32
        %dma_wait3A_206 = arith.constant 0 : i32
        %dma_wait3A_207 = tpu.memref_slice %arg19[%dma_wait3A_205, %dma_wait3A_206] : memref<10000x64xf32, #tpu.memory_space<vmem_shared>> -> memref<10000x64xf32, #tpu.memory_space<vmem_shared>>
        tpu.wait_indirect_dma semaphore(%run_scoped3A : memref<!tpu.dma_semaphore, #tpu.memory_space<semaphore_mem>>) src(%arg13 : memref<128x64xf32, #tpu.memory_space<vmem>>) dst(%dma_wait3A_207 : memref<10000x64xf32, #tpu.memory_space<vmem_shared>>)
        tpu.yield
      }) : () -> ()
      %mul3A_185 = arith.constant 3 : i32
      %mul3A_186 = arith.muli %scan3A_151, %mul3A_185 : i32
      %add3A_187 = arith.constant 2 : i32
      %add3A_188 = arith.addi %mul3A_186, %add3A_187 : i32
      %add3A_189 = arith.constant 3 : i32
      %add3A_190 = arith.addi %add3A_188, %add3A_189 : i32
      %sub3A_191 = arith.constant 1 : i32
      %sub3A_192 = arith.subi %add3A_190, %sub3A_191 : i32
      %mul3A_193 = arith.constant 128 : i32
      %mul3A_194 = arith.muli %sub3A_192, %mul3A_193 : i32
      %add3A_195 = arith.addi %mul3A_2, %mul3A_194 : i32
      "tpu.region"() ({
        %run_scoped3A = tpu.sem_alloc : memref<!tpu.dma_semaphore, #tpu.memory_space<semaphore_mem>>
        %dma_start3A_202 = tpu.memref_slice %arg3[%add3A_195] : memref<320256xi32, #tpu.memory_space<hbm>> -> memref<128xi32, #tpu.memory_space<hbm>>
        %dma_start3A_203 = tpu.memref_slice %arg3[%add3A_195] : memref<320256xi32, #tpu.memory_space<hbm>> -> memref<128xi32, #tpu.memory_space<hbm>>
        tpu.enqueue_dma source(%dma_start3A_203 : memref<128xi32, #tpu.memory_space<hbm>>) target(%arg7 : memref<128xi32, #tpu.memory_space<vmem>>) target_semaphore(%run_scoped3A : memref<!tpu.dma_semaphore, #tpu.memory_space<semaphore_mem>>)
        %dma_wait3A_204 = tpu.memref_slice %arg3[%add3A_195] : memref<320256xi32, #tpu.memory_space<hbm>> -> memref<128xi32, #tpu.memory_space<hbm>>
        %dma_wait3A_205 = tpu.memref_slice %arg3[%add3A_195] : memref<320256xi32, #tpu.memory_space<hbm>> -> memref<128xi32, #tpu.memory_space<hbm>>
        tpu.wait_dma2 semaphore(%run_scoped3A : memref<!tpu.dma_semaphore, #tpu.memory_space<semaphore_mem>>) src(%dma_wait3A_205 : memref<128xi32, #tpu.memory_space<hbm>>) dst(%arg7 : memref<128xi32, #tpu.memory_space<vmem>>)
        tpu.yield
      }) : () -> ()
      "tpu.region"() ({
        %run_scoped3A = tpu.sem_alloc : memref<!tpu.dma_semaphore, #tpu.memory_space<semaphore_mem>>
        %dma_start3A_202 = tpu.memref_slice %arg4[%add3A_195] : memref<320256xi32, #tpu.memory_space<hbm>> -> memref<128xi32, #tpu.memory_space<hbm>>
        %dma_start3A_203 = tpu.memref_slice %arg4[%add3A_195] : memref<320256xi32, #tpu.memory_space<hbm>> -> memref<128xi32, #tpu.memory_space<hbm>>
        tpu.enqueue_dma source(%dma_start3A_203 : memref<128xi32, #tpu.memory_space<hbm>>) target(%arg10 : memref<128xi32, #tpu.memory_space<vmem>>) target_semaphore(%run_scoped3A : memref<!tpu.dma_semaphore, #tpu.memory_space<semaphore_mem>>)
        %dma_wait3A_204 = tpu.memref_slice %arg4[%add3A_195] : memref<320256xi32, #tpu.memory_space<hbm>> -> memref<128xi32, #tpu.memory_space<hbm>>
        %dma_wait3A_205 = tpu.memref_slice %arg4[%add3A_195] : memref<320256xi32, #tpu.memory_space<hbm>> -> memref<128xi32, #tpu.memory_space<hbm>>
        tpu.wait_dma2 semaphore(%run_scoped3A : memref<!tpu.dma_semaphore, #tpu.memory_space<semaphore_mem>>) src(%dma_wait3A_205 : memref<128xi32, #tpu.memory_space<hbm>>) dst(%arg10 : memref<128xi32, #tpu.memory_space<vmem>>)
        tpu.yield
      }) : () -> ()
      %dma_wait3A_196 = arith.constant 0 : i32
      %dma_wait3A_197 = arith.constant 0 : i32
      %dma_wait3A_198 = tpu.memref_slice %arg2[%dma_wait3A_196, %dma_wait3A_197] : memref<10000x64xf32, #tpu.memory_space<hbm>> -> memref<10000x64xf32, #tpu.memory_space<hbm>>
      tpu.wait_indirect_dma semaphore(%arg22 : memref<!tpu.dma_semaphore, #tpu.memory_space<semaphore_mem>>) src(%dma_wait3A_198 : memref<10000x64xf32, #tpu.memory_space<hbm>>) dst(%arg14 : memref<128x64xf32, #tpu.memory_space<vmem>>)
      %dma_start3A_199 = arith.constant 0 : i32
      %dma_start3A_200 = arith.constant 0 : i32
      %dma_start3A_201 = tpu.memref_slice %arg2[%dma_start3A_199, %dma_start3A_200] : memref<10000x64xf32, #tpu.memory_space<hbm>> -> memref<10000x64xf32, #tpu.memory_space<hbm>>
      tpu.enqueue_indirect_dma source(%dma_start3A_201 : memref<10000x64xf32, #tpu.memory_space<hbm>>) target(%arg13 : memref<128x64xf32, #tpu.memory_space<vmem>>) offsets(%arg7 : memref<128xi32, #tpu.memory_space<vmem>>) semaphore(%arg21 : memref<!tpu.dma_semaphore, #tpu.memory_space<semaphore_mem>>)
      "tpu.region"() ({
        %run_scoped3A = tpu.sem_alloc : memref<!tpu.dma_semaphore, #tpu.memory_space<semaphore_mem>>
        %dma_start3A_202 = arith.constant 0 : i32
        %dma_start3A_203 = arith.constant 0 : i32
        %dma_start3A_204 = tpu.memref_slice %arg19[%dma_start3A_202, %dma_start3A_203] : memref<10000x64xf32, #tpu.memory_space<vmem_shared>> -> memref<10000x64xf32, #tpu.memory_space<vmem_shared>>
        tpu.enqueue_indirect_dma source(%arg14 : memref<128x64xf32, #tpu.memory_space<vmem>>) target(%dma_start3A_204 : memref<10000x64xf32, #tpu.memory_space<vmem_shared>>) offsets(%arg11 : memref<128xi32, #tpu.memory_space<vmem>>) semaphore(%run_scoped3A : memref<!tpu.dma_semaphore, #tpu.memory_space<semaphore_mem>>) {add = true}
        %dma_wait3A_205 = arith.constant 0 : i32
        %dma_wait3A_206 = arith.constant 0 : i32
        %dma_wait3A_207 = tpu.memref_slice %arg19[%dma_wait3A_205, %dma_wait3A_206] : memref<10000x64xf32, #tpu.memory_space<vmem_shared>> -> memref<10000x64xf32, #tpu.memory_space<vmem_shared>>
        tpu.wait_indirect_dma semaphore(%run_scoped3A : memref<!tpu.dma_semaphore, #tpu.memory_space<semaphore_mem>>) src(%arg14 : memref<128x64xf32, #tpu.memory_space<vmem>>) dst(%dma_wait3A_207 : memref<10000x64xf32, #tpu.memory_space<vmem_shared>>)
        tpu.yield
      }) : () -> ()
    }
    %scan3A_80 = arith.constant 26 : i32
    %dma_wait3A = arith.constant 0 : i32
    %dma_wait3A_81 = arith.constant 0 : i32
    %dma_wait3A_82 = tpu.memref_slice %arg2[%dma_wait3A, %dma_wait3A_81] : memref<10000x64xf32, #tpu.memory_space<hbm>> -> memref<10000x64xf32, #tpu.memory_space<hbm>>
    tpu.wait_indirect_dma semaphore(%arg20 : memref<!tpu.dma_semaphore, #tpu.memory_space<semaphore_mem>>) src(%dma_wait3A_82 : memref<10000x64xf32, #tpu.memory_space<hbm>>) dst(%arg12 : memref<128x64xf32, #tpu.memory_space<vmem>>)
    %dma_wait3A_83 = arith.constant 0 : i32
    %dma_wait3A_84 = arith.constant 0 : i32
    %dma_wait3A_85 = tpu.memref_slice %arg2[%dma_wait3A_83, %dma_wait3A_84] : memref<10000x64xf32, #tpu.memory_space<hbm>> -> memref<10000x64xf32, #tpu.memory_space<hbm>>
    tpu.wait_indirect_dma semaphore(%arg21 : memref<!tpu.dma_semaphore, #tpu.memory_space<semaphore_mem>>) src(%dma_wait3A_85 : memref<10000x64xf32, #tpu.memory_space<hbm>>) dst(%arg13 : memref<128x64xf32, #tpu.memory_space<vmem>>)
    %add3A_86 = arith.constant 9984 : i32
    %add3A_87 = arith.addi %mul3A_2, %add3A_86 : i32
    "tpu.region"() ({
      %run_scoped3A = tpu.sem_alloc : memref<!tpu.dma_semaphore, #tpu.memory_space<semaphore_mem>>
      %dma_start3A_151 = tpu.memref_slice %arg3[%add3A_87] : memref<320256xi32, #tpu.memory_space<hbm>> -> memref<16xi32, #tpu.memory_space<hbm>>
      %dma_start3A_152 = tpu.memref_slice %arg3[%add3A_87] : memref<320256xi32, #tpu.memory_space<hbm>> -> memref<16xi32, #tpu.memory_space<hbm>>
      tpu.enqueue_dma source(%dma_start3A_152 : memref<16xi32, #tpu.memory_space<hbm>>) target(%arg15 : memref<16xi32, #tpu.memory_space<vmem>>) target_semaphore(%run_scoped3A : memref<!tpu.dma_semaphore, #tpu.memory_space<semaphore_mem>>)
      %dma_wait3A_153 = tpu.memref_slice %arg3[%add3A_87] : memref<320256xi32, #tpu.memory_space<hbm>> -> memref<16xi32, #tpu.memory_space<hbm>>
      %dma_wait3A_154 = tpu.memref_slice %arg3[%add3A_87] : memref<320256xi32, #tpu.memory_space<hbm>> -> memref<16xi32, #tpu.memory_space<hbm>>
      tpu.wait_dma2 semaphore(%run_scoped3A : memref<!tpu.dma_semaphore, #tpu.memory_space<semaphore_mem>>) src(%dma_wait3A_154 : memref<16xi32, #tpu.memory_space<hbm>>) dst(%arg15 : memref<16xi32, #tpu.memory_space<vmem>>)
      tpu.yield
    }) : () -> ()
    "tpu.region"() ({
      %run_scoped3A = tpu.sem_alloc : memref<!tpu.dma_semaphore, #tpu.memory_space<semaphore_mem>>
      %dma_start3A_151 = tpu.memref_slice %arg4[%add3A_87] : memref<320256xi32, #tpu.memory_space<hbm>> -> memref<16xi32, #tpu.memory_space<hbm>>
      %dma_start3A_152 = tpu.memref_slice %arg4[%add3A_87] : memref<320256xi32, #tpu.memory_space<hbm>> -> memref<16xi32, #tpu.memory_space<hbm>>
      tpu.enqueue_dma source(%dma_start3A_152 : memref<16xi32, #tpu.memory_space<hbm>>) target(%arg16 : memref<16xi32, #tpu.memory_space<vmem>>) target_semaphore(%run_scoped3A : memref<!tpu.dma_semaphore, #tpu.memory_space<semaphore_mem>>)
      %dma_wait3A_153 = tpu.memref_slice %arg4[%add3A_87] : memref<320256xi32, #tpu.memory_space<hbm>> -> memref<16xi32, #tpu.memory_space<hbm>>
      %dma_wait3A_154 = tpu.memref_slice %arg4[%add3A_87] : memref<320256xi32, #tpu.memory_space<hbm>> -> memref<16xi32, #tpu.memory_space<hbm>>
      tpu.wait_dma2 semaphore(%run_scoped3A : memref<!tpu.dma_semaphore, #tpu.memory_space<semaphore_mem>>) src(%dma_wait3A_154 : memref<16xi32, #tpu.memory_space<hbm>>) dst(%arg16 : memref<16xi32, #tpu.memory_space<vmem>>)
      tpu.yield
    }) : () -> ()
    %dma_start3A_88 = arith.constant 0 : i32
    %dma_start3A_89 = arith.constant 0 : i32
    %dma_start3A_90 = tpu.memref_slice %arg2[%dma_start3A_88, %dma_start3A_89] : memref<10000x64xf32, #tpu.memory_space<hbm>> -> memref<10000x64xf32, #tpu.memory_space<hbm>>
    tpu.enqueue_indirect_dma source(%dma_start3A_90 : memref<10000x64xf32, #tpu.memory_space<hbm>>) target(%arg17 : memref<16x64xf32, #tpu.memory_space<vmem>>) offsets(%arg15 : memref<16xi32, #tpu.memory_space<vmem>>) semaphore(%arg20 : memref<!tpu.dma_semaphore, #tpu.memory_space<semaphore_mem>>)
    %dma_wait3A_91 = arith.constant 0 : i32
    %dma_wait3A_92 = arith.constant 0 : i32
    %dma_wait3A_93 = tpu.memref_slice %arg2[%dma_wait3A_91, %dma_wait3A_92] : memref<10000x64xf32, #tpu.memory_space<hbm>> -> memref<10000x64xf32, #tpu.memory_space<hbm>>
    tpu.wait_indirect_dma semaphore(%arg20 : memref<!tpu.dma_semaphore, #tpu.memory_space<semaphore_mem>>) src(%dma_wait3A_93 : memref<10000x64xf32, #tpu.memory_space<hbm>>) dst(%arg17 : memref<16x64xf32, #tpu.memory_space<vmem>>)
    "tpu.region"() ({
      %run_scoped3A = tpu.sem_alloc : memref<!tpu.dma_semaphore, #tpu.memory_space<semaphore_mem>>
      %dma_start3A_151 = arith.constant 0 : i32
      %dma_start3A_152 = arith.constant 0 : i32
      %dma_start3A_153 = tpu.memref_slice %arg19[%dma_start3A_151, %dma_start3A_152] : memref<10000x64xf32, #tpu.memory_space<vmem_shared>> -> memref<10000x64xf32, #tpu.memory_space<vmem_shared>>
      tpu.enqueue_indirect_dma source(%arg17 : memref<16x64xf32, #tpu.memory_space<vmem>>) target(%dma_start3A_153 : memref<10000x64xf32, #tpu.memory_space<vmem_shared>>) offsets(%arg16 : memref<16xi32, #tpu.memory_space<vmem>>) semaphore(%run_scoped3A : memref<!tpu.dma_semaphore, #tpu.memory_space<semaphore_mem>>) {add = true}
      %dma_wait3A_154 = arith.constant 0 : i32
      %dma_wait3A_155 = arith.constant 0 : i32
      %dma_wait3A_156 = tpu.memref_slice %arg19[%dma_wait3A_154, %dma_wait3A_155] : memref<10000x64xf32, #tpu.memory_space<vmem_shared>> -> memref<10000x64xf32, #tpu.memory_space<vmem_shared>>
      tpu.wait_indirect_dma semaphore(%run_scoped3A : memref<!tpu.dma_semaphore, #tpu.memory_space<semaphore_mem>>) src(%arg17 : memref<16x64xf32, #tpu.memory_space<vmem>>) dst(%dma_wait3A_156 : memref<10000x64xf32, #tpu.memory_space<vmem_shared>>)
      tpu.yield
    }) : () -> ()
    %barrier3A_94 = arith.constant 0 : index
    tpu.barrier barrier_id(%barrier3A_94)
    %add3A_95 = arith.constant 0 : i32
    %add3A_96 = arith.addi %arg1, %add3A_95 : i32
    %lt3A_97 = arith.constant 125 : i32
    %lt3A_98 = arith.cmpi slt, %add3A_96, %lt3A_97 : i32
    %convert_element_type3A_99 = arith.extui %lt3A_98 : i1 to i32
    %cond3A_100 = arith.constant 0 : i32
    %cond3A_101 = arith.cmpi ne, %convert_element_type3A_99, %cond3A_100 : i32
    scf.if %cond3A_101 {
      %mul3A_151 = arith.constant 80 : i32
      %mul3A_152 = arith.muli %add3A_96, %mul3A_151 : i32
      "tpu.region"() ({
        %run_scoped3A = tpu.sem_alloc : memref<!tpu.dma_semaphore, #tpu.memory_space<semaphore_mem>>
        %dma_start3A_155 = arith.constant 0 : i32
        %dma_start3A_156 = tpu.memref_slice %arg19[%mul3A_152, %dma_start3A_155] : memref<10000x64xf32, #tpu.memory_space<vmem_shared>> -> memref<80x64xf32, #tpu.memory_space<vmem_shared>>
        %dma_start3A_157 = arith.constant 0 : i32
        %dma_start3A_158 = tpu.memref_slice %arg19[%mul3A_152, %dma_start3A_157] : memref<10000x64xf32, #tpu.memory_space<vmem_shared>> -> memref<80x64xf32, #tpu.memory_space<vmem_shared>>
        tpu.enqueue_dma source(%dma_start3A_158 : memref<80x64xf32, #tpu.memory_space<vmem_shared>>) target(%arg18 : memref<80x64xf32, #tpu.memory_space<vmem>>) target_semaphore(%run_scoped3A : memref<!tpu.dma_semaphore, #tpu.memory_space<semaphore_mem>>)
        %dma_wait3A_159 = arith.constant 0 : i32
        %dma_wait3A_160 = tpu.memref_slice %arg19[%mul3A_152, %dma_wait3A_159] : memref<10000x64xf32, #tpu.memory_space<vmem_shared>> -> memref<80x64xf32, #tpu.memory_space<vmem_shared>>
        %dma_wait3A_161 = arith.constant 0 : i32
        %dma_wait3A_162 = tpu.memref_slice %arg19[%mul3A_152, %dma_wait3A_161] : memref<10000x64xf32, #tpu.memory_space<vmem_shared>> -> memref<80x64xf32, #tpu.memory_space<vmem_shared>>
        tpu.wait_dma2 semaphore(%run_scoped3A : memref<!tpu.dma_semaphore, #tpu.memory_space<semaphore_mem>>) src(%dma_wait3A_162 : memref<80x64xf32, #tpu.memory_space<vmem_shared>>) dst(%arg18 : memref<80x64xf32, #tpu.memory_space<vmem>>)
        tpu.yield
      }) : () -> ()
      %mul3A_153 = arith.constant 80 : i32
      %mul3A_154 = arith.muli %add3A_96, %mul3A_153 : i32
      "tpu.region"() ({
        %run_scoped3A = tpu.sem_alloc : memref<!tpu.dma_semaphore, #tpu.memory_space<semaphore_mem>>
        %dma_start3A_155 = arith.constant 0 : i32
        %dma_start3A_156 = tpu.memref_slice %arg5[%arg0, %mul3A_154, %dma_start3A_155] : memref<2x10000x64xf32, #tpu.memory_space<hbm>> -> memref<1x80x64xf32, #tpu.memory_space<hbm>>
        %dma_start3A_157 = tpu.memref_squeeze %dma_start3A_156 : memref<1x80x64xf32, #tpu.memory_space<hbm>> -> memref<80x64xf32, #tpu.memory_space<hbm>>
        %dma_start3A_158 = arith.constant 0 : i32
        %dma_start3A_159 = tpu.memref_slice %arg5[%arg0, %mul3A_154, %dma_start3A_158] : memref<2x10000x64xf32, #tpu.memory_space<hbm>> -> memref<1x80x64xf32, #tpu.memory_space<hbm>>
        %dma_start3A_160 = tpu.memref_squeeze %dma_start3A_159 : memref<1x80x64xf32, #tpu.memory_space<hbm>> -> memref<80x64xf32, #tpu.memory_space<hbm>>
        tpu.enqueue_dma source(%arg18 : memref<80x64xf32, #tpu.memory_space<vmem>>) target(%dma_start3A_160 : memref<80x64xf32, #tpu.memory_space<hbm>>) target_semaphore(%run_scoped3A : memref<!tpu.dma_semaphore, #tpu.memory_space<semaphore_mem>>)
        %dma_wait3A_161 = arith.constant 0 : i32
        %dma_wait3A_162 = tpu.memref_slice %arg5[%arg0, %mul3A_154, %dma_wait3A_161] : memref<2x10000x64xf32, #tpu.memory_space<hbm>> -> memref<1x80x64xf32, #tpu.memory_space<hbm>>
        %dma_wait3A_163 = tpu.memref_squeeze %dma_wait3A_162 : memref<1x80x64xf32, #tpu.memory_space<hbm>> -> memref<80x64xf32, #tpu.memory_space<hbm>>
        %dma_wait3A_164 = arith.constant 0 : i32
        %dma_wait3A_165 = tpu.memref_slice %arg5[%arg0, %mul3A_154, %dma_wait3A_164] : memref<2x10000x64xf32, #tpu.memory_space<hbm>> -> memref<1x80x64xf32, #tpu.memory_space<hbm>>
        %dma_wait3A_166 = tpu.memref_squeeze %dma_wait3A_165 : memref<1x80x64xf32, #tpu.memory_space<hbm>> -> memref<80x64xf32, #tpu.memory_space<hbm>>
        tpu.wait_dma2 semaphore(%run_scoped3A : memref<!tpu.dma_semaphore, #tpu.memory_space<semaphore_mem>>) src(%arg18 : memref<80x64xf32, #tpu.memory_space<vmem>>) dst(%dma_wait3A_166 : memref<80x64xf32, #tpu.memory_space<hbm>>)
        tpu.yield
      }) : () -> ()
    } else {
    }
    %add3A_102 = arith.constant 16 : i32
    %add3A_103 = arith.addi %arg1, %add3A_102 : i32
    %lt3A_104 = arith.constant 125 : i32
    %lt3A_105 = arith.cmpi slt, %add3A_103, %lt3A_104 : i32
    %convert_element_type3A_106 = arith.extui %lt3A_105 : i1 to i32
    %cond3A_107 = arith.constant 0 : i32
    %cond3A_108 = arith.cmpi ne, %convert_element_type3A_106, %cond3A_107 : i32
    scf.if %cond3A_108 {
      %mul3A_151 = arith.constant 80 : i32
      %mul3A_152 = arith.muli %add3A_103, %mul3A_151 : i32
      "tpu.region"() ({
        %run_scoped3A = tpu.sem_alloc : memref<!tpu.dma_semaphore, #tpu.memory_space<semaphore_mem>>
        %dma_start3A_155 = arith.constant 0 : i32
        %dma_start3A_156 = tpu.memref_slice %arg19[%mul3A_152, %dma_start3A_155] : memref<10000x64xf32, #tpu.memory_space<vmem_shared>> -> memref<80x64xf32, #tpu.memory_space<vmem_shared>>
        %dma_start3A_157 = arith.constant 0 : i32
        %dma_start3A_158 = tpu.memref_slice %arg19[%mul3A_152, %dma_start3A_157] : memref<10000x64xf32, #tpu.memory_space<vmem_shared>> -> memref<80x64xf32, #tpu.memory_space<vmem_shared>>
        tpu.enqueue_dma source(%dma_start3A_158 : memref<80x64xf32, #tpu.memory_space<vmem_shared>>) target(%arg18 : memref<80x64xf32, #tpu.memory_space<vmem>>) target_semaphore(%run_scoped3A : memref<!tpu.dma_semaphore, #tpu.memory_space<semaphore_mem>>)
        %dma_wait3A_159 = arith.constant 0 : i32
        %dma_wait3A_160 = tpu.memref_slice %arg19[%mul3A_152, %dma_wait3A_159] : memref<10000x64xf32, #tpu.memory_space<vmem_shared>> -> memref<80x64xf32, #tpu.memory_space<vmem_shared>>
        %dma_wait3A_161 = arith.constant 0 : i32
        %dma_wait3A_162 = tpu.memref_slice %arg19[%mul3A_152, %dma_wait3A_161] : memref<10000x64xf32, #tpu.memory_space<vmem_shared>> -> memref<80x64xf32, #tpu.memory_space<vmem_shared>>
        tpu.wait_dma2 semaphore(%run_scoped3A : memref<!tpu.dma_semaphore, #tpu.memory_space<semaphore_mem>>) src(%dma_wait3A_162 : memref<80x64xf32, #tpu.memory_space<vmem_shared>>) dst(%arg18 : memref<80x64xf32, #tpu.memory_space<vmem>>)
        tpu.yield
      }) : () -> ()
      %mul3A_153 = arith.constant 80 : i32
      %mul3A_154 = arith.muli %add3A_103, %mul3A_153 : i32
      "tpu.region"() ({
        %run_scoped3A = tpu.sem_alloc : memref<!tpu.dma_semaphore, #tpu.memory_space<semaphore_mem>>
        %dma_start3A_155 = arith.constant 0 : i32
        %dma_start3A_156 = tpu.memref_slice %arg5[%arg0, %mul3A_154, %dma_start3A_155] : memref<2x10000x64xf32, #tpu.memory_space<hbm>> -> memref<1x80x64xf32, #tpu.memory_space<hbm>>
        %dma_start3A_157 = tpu.memref_squeeze %dma_start3A_156 : memref<1x80x64xf32, #tpu.memory_space<hbm>> -> memref<80x64xf32, #tpu.memory_space<hbm>>
        %dma_start3A_158 = arith.constant 0 : i32
        %dma_start3A_159 = tpu.memref_slice %arg5[%arg0, %mul3A_154, %dma_start3A_158] : memref<2x10000x64xf32, #tpu.memory_space<hbm>> -> memref<1x80x64xf32, #tpu.memory_space<hbm>>
        %dma_start3A_160 = tpu.memref_squeeze %dma_start3A_159 : memref<1x80x64xf32, #tpu.memory_space<hbm>> -> memref<80x64xf32, #tpu.memory_space<hbm>>
        tpu.enqueue_dma source(%arg18 : memref<80x64xf32, #tpu.memory_space<vmem>>) target(%dma_start3A_160 : memref<80x64xf32, #tpu.memory_space<hbm>>) target_semaphore(%run_scoped3A : memref<!tpu.dma_semaphore, #tpu.memory_space<semaphore_mem>>)
        %dma_wait3A_161 = arith.constant 0 : i32
        %dma_wait3A_162 = tpu.memref_slice %arg5[%arg0, %mul3A_154, %dma_wait3A_161] : memref<2x10000x64xf32, #tpu.memory_space<hbm>> -> memref<1x80x64xf32, #tpu.memory_space<hbm>>
        %dma_wait3A_163 = tpu.memref_squeeze %dma_wait3A_162 : memref<1x80x64xf32, #tpu.memory_space<hbm>> -> memref<80x64xf32, #tpu.memory_space<hbm>>
        %dma_wait3A_164 = arith.constant 0 : i32
        %dma_wait3A_165 = tpu.memref_slice %arg5[%arg0, %mul3A_154, %dma_wait3A_164] : memref<2x10000x64xf32, #tpu.memory_space<hbm>> -> memref<1x80x64xf32, #tpu.memory_space<hbm>>
        %dma_wait3A_166 = tpu.memref_squeeze %dma_wait3A_165 : memref<1x80x64xf32, #tpu.memory_space<hbm>> -> memref<80x64xf32, #tpu.memory_space<hbm>>
        tpu.wait_dma2 semaphore(%run_scoped3A : memref<!tpu.dma_semaphore, #tpu.memory_space<semaphore_mem>>) src(%arg18 : memref<80x64xf32, #tpu.memory_space<vmem>>) dst(%dma_wait3A_166 : memref<80x64xf32, #tpu.memory_space<hbm>>)
        tpu.yield
      }) : () -> ()
    } else {
    }
    %add3A_109 = arith.constant 32 : i32
    %add3A_110 = arith.addi %arg1, %add3A_109 : i32
    %lt3A_111 = arith.constant 125 : i32
    %lt3A_112 = arith.cmpi slt, %add3A_110, %lt3A_111 : i32
    %convert_element_type3A_113 = arith.extui %lt3A_112 : i1 to i32
    %cond3A_114 = arith.constant 0 : i32
    %cond3A_115 = arith.cmpi ne, %convert_element_type3A_113, %cond3A_114 : i32
    scf.if %cond3A_115 {
      %mul3A_151 = arith.constant 80 : i32
      %mul3A_152 = arith.muli %add3A_110, %mul3A_151 : i32
      "tpu.region"() ({
        %run_scoped3A = tpu.sem_alloc : memref<!tpu.dma_semaphore, #tpu.memory_space<semaphore_mem>>
        %dma_start3A_155 = arith.constant 0 : i32
        %dma_start3A_156 = tpu.memref_slice %arg19[%mul3A_152, %dma_start3A_155] : memref<10000x64xf32, #tpu.memory_space<vmem_shared>> -> memref<80x64xf32, #tpu.memory_space<vmem_shared>>
        %dma_start3A_157 = arith.constant 0 : i32
        %dma_start3A_158 = tpu.memref_slice %arg19[%mul3A_152, %dma_start3A_157] : memref<10000x64xf32, #tpu.memory_space<vmem_shared>> -> memref<80x64xf32, #tpu.memory_space<vmem_shared>>
        tpu.enqueue_dma source(%dma_start3A_158 : memref<80x64xf32, #tpu.memory_space<vmem_shared>>) target(%arg18 : memref<80x64xf32, #tpu.memory_space<vmem>>) target_semaphore(%run_scoped3A : memref<!tpu.dma_semaphore, #tpu.memory_space<semaphore_mem>>)
        %dma_wait3A_159 = arith.constant 0 : i32
        %dma_wait3A_160 = tpu.memref_slice %arg19[%mul3A_152, %dma_wait3A_159] : memref<10000x64xf32, #tpu.memory_space<vmem_shared>> -> memref<80x64xf32, #tpu.memory_space<vmem_shared>>
        %dma_wait3A_161 = arith.constant 0 : i32
        %dma_wait3A_162 = tpu.memref_slice %arg19[%mul3A_152, %dma_wait3A_161] : memref<10000x64xf32, #tpu.memory_space<vmem_shared>> -> memref<80x64xf32, #tpu.memory_space<vmem_shared>>
        tpu.wait_dma2 semaphore(%run_scoped3A : memref<!tpu.dma_semaphore, #tpu.memory_space<semaphore_mem>>) src(%dma_wait3A_162 : memref<80x64xf32, #tpu.memory_space<vmem_shared>>) dst(%arg18 : memref<80x64xf32, #tpu.memory_space<vmem>>)
        tpu.yield
      }) : () -> ()
      %mul3A_153 = arith.constant 80 : i32
      %mul3A_154 = arith.muli %add3A_110, %mul3A_153 : i32
      "tpu.region"() ({
        %run_scoped3A = tpu.sem_alloc : memref<!tpu.dma_semaphore, #tpu.memory_space<semaphore_mem>>
        %dma_start3A_155 = arith.constant 0 : i32
        %dma_start3A_156 = tpu.memref_slice %arg5[%arg0, %mul3A_154, %dma_start3A_155] : memref<2x10000x64xf32, #tpu.memory_space<hbm>> -> memref<1x80x64xf32, #tpu.memory_space<hbm>>
        %dma_start3A_157 = tpu.memref_squeeze %dma_start3A_156 : memref<1x80x64xf32, #tpu.memory_space<hbm>> -> memref<80x64xf32, #tpu.memory_space<hbm>>
        %dma_start3A_158 = arith.constant 0 : i32
        %dma_start3A_159 = tpu.memref_slice %arg5[%arg0, %mul3A_154, %dma_start3A_158] : memref<2x10000x64xf32, #tpu.memory_space<hbm>> -> memref<1x80x64xf32, #tpu.memory_space<hbm>>
        %dma_start3A_160 = tpu.memref_squeeze %dma_start3A_159 : memref<1x80x64xf32, #tpu.memory_space<hbm>> -> memref<80x64xf32, #tpu.memory_space<hbm>>
        tpu.enqueue_dma source(%arg18 : memref<80x64xf32, #tpu.memory_space<vmem>>) target(%dma_start3A_160 : memref<80x64xf32, #tpu.memory_space<hbm>>) target_semaphore(%run_scoped3A : memref<!tpu.dma_semaphore, #tpu.memory_space<semaphore_mem>>)
        %dma_wait3A_161 = arith.constant 0 : i32
        %dma_wait3A_162 = tpu.memref_slice %arg5[%arg0, %mul3A_154, %dma_wait3A_161] : memref<2x10000x64xf32, #tpu.memory_space<hbm>> -> memref<1x80x64xf32, #tpu.memory_space<hbm>>
        %dma_wait3A_163 = tpu.memref_squeeze %dma_wait3A_162 : memref<1x80x64xf32, #tpu.memory_space<hbm>> -> memref<80x64xf32, #tpu.memory_space<hbm>>
        %dma_wait3A_164 = arith.constant 0 : i32
        %dma_wait3A_165 = tpu.memref_slice %arg5[%arg0, %mul3A_154, %dma_wait3A_164] : memref<2x10000x64xf32, #tpu.memory_space<hbm>> -> memref<1x80x64xf32, #tpu.memory_space<hbm>>
        %dma_wait3A_166 = tpu.memref_squeeze %dma_wait3A_165 : memref<1x80x64xf32, #tpu.memory_space<hbm>> -> memref<80x64xf32, #tpu.memory_space<hbm>>
        tpu.wait_dma2 semaphore(%run_scoped3A : memref<!tpu.dma_semaphore, #tpu.memory_space<semaphore_mem>>) src(%arg18 : memref<80x64xf32, #tpu.memory_space<vmem>>) dst(%dma_wait3A_166 : memref<80x64xf32, #tpu.memory_space<hbm>>)
        tpu.yield
      }) : () -> ()
    } else {
    }
    %add3A_116 = arith.constant 48 : i32
    %add3A_117 = arith.addi %arg1, %add3A_116 : i32
    %lt3A_118 = arith.constant 125 : i32
    %lt3A_119 = arith.cmpi slt, %add3A_117, %lt3A_118 : i32
    %convert_element_type3A_120 = arith.extui %lt3A_119 : i1 to i32
    %cond3A_121 = arith.constant 0 : i32
    %cond3A_122 = arith.cmpi ne, %convert_element_type3A_120, %cond3A_121 : i32
    scf.if %cond3A_122 {
      %mul3A_151 = arith.constant 80 : i32
      %mul3A_152 = arith.muli %add3A_117, %mul3A_151 : i32
      "tpu.region"() ({
        %run_scoped3A = tpu.sem_alloc : memref<!tpu.dma_semaphore, #tpu.memory_space<semaphore_mem>>
        %dma_start3A_155 = arith.constant 0 : i32
        %dma_start3A_156 = tpu.memref_slice %arg19[%mul3A_152, %dma_start3A_155] : memref<10000x64xf32, #tpu.memory_space<vmem_shared>> -> memref<80x64xf32, #tpu.memory_space<vmem_shared>>
        %dma_start3A_157 = arith.constant 0 : i32
        %dma_start3A_158 = tpu.memref_slice %arg19[%mul3A_152, %dma_start3A_157] : memref<10000x64xf32, #tpu.memory_space<vmem_shared>> -> memref<80x64xf32, #tpu.memory_space<vmem_shared>>
        tpu.enqueue_dma source(%dma_start3A_158 : memref<80x64xf32, #tpu.memory_space<vmem_shared>>) target(%arg18 : memref<80x64xf32, #tpu.memory_space<vmem>>) target_semaphore(%run_scoped3A : memref<!tpu.dma_semaphore, #tpu.memory_space<semaphore_mem>>)
        %dma_wait3A_159 = arith.constant 0 : i32
        %dma_wait3A_160 = tpu.memref_slice %arg19[%mul3A_152, %dma_wait3A_159] : memref<10000x64xf32, #tpu.memory_space<vmem_shared>> -> memref<80x64xf32, #tpu.memory_space<vmem_shared>>
        %dma_wait3A_161 = arith.constant 0 : i32
        %dma_wait3A_162 = tpu.memref_slice %arg19[%mul3A_152, %dma_wait3A_161] : memref<10000x64xf32, #tpu.memory_space<vmem_shared>> -> memref<80x64xf32, #tpu.memory_space<vmem_shared>>
        tpu.wait_dma2 semaphore(%run_scoped3A : memref<!tpu.dma_semaphore, #tpu.memory_space<semaphore_mem>>) src(%dma_wait3A_162 : memref<80x64xf32, #tpu.memory_space<vmem_shared>>) dst(%arg18 : memref<80x64xf32, #tpu.memory_space<vmem>>)
        tpu.yield
      }) : () -> ()
      %mul3A_153 = arith.constant 80 : i32
      %mul3A_154 = arith.muli %add3A_117, %mul3A_153 : i32
      "tpu.region"() ({
        %run_scoped3A = tpu.sem_alloc : memref<!tpu.dma_semaphore, #tpu.memory_space<semaphore_mem>>
        %dma_start3A_155 = arith.constant 0 : i32
        %dma_start3A_156 = tpu.memref_slice %arg5[%arg0, %mul3A_154, %dma_start3A_155] : memref<2x10000x64xf32, #tpu.memory_space<hbm>> -> memref<1x80x64xf32, #tpu.memory_space<hbm>>
        %dma_start3A_157 = tpu.memref_squeeze %dma_start3A_156 : memref<1x80x64xf32, #tpu.memory_space<hbm>> -> memref<80x64xf32, #tpu.memory_space<hbm>>
        %dma_start3A_158 = arith.constant 0 : i32
        %dma_start3A_159 = tpu.memref_slice %arg5[%arg0, %mul3A_154, %dma_start3A_158] : memref<2x10000x64xf32, #tpu.memory_space<hbm>> -> memref<1x80x64xf32, #tpu.memory_space<hbm>>
        %dma_start3A_160 = tpu.memref_squeeze %dma_start3A_159 : memref<1x80x64xf32, #tpu.memory_space<hbm>> -> memref<80x64xf32, #tpu.memory_space<hbm>>
        tpu.enqueue_dma source(%arg18 : memref<80x64xf32, #tpu.memory_space<vmem>>) target(%dma_start3A_160 : memref<80x64xf32, #tpu.memory_space<hbm>>) target_semaphore(%run_scoped3A : memref<!tpu.dma_semaphore, #tpu.memory_space<semaphore_mem>>)
        %dma_wait3A_161 = arith.constant 0 : i32
        %dma_wait3A_162 = tpu.memref_slice %arg5[%arg0, %mul3A_154, %dma_wait3A_161] : memref<2x10000x64xf32, #tpu.memory_space<hbm>> -> memref<1x80x64xf32, #tpu.memory_space<hbm>>
        %dma_wait3A_163 = tpu.memref_squeeze %dma_wait3A_162 : memref<1x80x64xf32, #tpu.memory_space<hbm>> -> memref<80x64xf32, #tpu.memory_space<hbm>>
        %dma_wait3A_164 = arith.constant 0 : i32
        %dma_wait3A_165 = tpu.memref_slice %arg5[%arg0, %mul3A_154, %dma_wait3A_164] : memref<2x10000x64xf32, #tpu.memory_space<hbm>> -> memref<1x80x64xf32, #tpu.memory_space<hbm>>
        %dma_wait3A_166 = tpu.memref_squeeze %dma_wait3A_165 : memref<1x80x64xf32, #tpu.memory_space<hbm>> -> memref<80x64xf32, #tpu.memory_space<hbm>>
        tpu.wait_dma2 semaphore(%run_scoped3A : memref<!tpu.dma_semaphore, #tpu.memory_space<semaphore_mem>>) src(%arg18 : memref<80x64xf32, #tpu.memory_space<vmem>>) dst(%dma_wait3A_166 : memref<80x64xf32, #tpu.memory_space<hbm>>)
        tpu.yield
      }) : () -> ()
    } else {
    }
    %add3A_123 = arith.constant 64 : i32
    %add3A_124 = arith.addi %arg1, %add3A_123 : i32
    %lt3A_125 = arith.constant 125 : i32
    %lt3A_126 = arith.cmpi slt, %add3A_124, %lt3A_125 : i32
    %convert_element_type3A_127 = arith.extui %lt3A_126 : i1 to i32
    %cond3A_128 = arith.constant 0 : i32
    %cond3A_129 = arith.cmpi ne, %convert_element_type3A_127, %cond3A_128 : i32
    scf.if %cond3A_129 {
      %mul3A_151 = arith.constant 80 : i32
      %mul3A_152 = arith.muli %add3A_124, %mul3A_151 : i32
      "tpu.region"() ({
        %run_scoped3A = tpu.sem_alloc : memref<!tpu.dma_semaphore, #tpu.memory_space<semaphore_mem>>
        %dma_start3A_155 = arith.constant 0 : i32
        %dma_start3A_156 = tpu.memref_slice %arg19[%mul3A_152, %dma_start3A_155] : memref<10000x64xf32, #tpu.memory_space<vmem_shared>> -> memref<80x64xf32, #tpu.memory_space<vmem_shared>>
        %dma_start3A_157 = arith.constant 0 : i32
        %dma_start3A_158 = tpu.memref_slice %arg19[%mul3A_152, %dma_start3A_157] : memref<10000x64xf32, #tpu.memory_space<vmem_shared>> -> memref<80x64xf32, #tpu.memory_space<vmem_shared>>
        tpu.enqueue_dma source(%dma_start3A_158 : memref<80x64xf32, #tpu.memory_space<vmem_shared>>) target(%arg18 : memref<80x64xf32, #tpu.memory_space<vmem>>) target_semaphore(%run_scoped3A : memref<!tpu.dma_semaphore, #tpu.memory_space<semaphore_mem>>)
        %dma_wait3A_159 = arith.constant 0 : i32
        %dma_wait3A_160 = tpu.memref_slice %arg19[%mul3A_152, %dma_wait3A_159] : memref<10000x64xf32, #tpu.memory_space<vmem_shared>> -> memref<80x64xf32, #tpu.memory_space<vmem_shared>>
        %dma_wait3A_161 = arith.constant 0 : i32
        %dma_wait3A_162 = tpu.memref_slice %arg19[%mul3A_152, %dma_wait3A_161] : memref<10000x64xf32, #tpu.memory_space<vmem_shared>> -> memref<80x64xf32, #tpu.memory_space<vmem_shared>>
        tpu.wait_dma2 semaphore(%run_scoped3A : memref<!tpu.dma_semaphore, #tpu.memory_space<semaphore_mem>>) src(%dma_wait3A_162 : memref<80x64xf32, #tpu.memory_space<vmem_shared>>) dst(%arg18 : memref<80x64xf32, #tpu.memory_space<vmem>>)
        tpu.yield
      }) : () -> ()
      %mul3A_153 = arith.constant 80 : i32
      %mul3A_154 = arith.muli %add3A_124, %mul3A_153 : i32
      "tpu.region"() ({
        %run_scoped3A = tpu.sem_alloc : memref<!tpu.dma_semaphore, #tpu.memory_space<semaphore_mem>>
        %dma_start3A_155 = arith.constant 0 : i32
        %dma_start3A_156 = tpu.memref_slice %arg5[%arg0, %mul3A_154, %dma_start3A_155] : memref<2x10000x64xf32, #tpu.memory_space<hbm>> -> memref<1x80x64xf32, #tpu.memory_space<hbm>>
        %dma_start3A_157 = tpu.memref_squeeze %dma_start3A_156 : memref<1x80x64xf32, #tpu.memory_space<hbm>> -> memref<80x64xf32, #tpu.memory_space<hbm>>
        %dma_start3A_158 = arith.constant 0 : i32
        %dma_start3A_159 = tpu.memref_slice %arg5[%arg0, %mul3A_154, %dma_start3A_158] : memref<2x10000x64xf32, #tpu.memory_space<hbm>> -> memref<1x80x64xf32, #tpu.memory_space<hbm>>
        %dma_start3A_160 = tpu.memref_squeeze %dma_start3A_159 : memref<1x80x64xf32, #tpu.memory_space<hbm>> -> memref<80x64xf32, #tpu.memory_space<hbm>>
        tpu.enqueue_dma source(%arg18 : memref<80x64xf32, #tpu.memory_space<vmem>>) target(%dma_start3A_160 : memref<80x64xf32, #tpu.memory_space<hbm>>) target_semaphore(%run_scoped3A : memref<!tpu.dma_semaphore, #tpu.memory_space<semaphore_mem>>)
        %dma_wait3A_161 = arith.constant 0 : i32
        %dma_wait3A_162 = tpu.memref_slice %arg5[%arg0, %mul3A_154, %dma_wait3A_161] : memref<2x10000x64xf32, #tpu.memory_space<hbm>> -> memref<1x80x64xf32, #tpu.memory_space<hbm>>
        %dma_wait3A_163 = tpu.memref_squeeze %dma_wait3A_162 : memref<1x80x64xf32, #tpu.memory_space<hbm>> -> memref<80x64xf32, #tpu.memory_space<hbm>>
        %dma_wait3A_164 = arith.constant 0 : i32
        %dma_wait3A_165 = tpu.memref_slice %arg5[%arg0, %mul3A_154, %dma_wait3A_164] : memref<2x10000x64xf32, #tpu.memory_space<hbm>> -> memref<1x80x64xf32, #tpu.memory_space<hbm>>
        %dma_wait3A_166 = tpu.memref_squeeze %dma_wait3A_165 : memref<1x80x64xf32, #tpu.memory_space<hbm>> -> memref<80x64xf32, #tpu.memory_space<hbm>>
        tpu.wait_dma2 semaphore(%run_scoped3A : memref<!tpu.dma_semaphore, #tpu.memory_space<semaphore_mem>>) src(%arg18 : memref<80x64xf32, #tpu.memory_space<vmem>>) dst(%dma_wait3A_166 : memref<80x64xf32, #tpu.memory_space<hbm>>)
        tpu.yield
      }) : () -> ()
    } else {
    }
    %add3A_130 = arith.constant 80 : i32
    %add3A_131 = arith.addi %arg1, %add3A_130 : i32
    %lt3A_132 = arith.constant 125 : i32
    %lt3A_133 = arith.cmpi slt, %add3A_131, %lt3A_132 : i32
    %convert_element_type3A_134 = arith.extui %lt3A_133 : i1 to i32
    %cond3A_135 = arith.constant 0 : i32
    %cond3A_136 = arith.cmpi ne, %convert_element_type3A_134, %cond3A_135 : i32
    scf.if %cond3A_136 {
      %mul3A_151 = arith.constant 80 : i32
      %mul3A_152 = arith.muli %add3A_131, %mul3A_151 : i32
      "tpu.region"() ({
        %run_scoped3A = tpu.sem_alloc : memref<!tpu.dma_semaphore, #tpu.memory_space<semaphore_mem>>
        %dma_start3A_155 = arith.constant 0 : i32
        %dma_start3A_156 = tpu.memref_slice %arg19[%mul3A_152, %dma_start3A_155] : memref<10000x64xf32, #tpu.memory_space<vmem_shared>> -> memref<80x64xf32, #tpu.memory_space<vmem_shared>>
        %dma_start3A_157 = arith.constant 0 : i32
        %dma_start3A_158 = tpu.memref_slice %arg19[%mul3A_152, %dma_start3A_157] : memref<10000x64xf32, #tpu.memory_space<vmem_shared>> -> memref<80x64xf32, #tpu.memory_space<vmem_shared>>
        tpu.enqueue_dma source(%dma_start3A_158 : memref<80x64xf32, #tpu.memory_space<vmem_shared>>) target(%arg18 : memref<80x64xf32, #tpu.memory_space<vmem>>) target_semaphore(%run_scoped3A : memref<!tpu.dma_semaphore, #tpu.memory_space<semaphore_mem>>)
        %dma_wait3A_159 = arith.constant 0 : i32
        %dma_wait3A_160 = tpu.memref_slice %arg19[%mul3A_152, %dma_wait3A_159] : memref<10000x64xf32, #tpu.memory_space<vmem_shared>> -> memref<80x64xf32, #tpu.memory_space<vmem_shared>>
        %dma_wait3A_161 = arith.constant 0 : i32
        %dma_wait3A_162 = tpu.memref_slice %arg19[%mul3A_152, %dma_wait3A_161] : memref<10000x64xf32, #tpu.memory_space<vmem_shared>> -> memref<80x64xf32, #tpu.memory_space<vmem_shared>>
        tpu.wait_dma2 semaphore(%run_scoped3A : memref<!tpu.dma_semaphore, #tpu.memory_space<semaphore_mem>>) src(%dma_wait3A_162 : memref<80x64xf32, #tpu.memory_space<vmem_shared>>) dst(%arg18 : memref<80x64xf32, #tpu.memory_space<vmem>>)
        tpu.yield
      }) : () -> ()
      %mul3A_153 = arith.constant 80 : i32
      %mul3A_154 = arith.muli %add3A_131, %mul3A_153 : i32
      "tpu.region"() ({
        %run_scoped3A = tpu.sem_alloc : memref<!tpu.dma_semaphore, #tpu.memory_space<semaphore_mem>>
        %dma_start3A_155 = arith.constant 0 : i32
        %dma_start3A_156 = tpu.memref_slice %arg5[%arg0, %mul3A_154, %dma_start3A_155] : memref<2x10000x64xf32, #tpu.memory_space<hbm>> -> memref<1x80x64xf32, #tpu.memory_space<hbm>>
        %dma_start3A_157 = tpu.memref_squeeze %dma_start3A_156 : memref<1x80x64xf32, #tpu.memory_space<hbm>> -> memref<80x64xf32, #tpu.memory_space<hbm>>
        %dma_start3A_158 = arith.constant 0 : i32
        %dma_start3A_159 = tpu.memref_slice %arg5[%arg0, %mul3A_154, %dma_start3A_158] : memref<2x10000x64xf32, #tpu.memory_space<hbm>> -> memref<1x80x64xf32, #tpu.memory_space<hbm>>
        %dma_start3A_160 = tpu.memref_squeeze %dma_start3A_159 : memref<1x80x64xf32, #tpu.memory_space<hbm>> -> memref<80x64xf32, #tpu.memory_space<hbm>>
        tpu.enqueue_dma source(%arg18 : memref<80x64xf32, #tpu.memory_space<vmem>>) target(%dma_start3A_160 : memref<80x64xf32, #tpu.memory_space<hbm>>) target_semaphore(%run_scoped3A : memref<!tpu.dma_semaphore, #tpu.memory_space<semaphore_mem>>)
        %dma_wait3A_161 = arith.constant 0 : i32
        %dma_wait3A_162 = tpu.memref_slice %arg5[%arg0, %mul3A_154, %dma_wait3A_161] : memref<2x10000x64xf32, #tpu.memory_space<hbm>> -> memref<1x80x64xf32, #tpu.memory_space<hbm>>
        %dma_wait3A_163 = tpu.memref_squeeze %dma_wait3A_162 : memref<1x80x64xf32, #tpu.memory_space<hbm>> -> memref<80x64xf32, #tpu.memory_space<hbm>>
        %dma_wait3A_164 = arith.constant 0 : i32
        %dma_wait3A_165 = tpu.memref_slice %arg5[%arg0, %mul3A_154, %dma_wait3A_164] : memref<2x10000x64xf32, #tpu.memory_space<hbm>> -> memref<1x80x64xf32, #tpu.memory_space<hbm>>
        %dma_wait3A_166 = tpu.memref_squeeze %dma_wait3A_165 : memref<1x80x64xf32, #tpu.memory_space<hbm>> -> memref<80x64xf32, #tpu.memory_space<hbm>>
        tpu.wait_dma2 semaphore(%run_scoped3A : memref<!tpu.dma_semaphore, #tpu.memory_space<semaphore_mem>>) src(%arg18 : memref<80x64xf32, #tpu.memory_space<vmem>>) dst(%dma_wait3A_166 : memref<80x64xf32, #tpu.memory_space<hbm>>)
        tpu.yield
      }) : () -> ()
    } else {
    }
    %add3A_137 = arith.constant 96 : i32
    %add3A_138 = arith.addi %arg1, %add3A_137 : i32
    %lt3A_139 = arith.constant 125 : i32
    %lt3A_140 = arith.cmpi slt, %add3A_138, %lt3A_139 : i32
    %convert_element_type3A_141 = arith.extui %lt3A_140 : i1 to i32
    %cond3A_142 = arith.constant 0 : i32
    %cond3A_143 = arith.cmpi ne, %convert_element_type3A_141, %cond3A_142 : i32
    scf.if %cond3A_143 {
      %mul3A_151 = arith.constant 80 : i32
      %mul3A_152 = arith.muli %add3A_138, %mul3A_151 : i32
      "tpu.region"() ({
        %run_scoped3A = tpu.sem_alloc : memref<!tpu.dma_semaphore, #tpu.memory_space<semaphore_mem>>
        %dma_start3A_155 = arith.constant 0 : i32
        %dma_start3A_156 = tpu.memref_slice %arg19[%mul3A_152, %dma_start3A_155] : memref<10000x64xf32, #tpu.memory_space<vmem_shared>> -> memref<80x64xf32, #tpu.memory_space<vmem_shared>>
        %dma_start3A_157 = arith.constant 0 : i32
        %dma_start3A_158 = tpu.memref_slice %arg19[%mul3A_152, %dma_start3A_157] : memref<10000x64xf32, #tpu.memory_space<vmem_shared>> -> memref<80x64xf32, #tpu.memory_space<vmem_shared>>
        tpu.enqueue_dma source(%dma_start3A_158 : memref<80x64xf32, #tpu.memory_space<vmem_shared>>) target(%arg18 : memref<80x64xf32, #tpu.memory_space<vmem>>) target_semaphore(%run_scoped3A : memref<!tpu.dma_semaphore, #tpu.memory_space<semaphore_mem>>)
        %dma_wait3A_159 = arith.constant 0 : i32
        %dma_wait3A_160 = tpu.memref_slice %arg19[%mul3A_152, %dma_wait3A_159] : memref<10000x64xf32, #tpu.memory_space<vmem_shared>> -> memref<80x64xf32, #tpu.memory_space<vmem_shared>>
        %dma_wait3A_161 = arith.constant 0 : i32
        %dma_wait3A_162 = tpu.memref_slice %arg19[%mul3A_152, %dma_wait3A_161] : memref<10000x64xf32, #tpu.memory_space<vmem_shared>> -> memref<80x64xf32, #tpu.memory_space<vmem_shared>>
        tpu.wait_dma2 semaphore(%run_scoped3A : memref<!tpu.dma_semaphore, #tpu.memory_space<semaphore_mem>>) src(%dma_wait3A_162 : memref<80x64xf32, #tpu.memory_space<vmem_shared>>) dst(%arg18 : memref<80x64xf32, #tpu.memory_space<vmem>>)
        tpu.yield
      }) : () -> ()
      %mul3A_153 = arith.constant 80 : i32
      %mul3A_154 = arith.muli %add3A_138, %mul3A_153 : i32
      "tpu.region"() ({
        %run_scoped3A = tpu.sem_alloc : memref<!tpu.dma_semaphore, #tpu.memory_space<semaphore_mem>>
        %dma_start3A_155 = arith.constant 0 : i32
        %dma_start3A_156 = tpu.memref_slice %arg5[%arg0, %mul3A_154, %dma_start3A_155] : memref<2x10000x64xf32, #tpu.memory_space<hbm>> -> memref<1x80x64xf32, #tpu.memory_space<hbm>>
        %dma_start3A_157 = tpu.memref_squeeze %dma_start3A_156 : memref<1x80x64xf32, #tpu.memory_space<hbm>> -> memref<80x64xf32, #tpu.memory_space<hbm>>
        %dma_start3A_158 = arith.constant 0 : i32
        %dma_start3A_159 = tpu.memref_slice %arg5[%arg0, %mul3A_154, %dma_start3A_158] : memref<2x10000x64xf32, #tpu.memory_space<hbm>> -> memref<1x80x64xf32, #tpu.memory_space<hbm>>
        %dma_start3A_160 = tpu.memref_squeeze %dma_start3A_159 : memref<1x80x64xf32, #tpu.memory_space<hbm>> -> memref<80x64xf32, #tpu.memory_space<hbm>>
        tpu.enqueue_dma source(%arg18 : memref<80x64xf32, #tpu.memory_space<vmem>>) target(%dma_start3A_160 : memref<80x64xf32, #tpu.memory_space<hbm>>) target_semaphore(%run_scoped3A : memref<!tpu.dma_semaphore, #tpu.memory_space<semaphore_mem>>)
        %dma_wait3A_161 = arith.constant 0 : i32
        %dma_wait3A_162 = tpu.memref_slice %arg5[%arg0, %mul3A_154, %dma_wait3A_161] : memref<2x10000x64xf32, #tpu.memory_space<hbm>> -> memref<1x80x64xf32, #tpu.memory_space<hbm>>
        %dma_wait3A_163 = tpu.memref_squeeze %dma_wait3A_162 : memref<1x80x64xf32, #tpu.memory_space<hbm>> -> memref<80x64xf32, #tpu.memory_space<hbm>>
        %dma_wait3A_164 = arith.constant 0 : i32
        %dma_wait3A_165 = tpu.memref_slice %arg5[%arg0, %mul3A_154, %dma_wait3A_164] : memref<2x10000x64xf32, #tpu.memory_space<hbm>> -> memref<1x80x64xf32, #tpu.memory_space<hbm>>
        %dma_wait3A_166 = tpu.memref_squeeze %dma_wait3A_165 : memref<1x80x64xf32, #tpu.memory_space<hbm>> -> memref<80x64xf32, #tpu.memory_space<hbm>>
        tpu.wait_dma2 semaphore(%run_scoped3A : memref<!tpu.dma_semaphore, #tpu.memory_space<semaphore_mem>>) src(%arg18 : memref<80x64xf32, #tpu.memory_space<vmem>>) dst(%dma_wait3A_166 : memref<80x64xf32, #tpu.memory_space<hbm>>)
        tpu.yield
      }) : () -> ()
    } else {
    }
    %add3A_144 = arith.constant 112 : i32
    %add3A_145 = arith.addi %arg1, %add3A_144 : i32
    %lt3A_146 = arith.constant 125 : i32
    %lt3A_147 = arith.cmpi slt, %add3A_145, %lt3A_146 : i32
    %convert_element_type3A_148 = arith.extui %lt3A_147 : i1 to i32
    %cond3A_149 = arith.constant 0 : i32
    %cond3A_150 = arith.cmpi ne, %convert_element_type3A_148, %cond3A_149 : i32
    scf.if %cond3A_150 {
      %mul3A_151 = arith.constant 80 : i32
      %mul3A_152 = arith.muli %add3A_145, %mul3A_151 : i32
      "tpu.region"() ({
        %run_scoped3A = tpu.sem_alloc : memref<!tpu.dma_semaphore, #tpu.memory_space<semaphore_mem>>
        %dma_start3A_155 = arith.constant 0 : i32
        %dma_start3A_156 = tpu.memref_slice %arg19[%mul3A_152, %dma_start3A_155] : memref<10000x64xf32, #tpu.memory_space<vmem_shared>> -> memref<80x64xf32, #tpu.memory_space<vmem_shared>>
        %dma_start3A_157 = arith.constant 0 : i32
        %dma_start3A_158 = tpu.memref_slice %arg19[%mul3A_152, %dma_start3A_157] : memref<10000x64xf32, #tpu.memory_space<vmem_shared>> -> memref<80x64xf32, #tpu.memory_space<vmem_shared>>
        tpu.enqueue_dma source(%dma_start3A_158 : memref<80x64xf32, #tpu.memory_space<vmem_shared>>) target(%arg18 : memref<80x64xf32, #tpu.memory_space<vmem>>) target_semaphore(%run_scoped3A : memref<!tpu.dma_semaphore, #tpu.memory_space<semaphore_mem>>)
        %dma_wait3A_159 = arith.constant 0 : i32
        %dma_wait3A_160 = tpu.memref_slice %arg19[%mul3A_152, %dma_wait3A_159] : memref<10000x64xf32, #tpu.memory_space<vmem_shared>> -> memref<80x64xf32, #tpu.memory_space<vmem_shared>>
        %dma_wait3A_161 = arith.constant 0 : i32
        %dma_wait3A_162 = tpu.memref_slice %arg19[%mul3A_152, %dma_wait3A_161] : memref<10000x64xf32, #tpu.memory_space<vmem_shared>> -> memref<80x64xf32, #tpu.memory_space<vmem_shared>>
        tpu.wait_dma2 semaphore(%run_scoped3A : memref<!tpu.dma_semaphore, #tpu.memory_space<semaphore_mem>>) src(%dma_wait3A_162 : memref<80x64xf32, #tpu.memory_space<vmem_shared>>) dst(%arg18 : memref<80x64xf32, #tpu.memory_space<vmem>>)
        tpu.yield
      }) : () -> ()
      %mul3A_153 = arith.constant 80 : i32
      %mul3A_154 = arith.muli %add3A_145, %mul3A_153 : i32
      "tpu.region"() ({
        %run_scoped3A = tpu.sem_alloc : memref<!tpu.dma_semaphore, #tpu.memory_space<semaphore_mem>>
        %dma_start3A_155 = arith.constant 0 : i32
        %dma_start3A_156 = tpu.memref_slice %arg5[%arg0, %mul3A_154, %dma_start3A_155] : memref<2x10000x64xf32, #tpu.memory_space<hbm>> -> memref<1x80x64xf32, #tpu.memory_space<hbm>>
        %dma_start3A_157 = tpu.memref_squeeze %dma_start3A_156 : memref<1x80x64xf32, #tpu.memory_space<hbm>> -> memref<80x64xf32, #tpu.memory_space<hbm>>
        %dma_start3A_158 = arith.constant 0 : i32
        %dma_start3A_159 = tpu.memref_slice %arg5[%arg0, %mul3A_154, %dma_start3A_158] : memref<2x10000x64xf32, #tpu.memory_space<hbm>> -> memref<1x80x64xf32, #tpu.memory_space<hbm>>
        %dma_start3A_160 = tpu.memref_squeeze %dma_start3A_159 : memref<1x80x64xf32, #tpu.memory_space<hbm>> -> memref<80x64xf32, #tpu.memory_space<hbm>>
        tpu.enqueue_dma source(%arg18 : memref<80x64xf32, #tpu.memory_space<vmem>>) target(%dma_start3A_160 : memref<80x64xf32, #tpu.memory_space<hbm>>) target_semaphore(%run_scoped3A : memref<!tpu.dma_semaphore, #tpu.memory_space<semaphore_mem>>)
        %dma_wait3A_161 = arith.constant 0 : i32
        %dma_wait3A_162 = tpu.memref_slice %arg5[%arg0, %mul3A_154, %dma_wait3A_161] : memref<2x10000x64xf32, #tpu.memory_space<hbm>> -> memref<1x80x64xf32, #tpu.memory_space<hbm>>
        %dma_wait3A_163 = tpu.memref_squeeze %dma_wait3A_162 : memref<1x80x64xf32, #tpu.memory_space<hbm>> -> memref<80x64xf32, #tpu.memory_space<hbm>>
        %dma_wait3A_164 = arith.constant 0 : i32
        %dma_wait3A_165 = tpu.memref_slice %arg5[%arg0, %mul3A_154, %dma_wait3A_164] : memref<2x10000x64xf32, #tpu.memory_space<hbm>> -> memref<1x80x64xf32, #tpu.memory_space<hbm>>
        %dma_wait3A_166 = tpu.memref_squeeze %dma_wait3A_165 : memref<1x80x64xf32, #tpu.memory_space<hbm>> -> memref<80x64xf32, #tpu.memory_space<hbm>>
        tpu.wait_dma2 semaphore(%run_scoped3A : memref<!tpu.dma_semaphore, #tpu.memory_space<semaphore_mem>>) src(%arg18 : memref<80x64xf32, #tpu.memory_space<vmem>>) dst(%dma_wait3A_166 : memref<80x64xf32, #tpu.memory_space<hbm>>)
        tpu.yield
      }) : () -> ()
    } else {
    }
    return
  }
}

#map = affine_map<(d0, d1) -> (0, 0)>
#map1 = affine_map<(d0, d1) -> (0)>
#map2 = affine_map<(d0, d1) -> (0, 0, 0)>
module attributes {stable_mosaic.version = 14 : i64} {
  func.func @body(%arg0: i32, %arg1: i32, %arg2: memref<10000x128xf32, #tpu.memory_space<hbm>>, %arg3: memref<320256xi32, #tpu.memory_space<hbm>>, %arg4: memref<320256xi32, #tpu.memory_space<hbm>>, %arg5: memref<2x10000x128xf32, #tpu.memory_space<hbm>>, %arg6: memref<128xi32, #tpu.memory_space<vmem>>, %arg7: memref<128xi32, #tpu.memory_space<vmem>>, %arg8: memref<128xi32, #tpu.memory_space<vmem>>, %arg9: memref<128xi32, #tpu.memory_space<vmem>>, %arg10: memref<128x128xf32, #tpu.memory_space<vmem>>, %arg11: memref<128x128xf32, #tpu.memory_space<vmem>>, %arg12: memref<16xi32, #tpu.memory_space<vmem>>, %arg13: memref<16xi32, #tpu.memory_space<vmem>>, %arg14: memref<16x128xf32, #tpu.memory_space<vmem>>, %arg15: memref<80x128xf32, #tpu.memory_space<vmem>>, %arg16: memref<10000x128xf32, #tpu.memory_space<vmem_shared>>, %arg17: memref<!tpu.dma_semaphore, #tpu.memory_space<semaphore_mem>>, %arg18: memref<!tpu.dma_semaphore, #tpu.memory_space<semaphore_mem>>) attributes {dimension_semantics = [#tpu.dimension_semantics<core_parallel>, #tpu.dimension_semantics<subcore_parallel>], iteration_bounds = array<i64: 2, 16>, scalar_prefetch = 0 : i64, scratch_operands = 13 : i64, tpu.core_type = #tpu.core_type<sc_vector_subcore>, window_params = [{transform_indices = #map}, {transform_indices = #map1}, {transform_indices = #map1}, {transform_indices = #map2}]} {
    %mul3A = arith.constant 2 : i32
    %mul3A_0 = arith.muli %arg1, %mul3A : i32
    %add3A = arith.addi %mul3A_0, %arg0 : i32
    %mul3A_1 = arith.constant 10000 : i32
    %mul3A_2 = arith.muli %add3A, %mul3A_1 : i32
    %broadcast_in_dim3A = arith.constant 0.000000e+00 : f32
    %broadcast_in_dim3A_3 = vector.broadcast %broadcast_in_dim3A : f32 to vector<16xf32>
    %scan3A = arith.constant 0 : i32
    %scan3A_4 = arith.constant 0 : i32
    %scan3A_5 = arith.constant 80 : i32
    %scan3A_6 = arith.addi %scan3A_4, %scan3A_5 : i32
    %scan3A_7 = arith.constant 1 : i32
    scf.for %scan3A_141 = %scan3A_4 to %scan3A_6 step %scan3A_7  : i32 {
      %swap3A = arith.index_cast %scan3A_141 : i32 to index
      %swap3A_142 = arith.constant 0 : index
      %swap3A_143 = tpu.vector_load %arg15[%swap3A, %swap3A_142] {strides = array<i32>} : memref<80x128xf32, #tpu.memory_space<vmem>>, vector<1x16xf32>,
      %swap3A_144 = vector.shape_cast %swap3A_143 : vector<1x16xf32> to vector<16xf32>
      %swap3A_145 = vector.shape_cast %broadcast_in_dim3A_3 : vector<16xf32> to vector<1x16xf32>
      tpu.vector_store %arg15[%swap3A, %swap3A_142], %swap3A_145 {strides = array<i32>} : memref<80x128xf32, #tpu.memory_space<vmem>>, vector<1x16xf32>,
      %swap3A_146 = arith.index_cast %scan3A_141 : i32 to index
      %swap3A_147 = arith.constant 16 : index
      %swap3A_148 = tpu.vector_load %arg15[%swap3A_146, %swap3A_147] {strides = array<i32>} : memref<80x128xf32, #tpu.memory_space<vmem>>, vector<1x16xf32>,
      %swap3A_149 = vector.shape_cast %swap3A_148 : vector<1x16xf32> to vector<16xf32>
      %swap3A_150 = vector.shape_cast %broadcast_in_dim3A_3 : vector<16xf32> to vector<1x16xf32>
      tpu.vector_store %arg15[%swap3A_146, %swap3A_147], %swap3A_150 {strides = array<i32>} : memref<80x128xf32, #tpu.memory_space<vmem>>, vector<1x16xf32>,
      %swap3A_151 = arith.index_cast %scan3A_141 : i32 to index
      %swap3A_152 = arith.constant 32 : index
      %swap3A_153 = tpu.vector_load %arg15[%swap3A_151, %swap3A_152] {strides = array<i32>} : memref<80x128xf32, #tpu.memory_space<vmem>>, vector<1x16xf32>,
      %swap3A_154 = vector.shape_cast %swap3A_153 : vector<1x16xf32> to vector<16xf32>
      %swap3A_155 = vector.shape_cast %broadcast_in_dim3A_3 : vector<16xf32> to vector<1x16xf32>
      tpu.vector_store %arg15[%swap3A_151, %swap3A_152], %swap3A_155 {strides = array<i32>} : memref<80x128xf32, #tpu.memory_space<vmem>>, vector<1x16xf32>,
      %swap3A_156 = arith.index_cast %scan3A_141 : i32 to index
      %swap3A_157 = arith.constant 48 : index
      %swap3A_158 = tpu.vector_load %arg15[%swap3A_156, %swap3A_157] {strides = array<i32>} : memref<80x128xf32, #tpu.memory_space<vmem>>, vector<1x16xf32>,
      %swap3A_159 = vector.shape_cast %swap3A_158 : vector<1x16xf32> to vector<16xf32>
      %swap3A_160 = vector.shape_cast %broadcast_in_dim3A_3 : vector<16xf32> to vector<1x16xf32>
      tpu.vector_store %arg15[%swap3A_156, %swap3A_157], %swap3A_160 {strides = array<i32>} : memref<80x128xf32, #tpu.memory_space<vmem>>, vector<1x16xf32>,
      %swap3A_161 = arith.index_cast %scan3A_141 : i32 to index
      %swap3A_162 = arith.constant 64 : index
      %swap3A_163 = tpu.vector_load %arg15[%swap3A_161, %swap3A_162] {strides = array<i32>} : memref<80x128xf32, #tpu.memory_space<vmem>>, vector<1x16xf32>,
      %swap3A_164 = vector.shape_cast %swap3A_163 : vector<1x16xf32> to vector<16xf32>
      %swap3A_165 = vector.shape_cast %broadcast_in_dim3A_3 : vector<16xf32> to vector<1x16xf32>
      tpu.vector_store %arg15[%swap3A_161, %swap3A_162], %swap3A_165 {strides = array<i32>} : memref<80x128xf32, #tpu.memory_space<vmem>>, vector<1x16xf32>,
      %swap3A_166 = arith.index_cast %scan3A_141 : i32 to index
      %swap3A_167 = arith.constant 80 : index
      %swap3A_168 = tpu.vector_load %arg15[%swap3A_166, %swap3A_167] {strides = array<i32>} : memref<80x128xf32, #tpu.memory_space<vmem>>, vector<1x16xf32>,
      %swap3A_169 = vector.shape_cast %swap3A_168 : vector<1x16xf32> to vector<16xf32>
      %swap3A_170 = vector.shape_cast %broadcast_in_dim3A_3 : vector<16xf32> to vector<1x16xf32>
      tpu.vector_store %arg15[%swap3A_166, %swap3A_167], %swap3A_170 {strides = array<i32>} : memref<80x128xf32, #tpu.memory_space<vmem>>, vector<1x16xf32>,
      %swap3A_171 = arith.index_cast %scan3A_141 : i32 to index
      %swap3A_172 = arith.constant 96 : index
      %swap3A_173 = tpu.vector_load %arg15[%swap3A_171, %swap3A_172] {strides = array<i32>} : memref<80x128xf32, #tpu.memory_space<vmem>>, vector<1x16xf32>,
      %swap3A_174 = vector.shape_cast %swap3A_173 : vector<1x16xf32> to vector<16xf32>
      %swap3A_175 = vector.shape_cast %broadcast_in_dim3A_3 : vector<16xf32> to vector<1x16xf32>
      tpu.vector_store %arg15[%swap3A_171, %swap3A_172], %swap3A_175 {strides = array<i32>} : memref<80x128xf32, #tpu.memory_space<vmem>>, vector<1x16xf32>,
      %swap3A_176 = arith.index_cast %scan3A_141 : i32 to index
      %swap3A_177 = arith.constant 112 : index
      %swap3A_178 = tpu.vector_load %arg15[%swap3A_176, %swap3A_177] {strides = array<i32>} : memref<80x128xf32, #tpu.memory_space<vmem>>, vector<1x16xf32>,
      %swap3A_179 = vector.shape_cast %swap3A_178 : vector<1x16xf32> to vector<16xf32>
      %swap3A_180 = vector.shape_cast %broadcast_in_dim3A_3 : vector<16xf32> to vector<1x16xf32>
      tpu.vector_store %arg15[%swap3A_176, %swap3A_177], %swap3A_180 {strides = array<i32>} : memref<80x128xf32, #tpu.memory_space<vmem>>, vector<1x16xf32>,
    }
    %scan3A_8 = arith.constant 80 : i32
    %add3A_9 = arith.constant 0 : i32
    %add3A_10 = arith.addi %arg1, %add3A_9 : i32
    %lt3A = arith.constant 125 : i32
    %lt3A_11 = arith.cmpi slt, %add3A_10, %lt3A : i32
    %convert_element_type3A = arith.extui %lt3A_11 : i1 to i32
    %cond3A = arith.constant 0 : i32
    %cond3A_12 = arith.cmpi ne, %convert_element_type3A, %cond3A : i32
    scf.if %cond3A_12 {
      %mul3A_141 = arith.constant 80 : i32
      %mul3A_142 = arith.muli %add3A_10, %mul3A_141 : i32
      "tpu.region"() ({
        %run_scoped3A = tpu.sem_alloc : memref<!tpu.dma_semaphore, #tpu.memory_space<semaphore_mem>>
        %dma_start3A_143 = arith.constant 0 : i32
        %dma_start3A_144 = tpu.memref_slice %arg16[%mul3A_142, %dma_start3A_143] : memref<10000x128xf32, #tpu.memory_space<vmem_shared>> -> memref<80x128xf32, #tpu.memory_space<vmem_shared>>
        %dma_start3A_145 = arith.constant 0 : i32
        %dma_start3A_146 = tpu.memref_slice %arg16[%mul3A_142, %dma_start3A_145] : memref<10000x128xf32, #tpu.memory_space<vmem_shared>> -> memref<80x128xf32, #tpu.memory_space<vmem_shared>>
        tpu.enqueue_dma source(%arg15 : memref<80x128xf32, #tpu.memory_space<vmem>>) target(%dma_start3A_146 : memref<80x128xf32, #tpu.memory_space<vmem_shared>>) target_semaphore(%run_scoped3A : memref<!tpu.dma_semaphore, #tpu.memory_space<semaphore_mem>>)
        %dma_wait3A_147 = arith.constant 0 : i32
        %dma_wait3A_148 = tpu.memref_slice %arg16[%mul3A_142, %dma_wait3A_147] : memref<10000x128xf32, #tpu.memory_space<vmem_shared>> -> memref<80x128xf32, #tpu.memory_space<vmem_shared>>
        %dma_wait3A_149 = arith.constant 0 : i32
        %dma_wait3A_150 = tpu.memref_slice %arg16[%mul3A_142, %dma_wait3A_149] : memref<10000x128xf32, #tpu.memory_space<vmem_shared>> -> memref<80x128xf32, #tpu.memory_space<vmem_shared>>
        tpu.wait_dma2 semaphore(%run_scoped3A : memref<!tpu.dma_semaphore, #tpu.memory_space<semaphore_mem>>) src(%arg15 : memref<80x128xf32, #tpu.memory_space<vmem>>) dst(%dma_wait3A_150 : memref<80x128xf32, #tpu.memory_space<vmem_shared>>)
        tpu.yield
      }) : () -> ()
    } else {
    }
    %add3A_13 = arith.constant 16 : i32
    %add3A_14 = arith.addi %arg1, %add3A_13 : i32
    %lt3A_15 = arith.constant 125 : i32
    %lt3A_16 = arith.cmpi slt, %add3A_14, %lt3A_15 : i32
    %convert_element_type3A_17 = arith.extui %lt3A_16 : i1 to i32
    %cond3A_18 = arith.constant 0 : i32
    %cond3A_19 = arith.cmpi ne, %convert_element_type3A_17, %cond3A_18 : i32
    scf.if %cond3A_19 {
      %mul3A_141 = arith.constant 80 : i32
      %mul3A_142 = arith.muli %add3A_14, %mul3A_141 : i32
      "tpu.region"() ({
        %run_scoped3A = tpu.sem_alloc : memref<!tpu.dma_semaphore, #tpu.memory_space<semaphore_mem>>
        %dma_start3A_143 = arith.constant 0 : i32
        %dma_start3A_144 = tpu.memref_slice %arg16[%mul3A_142, %dma_start3A_143] : memref<10000x128xf32, #tpu.memory_space<vmem_shared>> -> memref<80x128xf32, #tpu.memory_space<vmem_shared>>
        %dma_start3A_145 = arith.constant 0 : i32
        %dma_start3A_146 = tpu.memref_slice %arg16[%mul3A_142, %dma_start3A_145] : memref<10000x128xf32, #tpu.memory_space<vmem_shared>> -> memref<80x128xf32, #tpu.memory_space<vmem_shared>>
        tpu.enqueue_dma source(%arg15 : memref<80x128xf32, #tpu.memory_space<vmem>>) target(%dma_start3A_146 : memref<80x128xf32, #tpu.memory_space<vmem_shared>>) target_semaphore(%run_scoped3A : memref<!tpu.dma_semaphore, #tpu.memory_space<semaphore_mem>>)
        %dma_wait3A_147 = arith.constant 0 : i32
        %dma_wait3A_148 = tpu.memref_slice %arg16[%mul3A_142, %dma_wait3A_147] : memref<10000x128xf32, #tpu.memory_space<vmem_shared>> -> memref<80x128xf32, #tpu.memory_space<vmem_shared>>
        %dma_wait3A_149 = arith.constant 0 : i32
        %dma_wait3A_150 = tpu.memref_slice %arg16[%mul3A_142, %dma_wait3A_149] : memref<10000x128xf32, #tpu.memory_space<vmem_shared>> -> memref<80x128xf32, #tpu.memory_space<vmem_shared>>
        tpu.wait_dma2 semaphore(%run_scoped3A : memref<!tpu.dma_semaphore, #tpu.memory_space<semaphore_mem>>) src(%arg15 : memref<80x128xf32, #tpu.memory_space<vmem>>) dst(%dma_wait3A_150 : memref<80x128xf32, #tpu.memory_space<vmem_shared>>)
        tpu.yield
      }) : () -> ()
    } else {
    }
    %add3A_20 = arith.constant 32 : i32
    %add3A_21 = arith.addi %arg1, %add3A_20 : i32
    %lt3A_22 = arith.constant 125 : i32
    %lt3A_23 = arith.cmpi slt, %add3A_21, %lt3A_22 : i32
    %convert_element_type3A_24 = arith.extui %lt3A_23 : i1 to i32
    %cond3A_25 = arith.constant 0 : i32
    %cond3A_26 = arith.cmpi ne, %convert_element_type3A_24, %cond3A_25 : i32
    scf.if %cond3A_26 {
      %mul3A_141 = arith.constant 80 : i32
      %mul3A_142 = arith.muli %add3A_21, %mul3A_141 : i32
      "tpu.region"() ({
        %run_scoped3A = tpu.sem_alloc : memref<!tpu.dma_semaphore, #tpu.memory_space<semaphore_mem>>
        %dma_start3A_143 = arith.constant 0 : i32
        %dma_start3A_144 = tpu.memref_slice %arg16[%mul3A_142, %dma_start3A_143] : memref<10000x128xf32, #tpu.memory_space<vmem_shared>> -> memref<80x128xf32, #tpu.memory_space<vmem_shared>>
        %dma_start3A_145 = arith.constant 0 : i32
        %dma_start3A_146 = tpu.memref_slice %arg16[%mul3A_142, %dma_start3A_145] : memref<10000x128xf32, #tpu.memory_space<vmem_shared>> -> memref<80x128xf32, #tpu.memory_space<vmem_shared>>
        tpu.enqueue_dma source(%arg15 : memref<80x128xf32, #tpu.memory_space<vmem>>) target(%dma_start3A_146 : memref<80x128xf32, #tpu.memory_space<vmem_shared>>) target_semaphore(%run_scoped3A : memref<!tpu.dma_semaphore, #tpu.memory_space<semaphore_mem>>)
        %dma_wait3A_147 = arith.constant 0 : i32
        %dma_wait3A_148 = tpu.memref_slice %arg16[%mul3A_142, %dma_wait3A_147] : memref<10000x128xf32, #tpu.memory_space<vmem_shared>> -> memref<80x128xf32, #tpu.memory_space<vmem_shared>>
        %dma_wait3A_149 = arith.constant 0 : i32
        %dma_wait3A_150 = tpu.memref_slice %arg16[%mul3A_142, %dma_wait3A_149] : memref<10000x128xf32, #tpu.memory_space<vmem_shared>> -> memref<80x128xf32, #tpu.memory_space<vmem_shared>>
        tpu.wait_dma2 semaphore(%run_scoped3A : memref<!tpu.dma_semaphore, #tpu.memory_space<semaphore_mem>>) src(%arg15 : memref<80x128xf32, #tpu.memory_space<vmem>>) dst(%dma_wait3A_150 : memref<80x128xf32, #tpu.memory_space<vmem_shared>>)
        tpu.yield
      }) : () -> ()
    } else {
    }
    %add3A_27 = arith.constant 48 : i32
    %add3A_28 = arith.addi %arg1, %add3A_27 : i32
    %lt3A_29 = arith.constant 125 : i32
    %lt3A_30 = arith.cmpi slt, %add3A_28, %lt3A_29 : i32
    %convert_element_type3A_31 = arith.extui %lt3A_30 : i1 to i32
    %cond3A_32 = arith.constant 0 : i32
    %cond3A_33 = arith.cmpi ne, %convert_element_type3A_31, %cond3A_32 : i32
    scf.if %cond3A_33 {
      %mul3A_141 = arith.constant 80 : i32
      %mul3A_142 = arith.muli %add3A_28, %mul3A_141 : i32
      "tpu.region"() ({
        %run_scoped3A = tpu.sem_alloc : memref<!tpu.dma_semaphore, #tpu.memory_space<semaphore_mem>>
        %dma_start3A_143 = arith.constant 0 : i32
        %dma_start3A_144 = tpu.memref_slice %arg16[%mul3A_142, %dma_start3A_143] : memref<10000x128xf32, #tpu.memory_space<vmem_shared>> -> memref<80x128xf32, #tpu.memory_space<vmem_shared>>
        %dma_start3A_145 = arith.constant 0 : i32
        %dma_start3A_146 = tpu.memref_slice %arg16[%mul3A_142, %dma_start3A_145] : memref<10000x128xf32, #tpu.memory_space<vmem_shared>> -> memref<80x128xf32, #tpu.memory_space<vmem_shared>>
        tpu.enqueue_dma source(%arg15 : memref<80x128xf32, #tpu.memory_space<vmem>>) target(%dma_start3A_146 : memref<80x128xf32, #tpu.memory_space<vmem_shared>>) target_semaphore(%run_scoped3A : memref<!tpu.dma_semaphore, #tpu.memory_space<semaphore_mem>>)
        %dma_wait3A_147 = arith.constant 0 : i32
        %dma_wait3A_148 = tpu.memref_slice %arg16[%mul3A_142, %dma_wait3A_147] : memref<10000x128xf32, #tpu.memory_space<vmem_shared>> -> memref<80x128xf32, #tpu.memory_space<vmem_shared>>
        %dma_wait3A_149 = arith.constant 0 : i32
        %dma_wait3A_150 = tpu.memref_slice %arg16[%mul3A_142, %dma_wait3A_149] : memref<10000x128xf32, #tpu.memory_space<vmem_shared>> -> memref<80x128xf32, #tpu.memory_space<vmem_shared>>
        tpu.wait_dma2 semaphore(%run_scoped3A : memref<!tpu.dma_semaphore, #tpu.memory_space<semaphore_mem>>) src(%arg15 : memref<80x128xf32, #tpu.memory_space<vmem>>) dst(%dma_wait3A_150 : memref<80x128xf32, #tpu.memory_space<vmem_shared>>)
        tpu.yield
      }) : () -> ()
    } else {
    }
    %add3A_34 = arith.constant 64 : i32
    %add3A_35 = arith.addi %arg1, %add3A_34 : i32
    %lt3A_36 = arith.constant 125 : i32
    %lt3A_37 = arith.cmpi slt, %add3A_35, %lt3A_36 : i32
    %convert_element_type3A_38 = arith.extui %lt3A_37 : i1 to i32
    %cond3A_39 = arith.constant 0 : i32
    %cond3A_40 = arith.cmpi ne, %convert_element_type3A_38, %cond3A_39 : i32
    scf.if %cond3A_40 {
      %mul3A_141 = arith.constant 80 : i32
      %mul3A_142 = arith.muli %add3A_35, %mul3A_141 : i32
      "tpu.region"() ({
        %run_scoped3A = tpu.sem_alloc : memref<!tpu.dma_semaphore, #tpu.memory_space<semaphore_mem>>
        %dma_start3A_143 = arith.constant 0 : i32
        %dma_start3A_144 = tpu.memref_slice %arg16[%mul3A_142, %dma_start3A_143] : memref<10000x128xf32, #tpu.memory_space<vmem_shared>> -> memref<80x128xf32, #tpu.memory_space<vmem_shared>>
        %dma_start3A_145 = arith.constant 0 : i32
        %dma_start3A_146 = tpu.memref_slice %arg16[%mul3A_142, %dma_start3A_145] : memref<10000x128xf32, #tpu.memory_space<vmem_shared>> -> memref<80x128xf32, #tpu.memory_space<vmem_shared>>
        tpu.enqueue_dma source(%arg15 : memref<80x128xf32, #tpu.memory_space<vmem>>) target(%dma_start3A_146 : memref<80x128xf32, #tpu.memory_space<vmem_shared>>) target_semaphore(%run_scoped3A : memref<!tpu.dma_semaphore, #tpu.memory_space<semaphore_mem>>)
        %dma_wait3A_147 = arith.constant 0 : i32
        %dma_wait3A_148 = tpu.memref_slice %arg16[%mul3A_142, %dma_wait3A_147] : memref<10000x128xf32, #tpu.memory_space<vmem_shared>> -> memref<80x128xf32, #tpu.memory_space<vmem_shared>>
        %dma_wait3A_149 = arith.constant 0 : i32
        %dma_wait3A_150 = tpu.memref_slice %arg16[%mul3A_142, %dma_wait3A_149] : memref<10000x128xf32, #tpu.memory_space<vmem_shared>> -> memref<80x128xf32, #tpu.memory_space<vmem_shared>>
        tpu.wait_dma2 semaphore(%run_scoped3A : memref<!tpu.dma_semaphore, #tpu.memory_space<semaphore_mem>>) src(%arg15 : memref<80x128xf32, #tpu.memory_space<vmem>>) dst(%dma_wait3A_150 : memref<80x128xf32, #tpu.memory_space<vmem_shared>>)
        tpu.yield
      }) : () -> ()
    } else {
    }
    %add3A_41 = arith.constant 80 : i32
    %add3A_42 = arith.addi %arg1, %add3A_41 : i32
    %lt3A_43 = arith.constant 125 : i32
    %lt3A_44 = arith.cmpi slt, %add3A_42, %lt3A_43 : i32
    %convert_element_type3A_45 = arith.extui %lt3A_44 : i1 to i32
    %cond3A_46 = arith.constant 0 : i32
    %cond3A_47 = arith.cmpi ne, %convert_element_type3A_45, %cond3A_46 : i32
    scf.if %cond3A_47 {
      %mul3A_141 = arith.constant 80 : i32
      %mul3A_142 = arith.muli %add3A_42, %mul3A_141 : i32
      "tpu.region"() ({
        %run_scoped3A = tpu.sem_alloc : memref<!tpu.dma_semaphore, #tpu.memory_space<semaphore_mem>>
        %dma_start3A_143 = arith.constant 0 : i32
        %dma_start3A_144 = tpu.memref_slice %arg16[%mul3A_142, %dma_start3A_143] : memref<10000x128xf32, #tpu.memory_space<vmem_shared>> -> memref<80x128xf32, #tpu.memory_space<vmem_shared>>
        %dma_start3A_145 = arith.constant 0 : i32
        %dma_start3A_146 = tpu.memref_slice %arg16[%mul3A_142, %dma_start3A_145] : memref<10000x128xf32, #tpu.memory_space<vmem_shared>> -> memref<80x128xf32, #tpu.memory_space<vmem_shared>>
        tpu.enqueue_dma source(%arg15 : memref<80x128xf32, #tpu.memory_space<vmem>>) target(%dma_start3A_146 : memref<80x128xf32, #tpu.memory_space<vmem_shared>>) target_semaphore(%run_scoped3A : memref<!tpu.dma_semaphore, #tpu.memory_space<semaphore_mem>>)
        %dma_wait3A_147 = arith.constant 0 : i32
        %dma_wait3A_148 = tpu.memref_slice %arg16[%mul3A_142, %dma_wait3A_147] : memref<10000x128xf32, #tpu.memory_space<vmem_shared>> -> memref<80x128xf32, #tpu.memory_space<vmem_shared>>
        %dma_wait3A_149 = arith.constant 0 : i32
        %dma_wait3A_150 = tpu.memref_slice %arg16[%mul3A_142, %dma_wait3A_149] : memref<10000x128xf32, #tpu.memory_space<vmem_shared>> -> memref<80x128xf32, #tpu.memory_space<vmem_shared>>
        tpu.wait_dma2 semaphore(%run_scoped3A : memref<!tpu.dma_semaphore, #tpu.memory_space<semaphore_mem>>) src(%arg15 : memref<80x128xf32, #tpu.memory_space<vmem>>) dst(%dma_wait3A_150 : memref<80x128xf32, #tpu.memory_space<vmem_shared>>)
        tpu.yield
      }) : () -> ()
    } else {
    }
    %add3A_48 = arith.constant 96 : i32
    %add3A_49 = arith.addi %arg1, %add3A_48 : i32
    %lt3A_50 = arith.constant 125 : i32
    %lt3A_51 = arith.cmpi slt, %add3A_49, %lt3A_50 : i32
    %convert_element_type3A_52 = arith.extui %lt3A_51 : i1 to i32
    %cond3A_53 = arith.constant 0 : i32
    %cond3A_54 = arith.cmpi ne, %convert_element_type3A_52, %cond3A_53 : i32
    scf.if %cond3A_54 {
      %mul3A_141 = arith.constant 80 : i32
      %mul3A_142 = arith.muli %add3A_49, %mul3A_141 : i32
      "tpu.region"() ({
        %run_scoped3A = tpu.sem_alloc : memref<!tpu.dma_semaphore, #tpu.memory_space<semaphore_mem>>
        %dma_start3A_143 = arith.constant 0 : i32
        %dma_start3A_144 = tpu.memref_slice %arg16[%mul3A_142, %dma_start3A_143] : memref<10000x128xf32, #tpu.memory_space<vmem_shared>> -> memref<80x128xf32, #tpu.memory_space<vmem_shared>>
        %dma_start3A_145 = arith.constant 0 : i32
        %dma_start3A_146 = tpu.memref_slice %arg16[%mul3A_142, %dma_start3A_145] : memref<10000x128xf32, #tpu.memory_space<vmem_shared>> -> memref<80x128xf32, #tpu.memory_space<vmem_shared>>
        tpu.enqueue_dma source(%arg15 : memref<80x128xf32, #tpu.memory_space<vmem>>) target(%dma_start3A_146 : memref<80x128xf32, #tpu.memory_space<vmem_shared>>) target_semaphore(%run_scoped3A : memref<!tpu.dma_semaphore, #tpu.memory_space<semaphore_mem>>)
        %dma_wait3A_147 = arith.constant 0 : i32
        %dma_wait3A_148 = tpu.memref_slice %arg16[%mul3A_142, %dma_wait3A_147] : memref<10000x128xf32, #tpu.memory_space<vmem_shared>> -> memref<80x128xf32, #tpu.memory_space<vmem_shared>>
        %dma_wait3A_149 = arith.constant 0 : i32
        %dma_wait3A_150 = tpu.memref_slice %arg16[%mul3A_142, %dma_wait3A_149] : memref<10000x128xf32, #tpu.memory_space<vmem_shared>> -> memref<80x128xf32, #tpu.memory_space<vmem_shared>>
        tpu.wait_dma2 semaphore(%run_scoped3A : memref<!tpu.dma_semaphore, #tpu.memory_space<semaphore_mem>>) src(%arg15 : memref<80x128xf32, #tpu.memory_space<vmem>>) dst(%dma_wait3A_150 : memref<80x128xf32, #tpu.memory_space<vmem_shared>>)
        tpu.yield
      }) : () -> ()
    } else {
    }
    %add3A_55 = arith.constant 112 : i32
    %add3A_56 = arith.addi %arg1, %add3A_55 : i32
    %lt3A_57 = arith.constant 125 : i32
    %lt3A_58 = arith.cmpi slt, %add3A_56, %lt3A_57 : i32
    %convert_element_type3A_59 = arith.extui %lt3A_58 : i1 to i32
    %cond3A_60 = arith.constant 0 : i32
    %cond3A_61 = arith.cmpi ne, %convert_element_type3A_59, %cond3A_60 : i32
    scf.if %cond3A_61 {
      %mul3A_141 = arith.constant 80 : i32
      %mul3A_142 = arith.muli %add3A_56, %mul3A_141 : i32
      "tpu.region"() ({
        %run_scoped3A = tpu.sem_alloc : memref<!tpu.dma_semaphore, #tpu.memory_space<semaphore_mem>>
        %dma_start3A_143 = arith.constant 0 : i32
        %dma_start3A_144 = tpu.memref_slice %arg16[%mul3A_142, %dma_start3A_143] : memref<10000x128xf32, #tpu.memory_space<vmem_shared>> -> memref<80x128xf32, #tpu.memory_space<vmem_shared>>
        %dma_start3A_145 = arith.constant 0 : i32
        %dma_start3A_146 = tpu.memref_slice %arg16[%mul3A_142, %dma_start3A_145] : memref<10000x128xf32, #tpu.memory_space<vmem_shared>> -> memref<80x128xf32, #tpu.memory_space<vmem_shared>>
        tpu.enqueue_dma source(%arg15 : memref<80x128xf32, #tpu.memory_space<vmem>>) target(%dma_start3A_146 : memref<80x128xf32, #tpu.memory_space<vmem_shared>>) target_semaphore(%run_scoped3A : memref<!tpu.dma_semaphore, #tpu.memory_space<semaphore_mem>>)
        %dma_wait3A_147 = arith.constant 0 : i32
        %dma_wait3A_148 = tpu.memref_slice %arg16[%mul3A_142, %dma_wait3A_147] : memref<10000x128xf32, #tpu.memory_space<vmem_shared>> -> memref<80x128xf32, #tpu.memory_space<vmem_shared>>
        %dma_wait3A_149 = arith.constant 0 : i32
        %dma_wait3A_150 = tpu.memref_slice %arg16[%mul3A_142, %dma_wait3A_149] : memref<10000x128xf32, #tpu.memory_space<vmem_shared>> -> memref<80x128xf32, #tpu.memory_space<vmem_shared>>
        tpu.wait_dma2 semaphore(%run_scoped3A : memref<!tpu.dma_semaphore, #tpu.memory_space<semaphore_mem>>) src(%arg15 : memref<80x128xf32, #tpu.memory_space<vmem>>) dst(%dma_wait3A_150 : memref<80x128xf32, #tpu.memory_space<vmem_shared>>)
        tpu.yield
      }) : () -> ()
    } else {
    }
    %barrier3A = arith.constant 0 : index
    tpu.barrier barrier_id(%barrier3A)
    %add3A_62 = arith.constant 0 : i32
    %add3A_63 = arith.addi %mul3A_2, %add3A_62 : i32
    "tpu.region"() ({
      %run_scoped3A = tpu.sem_alloc : memref<!tpu.dma_semaphore, #tpu.memory_space<semaphore_mem>>
      %dma_start3A_141 = tpu.memref_slice %arg3[%add3A_63] : memref<320256xi32, #tpu.memory_space<hbm>> -> memref<128xi32, #tpu.memory_space<hbm>>
      %dma_start3A_142 = tpu.memref_slice %arg3[%add3A_63] : memref<320256xi32, #tpu.memory_space<hbm>> -> memref<128xi32, #tpu.memory_space<hbm>>
      tpu.enqueue_dma source(%dma_start3A_142 : memref<128xi32, #tpu.memory_space<hbm>>) target(%arg6 : memref<128xi32, #tpu.memory_space<vmem>>) target_semaphore(%run_scoped3A : memref<!tpu.dma_semaphore, #tpu.memory_space<semaphore_mem>>)
      %dma_wait3A_143 = tpu.memref_slice %arg3[%add3A_63] : memref<320256xi32, #tpu.memory_space<hbm>> -> memref<128xi32, #tpu.memory_space<hbm>>
      %dma_wait3A_144 = tpu.memref_slice %arg3[%add3A_63] : memref<320256xi32, #tpu.memory_space<hbm>> -> memref<128xi32, #tpu.memory_space<hbm>>
      tpu.wait_dma2 semaphore(%run_scoped3A : memref<!tpu.dma_semaphore, #tpu.memory_space<semaphore_mem>>) src(%dma_wait3A_144 : memref<128xi32, #tpu.memory_space<hbm>>) dst(%arg6 : memref<128xi32, #tpu.memory_space<vmem>>)
      tpu.yield
    }) : () -> ()
    %add3A_64 = arith.constant 0 : i32
    %add3A_65 = arith.addi %mul3A_2, %add3A_64 : i32
    "tpu.region"() ({
      %run_scoped3A = tpu.sem_alloc : memref<!tpu.dma_semaphore, #tpu.memory_space<semaphore_mem>>
      %dma_start3A_141 = tpu.memref_slice %arg4[%add3A_65] : memref<320256xi32, #tpu.memory_space<hbm>> -> memref<128xi32, #tpu.memory_space<hbm>>
      %dma_start3A_142 = tpu.memref_slice %arg4[%add3A_65] : memref<320256xi32, #tpu.memory_space<hbm>> -> memref<128xi32, #tpu.memory_space<hbm>>
      tpu.enqueue_dma source(%dma_start3A_142 : memref<128xi32, #tpu.memory_space<hbm>>) target(%arg8 : memref<128xi32, #tpu.memory_space<vmem>>) target_semaphore(%run_scoped3A : memref<!tpu.dma_semaphore, #tpu.memory_space<semaphore_mem>>)
      %dma_wait3A_143 = tpu.memref_slice %arg4[%add3A_65] : memref<320256xi32, #tpu.memory_space<hbm>> -> memref<128xi32, #tpu.memory_space<hbm>>
      %dma_wait3A_144 = tpu.memref_slice %arg4[%add3A_65] : memref<320256xi32, #tpu.memory_space<hbm>> -> memref<128xi32, #tpu.memory_space<hbm>>
      tpu.wait_dma2 semaphore(%run_scoped3A : memref<!tpu.dma_semaphore, #tpu.memory_space<semaphore_mem>>) src(%dma_wait3A_144 : memref<128xi32, #tpu.memory_space<hbm>>) dst(%arg8 : memref<128xi32, #tpu.memory_space<vmem>>)
      tpu.yield
    }) : () -> ()
    %dma_start3A = arith.constant 0 : i32
    %dma_start3A_66 = arith.constant 0 : i32
    %dma_start3A_67 = tpu.memref_slice %arg2[%dma_start3A, %dma_start3A_66] : memref<10000x128xf32, #tpu.memory_space<hbm>> -> memref<10000x128xf32, #tpu.memory_space<hbm>>
    tpu.enqueue_indirect_dma source(%dma_start3A_67 : memref<10000x128xf32, #tpu.memory_space<hbm>>) target(%arg10 : memref<128x128xf32, #tpu.memory_space<vmem>>) offsets(%arg6 : memref<128xi32, #tpu.memory_space<vmem>>) semaphore(%arg17 : memref<!tpu.dma_semaphore, #tpu.memory_space<semaphore_mem>>)
    %scan3A_68 = arith.constant 0 : i32
    %scan3A_69 = arith.constant 0 : i32
    %scan3A_70 = arith.constant 39 : i32
    %scan3A_71 = arith.addi %scan3A_69, %scan3A_70 : i32
    %scan3A_72 = arith.constant 1 : i32
    scf.for %scan3A_141 = %scan3A_69 to %scan3A_71 step %scan3A_72  : i32 {
      %mul3A_142 = arith.constant 2 : i32
      %mul3A_143 = arith.muli %scan3A_141, %mul3A_142 : i32
      %add3A_144 = arith.constant 0 : i32
      %add3A_145 = arith.addi %mul3A_143, %add3A_144 : i32
      %add3A_146 = arith.constant 2 : i32
      %add3A_147 = arith.addi %add3A_145, %add3A_146 : i32
      %sub3A = arith.constant 1 : i32
      %sub3A_148 = arith.subi %add3A_147, %sub3A : i32
      %mul3A_149 = arith.constant 128 : i32
      %mul3A_150 = arith.muli %sub3A_148, %mul3A_149 : i32
      %add3A_151 = arith.addi %mul3A_2, %mul3A_150 : i32
      "tpu.region"() ({
        %run_scoped3A = tpu.sem_alloc : memref<!tpu.dma_semaphore, #tpu.memory_space<semaphore_mem>>
        %dma_start3A_175 = tpu.memref_slice %arg3[%add3A_151] : memref<320256xi32, #tpu.memory_space<hbm>> -> memref<128xi32, #tpu.memory_space<hbm>>
        %dma_start3A_176 = tpu.memref_slice %arg3[%add3A_151] : memref<320256xi32, #tpu.memory_space<hbm>> -> memref<128xi32, #tpu.memory_space<hbm>>
        tpu.enqueue_dma source(%dma_start3A_176 : memref<128xi32, #tpu.memory_space<hbm>>) target(%arg7 : memref<128xi32, #tpu.memory_space<vmem>>) target_semaphore(%run_scoped3A : memref<!tpu.dma_semaphore, #tpu.memory_space<semaphore_mem>>)
        %dma_wait3A_177 = tpu.memref_slice %arg3[%add3A_151] : memref<320256xi32, #tpu.memory_space<hbm>> -> memref<128xi32, #tpu.memory_space<hbm>>
        %dma_wait3A_178 = tpu.memref_slice %arg3[%add3A_151] : memref<320256xi32, #tpu.memory_space<hbm>> -> memref<128xi32, #tpu.memory_space<hbm>>
        tpu.wait_dma2 semaphore(%run_scoped3A : memref<!tpu.dma_semaphore, #tpu.memory_space<semaphore_mem>>) src(%dma_wait3A_178 : memref<128xi32, #tpu.memory_space<hbm>>) dst(%arg7 : memref<128xi32, #tpu.memory_space<vmem>>)
        tpu.yield
      }) : () -> ()
      "tpu.region"() ({
        %run_scoped3A = tpu.sem_alloc : memref<!tpu.dma_semaphore, #tpu.memory_space<semaphore_mem>>
        %dma_start3A_175 = tpu.memref_slice %arg4[%add3A_151] : memref<320256xi32, #tpu.memory_space<hbm>> -> memref<128xi32, #tpu.memory_space<hbm>>
        %dma_start3A_176 = tpu.memref_slice %arg4[%add3A_151] : memref<320256xi32, #tpu.memory_space<hbm>> -> memref<128xi32, #tpu.memory_space<hbm>>
        tpu.enqueue_dma source(%dma_start3A_176 : memref<128xi32, #tpu.memory_space<hbm>>) target(%arg9 : memref<128xi32, #tpu.memory_space<vmem>>) target_semaphore(%run_scoped3A : memref<!tpu.dma_semaphore, #tpu.memory_space<semaphore_mem>>)
        %dma_wait3A_177 = tpu.memref_slice %arg4[%add3A_151] : memref<320256xi32, #tpu.memory_space<hbm>> -> memref<128xi32, #tpu.memory_space<hbm>>
        %dma_wait3A_178 = tpu.memref_slice %arg4[%add3A_151] : memref<320256xi32, #tpu.memory_space<hbm>> -> memref<128xi32, #tpu.memory_space<hbm>>
        tpu.wait_dma2 semaphore(%run_scoped3A : memref<!tpu.dma_semaphore, #tpu.memory_space<semaphore_mem>>) src(%dma_wait3A_178 : memref<128xi32, #tpu.memory_space<hbm>>) dst(%arg9 : memref<128xi32, #tpu.memory_space<vmem>>)
        tpu.yield
      }) : () -> ()
      %dma_wait3A_152 = arith.constant 0 : i32
      %dma_wait3A_153 = arith.constant 0 : i32
      %dma_wait3A_154 = tpu.memref_slice %arg2[%dma_wait3A_152, %dma_wait3A_153] : memref<10000x128xf32, #tpu.memory_space<hbm>> -> memref<10000x128xf32, #tpu.memory_space<hbm>>
      tpu.wait_indirect_dma semaphore(%arg17 : memref<!tpu.dma_semaphore, #tpu.memory_space<semaphore_mem>>) src(%dma_wait3A_154 : memref<10000x128xf32, #tpu.memory_space<hbm>>) dst(%arg10 : memref<128x128xf32, #tpu.memory_space<vmem>>)
      %dma_start3A_155 = arith.constant 0 : i32
      %dma_start3A_156 = arith.constant 0 : i32
      %dma_start3A_157 = tpu.memref_slice %arg2[%dma_start3A_155, %dma_start3A_156] : memref<10000x128xf32, #tpu.memory_space<hbm>> -> memref<10000x128xf32, #tpu.memory_space<hbm>>
      tpu.enqueue_indirect_dma source(%dma_start3A_157 : memref<10000x128xf32, #tpu.memory_space<hbm>>) target(%arg11 : memref<128x128xf32, #tpu.memory_space<vmem>>) offsets(%arg7 : memref<128xi32, #tpu.memory_space<vmem>>) semaphore(%arg18 : memref<!tpu.dma_semaphore, #tpu.memory_space<semaphore_mem>>)
      "tpu.region"() ({
        %run_scoped3A = tpu.sem_alloc : memref<!tpu.dma_semaphore, #tpu.memory_space<semaphore_mem>>
        %dma_start3A_175 = arith.constant 0 : i32
        %dma_start3A_176 = arith.constant 0 : i32
        %dma_start3A_177 = tpu.memref_slice %arg16[%dma_start3A_175, %dma_start3A_176] : memref<10000x128xf32, #tpu.memory_space<vmem_shared>> -> memref<10000x128xf32, #tpu.memory_space<vmem_shared>>
        tpu.enqueue_indirect_dma source(%arg10 : memref<128x128xf32, #tpu.memory_space<vmem>>) target(%dma_start3A_177 : memref<10000x128xf32, #tpu.memory_space<vmem_shared>>) offsets(%arg8 : memref<128xi32, #tpu.memory_space<vmem>>) semaphore(%run_scoped3A : memref<!tpu.dma_semaphore, #tpu.memory_space<semaphore_mem>>) {add = true}
        %dma_wait3A_178 = arith.constant 0 : i32
        %dma_wait3A_179 = arith.constant 0 : i32
        %dma_wait3A_180 = tpu.memref_slice %arg16[%dma_wait3A_178, %dma_wait3A_179] : memref<10000x128xf32, #tpu.memory_space<vmem_shared>> -> memref<10000x128xf32, #tpu.memory_space<vmem_shared>>
        tpu.wait_indirect_dma semaphore(%run_scoped3A : memref<!tpu.dma_semaphore, #tpu.memory_space<semaphore_mem>>) src(%arg10 : memref<128x128xf32, #tpu.memory_space<vmem>>) dst(%dma_wait3A_180 : memref<10000x128xf32, #tpu.memory_space<vmem_shared>>)
        tpu.yield
      }) : () -> ()
      %mul3A_158 = arith.constant 2 : i32
      %mul3A_159 = arith.muli %scan3A_141, %mul3A_158 : i32
      %add3A_160 = arith.constant 1 : i32
      %add3A_161 = arith.addi %mul3A_159, %add3A_160 : i32
      %add3A_162 = arith.constant 2 : i32
      %add3A_163 = arith.addi %add3A_161, %add3A_162 : i32
      %sub3A_164 = arith.constant 1 : i32
      %sub3A_165 = arith.subi %add3A_163, %sub3A_164 : i32
      %mul3A_166 = arith.constant 128 : i32
      %mul3A_167 = arith.muli %sub3A_165, %mul3A_166 : i32
      %add3A_168 = arith.addi %mul3A_2, %mul3A_167 : i32
      "tpu.region"() ({
        %run_scoped3A = tpu.sem_alloc : memref<!tpu.dma_semaphore, #tpu.memory_space<semaphore_mem>>
        %dma_start3A_175 = tpu.memref_slice %arg3[%add3A_168] : memref<320256xi32, #tpu.memory_space<hbm>> -> memref<128xi32, #tpu.memory_space<hbm>>
        %dma_start3A_176 = tpu.memref_slice %arg3[%add3A_168] : memref<320256xi32, #tpu.memory_space<hbm>> -> memref<128xi32, #tpu.memory_space<hbm>>
        tpu.enqueue_dma source(%dma_start3A_176 : memref<128xi32, #tpu.memory_space<hbm>>) target(%arg6 : memref<128xi32, #tpu.memory_space<vmem>>) target_semaphore(%run_scoped3A : memref<!tpu.dma_semaphore, #tpu.memory_space<semaphore_mem>>)
        %dma_wait3A_177 = tpu.memref_slice %arg3[%add3A_168] : memref<320256xi32, #tpu.memory_space<hbm>> -> memref<128xi32, #tpu.memory_space<hbm>>
        %dma_wait3A_178 = tpu.memref_slice %arg3[%add3A_168] : memref<320256xi32, #tpu.memory_space<hbm>> -> memref<128xi32, #tpu.memory_space<hbm>>
        tpu.wait_dma2 semaphore(%run_scoped3A : memref<!tpu.dma_semaphore, #tpu.memory_space<semaphore_mem>>) src(%dma_wait3A_178 : memref<128xi32, #tpu.memory_space<hbm>>) dst(%arg6 : memref<128xi32, #tpu.memory_space<vmem>>)
        tpu.yield
      }) : () -> ()
      "tpu.region"() ({
        %run_scoped3A = tpu.sem_alloc : memref<!tpu.dma_semaphore, #tpu.memory_space<semaphore_mem>>
        %dma_start3A_175 = tpu.memref_slice %arg4[%add3A_168] : memref<320256xi32, #tpu.memory_space<hbm>> -> memref<128xi32, #tpu.memory_space<hbm>>
        %dma_start3A_176 = tpu.memref_slice %arg4[%add3A_168] : memref<320256xi32, #tpu.memory_space<hbm>> -> memref<128xi32, #tpu.memory_space<hbm>>
        tpu.enqueue_dma source(%dma_start3A_176 : memref<128xi32, #tpu.memory_space<hbm>>) target(%arg8 : memref<128xi32, #tpu.memory_space<vmem>>) target_semaphore(%run_scoped3A : memref<!tpu.dma_semaphore, #tpu.memory_space<semaphore_mem>>)
        %dma_wait3A_177 = tpu.memref_slice %arg4[%add3A_168] : memref<320256xi32, #tpu.memory_space<hbm>> -> memref<128xi32, #tpu.memory_space<hbm>>
        %dma_wait3A_178 = tpu.memref_slice %arg4[%add3A_168] : memref<320256xi32, #tpu.memory_space<hbm>> -> memref<128xi32, #tpu.memory_space<hbm>>
        tpu.wait_dma2 semaphore(%run_scoped3A : memref<!tpu.dma_semaphore, #tpu.memory_space<semaphore_mem>>) src(%dma_wait3A_178 : memref<128xi32, #tpu.memory_space<hbm>>) dst(%arg8 : memref<128xi32, #tpu.memory_space<vmem>>)
        tpu.yield
      }) : () -> ()
      %dma_wait3A_169 = arith.constant 0 : i32
      %dma_wait3A_170 = arith.constant 0 : i32
      %dma_wait3A_171 = tpu.memref_slice %arg2[%dma_wait3A_169, %dma_wait3A_170] : memref<10000x128xf32, #tpu.memory_space<hbm>> -> memref<10000x128xf32, #tpu.memory_space<hbm>>
      tpu.wait_indirect_dma semaphore(%arg18 : memref<!tpu.dma_semaphore, #tpu.memory_space<semaphore_mem>>) src(%dma_wait3A_171 : memref<10000x128xf32, #tpu.memory_space<hbm>>) dst(%arg11 : memref<128x128xf32, #tpu.memory_space<vmem>>)
      %dma_start3A_172 = arith.constant 0 : i32
      %dma_start3A_173 = arith.constant 0 : i32
      %dma_start3A_174 = tpu.memref_slice %arg2[%dma_start3A_172, %dma_start3A_173] : memref<10000x128xf32, #tpu.memory_space<hbm>> -> memref<10000x128xf32, #tpu.memory_space<hbm>>
      tpu.enqueue_indirect_dma source(%dma_start3A_174 : memref<10000x128xf32, #tpu.memory_space<hbm>>) target(%arg10 : memref<128x128xf32, #tpu.memory_space<vmem>>) offsets(%arg6 : memref<128xi32, #tpu.memory_space<vmem>>) semaphore(%arg17 : memref<!tpu.dma_semaphore, #tpu.memory_space<semaphore_mem>>)
      "tpu.region"() ({
        %run_scoped3A = tpu.sem_alloc : memref<!tpu.dma_semaphore, #tpu.memory_space<semaphore_mem>>
        %dma_start3A_175 = arith.constant 0 : i32
        %dma_start3A_176 = arith.constant 0 : i32
        %dma_start3A_177 = tpu.memref_slice %arg16[%dma_start3A_175, %dma_start3A_176] : memref<10000x128xf32, #tpu.memory_space<vmem_shared>> -> memref<10000x128xf32, #tpu.memory_space<vmem_shared>>
        tpu.enqueue_indirect_dma source(%arg11 : memref<128x128xf32, #tpu.memory_space<vmem>>) target(%dma_start3A_177 : memref<10000x128xf32, #tpu.memory_space<vmem_shared>>) offsets(%arg9 : memref<128xi32, #tpu.memory_space<vmem>>) semaphore(%run_scoped3A : memref<!tpu.dma_semaphore, #tpu.memory_space<semaphore_mem>>) {add = true}
        %dma_wait3A_178 = arith.constant 0 : i32
        %dma_wait3A_179 = arith.constant 0 : i32
        %dma_wait3A_180 = tpu.memref_slice %arg16[%dma_wait3A_178, %dma_wait3A_179] : memref<10000x128xf32, #tpu.memory_space<vmem_shared>> -> memref<10000x128xf32, #tpu.memory_space<vmem_shared>>
        tpu.wait_indirect_dma semaphore(%run_scoped3A : memref<!tpu.dma_semaphore, #tpu.memory_space<semaphore_mem>>) src(%arg11 : memref<128x128xf32, #tpu.memory_space<vmem>>) dst(%dma_wait3A_180 : memref<10000x128xf32, #tpu.memory_space<vmem_shared>>)
        tpu.yield
      }) : () -> ()
    }
    %scan3A_73 = arith.constant 39 : i32
    %dma_wait3A = arith.constant 0 : i32
    %dma_wait3A_74 = arith.constant 0 : i32
    %dma_wait3A_75 = tpu.memref_slice %arg2[%dma_wait3A, %dma_wait3A_74] : memref<10000x128xf32, #tpu.memory_space<hbm>> -> memref<10000x128xf32, #tpu.memory_space<hbm>>
    tpu.wait_indirect_dma semaphore(%arg17 : memref<!tpu.dma_semaphore, #tpu.memory_space<semaphore_mem>>) src(%dma_wait3A_75 : memref<10000x128xf32, #tpu.memory_space<hbm>>) dst(%arg10 : memref<128x128xf32, #tpu.memory_space<vmem>>)
    %add3A_76 = arith.constant 9984 : i32
    %add3A_77 = arith.addi %mul3A_2, %add3A_76 : i32
    "tpu.region"() ({
      %run_scoped3A = tpu.sem_alloc : memref<!tpu.dma_semaphore, #tpu.memory_space<semaphore_mem>>
      %dma_start3A_141 = tpu.memref_slice %arg3[%add3A_77] : memref<320256xi32, #tpu.memory_space<hbm>> -> memref<16xi32, #tpu.memory_space<hbm>>
      %dma_start3A_142 = tpu.memref_slice %arg3[%add3A_77] : memref<320256xi32, #tpu.memory_space<hbm>> -> memref<16xi32, #tpu.memory_space<hbm>>
      tpu.enqueue_dma source(%dma_start3A_142 : memref<16xi32, #tpu.memory_space<hbm>>) target(%arg12 : memref<16xi32, #tpu.memory_space<vmem>>) target_semaphore(%run_scoped3A : memref<!tpu.dma_semaphore, #tpu.memory_space<semaphore_mem>>)
      %dma_wait3A_143 = tpu.memref_slice %arg3[%add3A_77] : memref<320256xi32, #tpu.memory_space<hbm>> -> memref<16xi32, #tpu.memory_space<hbm>>
      %dma_wait3A_144 = tpu.memref_slice %arg3[%add3A_77] : memref<320256xi32, #tpu.memory_space<hbm>> -> memref<16xi32, #tpu.memory_space<hbm>>
      tpu.wait_dma2 semaphore(%run_scoped3A : memref<!tpu.dma_semaphore, #tpu.memory_space<semaphore_mem>>) src(%dma_wait3A_144 : memref<16xi32, #tpu.memory_space<hbm>>) dst(%arg12 : memref<16xi32, #tpu.memory_space<vmem>>)
      tpu.yield
    }) : () -> ()
    "tpu.region"() ({
      %run_scoped3A = tpu.sem_alloc : memref<!tpu.dma_semaphore, #tpu.memory_space<semaphore_mem>>
      %dma_start3A_141 = tpu.memref_slice %arg4[%add3A_77] : memref<320256xi32, #tpu.memory_space<hbm>> -> memref<16xi32, #tpu.memory_space<hbm>>
      %dma_start3A_142 = tpu.memref_slice %arg4[%add3A_77] : memref<320256xi32, #tpu.memory_space<hbm>> -> memref<16xi32, #tpu.memory_space<hbm>>
      tpu.enqueue_dma source(%dma_start3A_142 : memref<16xi32, #tpu.memory_space<hbm>>) target(%arg13 : memref<16xi32, #tpu.memory_space<vmem>>) target_semaphore(%run_scoped3A : memref<!tpu.dma_semaphore, #tpu.memory_space<semaphore_mem>>)
      %dma_wait3A_143 = tpu.memref_slice %arg4[%add3A_77] : memref<320256xi32, #tpu.memory_space<hbm>> -> memref<16xi32, #tpu.memory_space<hbm>>
      %dma_wait3A_144 = tpu.memref_slice %arg4[%add3A_77] : memref<320256xi32, #tpu.memory_space<hbm>> -> memref<16xi32, #tpu.memory_space<hbm>>
      tpu.wait_dma2 semaphore(%run_scoped3A : memref<!tpu.dma_semaphore, #tpu.memory_space<semaphore_mem>>) src(%dma_wait3A_144 : memref<16xi32, #tpu.memory_space<hbm>>) dst(%arg13 : memref<16xi32, #tpu.memory_space<vmem>>)
      tpu.yield
    }) : () -> ()
    %dma_start3A_78 = arith.constant 0 : i32
    %dma_start3A_79 = arith.constant 0 : i32
    %dma_start3A_80 = tpu.memref_slice %arg2[%dma_start3A_78, %dma_start3A_79] : memref<10000x128xf32, #tpu.memory_space<hbm>> -> memref<10000x128xf32, #tpu.memory_space<hbm>>
    tpu.enqueue_indirect_dma source(%dma_start3A_80 : memref<10000x128xf32, #tpu.memory_space<hbm>>) target(%arg14 : memref<16x128xf32, #tpu.memory_space<vmem>>) offsets(%arg12 : memref<16xi32, #tpu.memory_space<vmem>>) semaphore(%arg17 : memref<!tpu.dma_semaphore, #tpu.memory_space<semaphore_mem>>)
    %dma_wait3A_81 = arith.constant 0 : i32
    %dma_wait3A_82 = arith.constant 0 : i32
    %dma_wait3A_83 = tpu.memref_slice %arg2[%dma_wait3A_81, %dma_wait3A_82] : memref<10000x128xf32, #tpu.memory_space<hbm>> -> memref<10000x128xf32, #tpu.memory_space<hbm>>
    tpu.wait_indirect_dma semaphore(%arg17 : memref<!tpu.dma_semaphore, #tpu.memory_space<semaphore_mem>>) src(%dma_wait3A_83 : memref<10000x128xf32, #tpu.memory_space<hbm>>) dst(%arg14 : memref<16x128xf32, #tpu.memory_space<vmem>>)
    "tpu.region"() ({
      %run_scoped3A = tpu.sem_alloc : memref<!tpu.dma_semaphore, #tpu.memory_space<semaphore_mem>>
      %dma_start3A_141 = arith.constant 0 : i32
      %dma_start3A_142 = arith.constant 0 : i32
      %dma_start3A_143 = tpu.memref_slice %arg16[%dma_start3A_141, %dma_start3A_142] : memref<10000x128xf32, #tpu.memory_space<vmem_shared>> -> memref<10000x128xf32, #tpu.memory_space<vmem_shared>>
      tpu.enqueue_indirect_dma source(%arg14 : memref<16x128xf32, #tpu.memory_space<vmem>>) target(%dma_start3A_143 : memref<10000x128xf32, #tpu.memory_space<vmem_shared>>) offsets(%arg13 : memref<16xi32, #tpu.memory_space<vmem>>) semaphore(%run_scoped3A : memref<!tpu.dma_semaphore, #tpu.memory_space<semaphore_mem>>) {add = true}
      %dma_wait3A_144 = arith.constant 0 : i32
      %dma_wait3A_145 = arith.constant 0 : i32
      %dma_wait3A_146 = tpu.memref_slice %arg16[%dma_wait3A_144, %dma_wait3A_145] : memref<10000x128xf32, #tpu.memory_space<vmem_shared>> -> memref<10000x128xf32, #tpu.memory_space<vmem_shared>>
      tpu.wait_indirect_dma semaphore(%run_scoped3A : memref<!tpu.dma_semaphore, #tpu.memory_space<semaphore_mem>>) src(%arg14 : memref<16x128xf32, #tpu.memory_space<vmem>>) dst(%dma_wait3A_146 : memref<10000x128xf32, #tpu.memory_space<vmem_shared>>)
      tpu.yield
    }) : () -> ()
    %barrier3A_84 = arith.constant 0 : index
    tpu.barrier barrier_id(%barrier3A_84)
    %add3A_85 = arith.constant 0 : i32
    %add3A_86 = arith.addi %arg1, %add3A_85 : i32
    %lt3A_87 = arith.constant 125 : i32
    %lt3A_88 = arith.cmpi slt, %add3A_86, %lt3A_87 : i32
    %convert_element_type3A_89 = arith.extui %lt3A_88 : i1 to i32
    %cond3A_90 = arith.constant 0 : i32
    %cond3A_91 = arith.cmpi ne, %convert_element_type3A_89, %cond3A_90 : i32
    scf.if %cond3A_91 {
      %mul3A_141 = arith.constant 80 : i32
      %mul3A_142 = arith.muli %add3A_86, %mul3A_141 : i32
      "tpu.region"() ({
        %run_scoped3A = tpu.sem_alloc : memref<!tpu.dma_semaphore, #tpu.memory_space<semaphore_mem>>
        %dma_start3A_145 = arith.constant 0 : i32
        %dma_start3A_146 = tpu.memref_slice %arg16[%mul3A_142, %dma_start3A_145] : memref<10000x128xf32, #tpu.memory_space<vmem_shared>> -> memref<80x128xf32, #tpu.memory_space<vmem_shared>>
        %dma_start3A_147 = arith.constant 0 : i32
        %dma_start3A_148 = tpu.memref_slice %arg16[%mul3A_142, %dma_start3A_147] : memref<10000x128xf32, #tpu.memory_space<vmem_shared>> -> memref<80x128xf32, #tpu.memory_space<vmem_shared>>
        tpu.enqueue_dma source(%dma_start3A_148 : memref<80x128xf32, #tpu.memory_space<vmem_shared>>) target(%arg15 : memref<80x128xf32, #tpu.memory_space<vmem>>) target_semaphore(%run_scoped3A : memref<!tpu.dma_semaphore, #tpu.memory_space<semaphore_mem>>)
        %dma_wait3A_149 = arith.constant 0 : i32
        %dma_wait3A_150 = tpu.memref_slice %arg16[%mul3A_142, %dma_wait3A_149] : memref<10000x128xf32, #tpu.memory_space<vmem_shared>> -> memref<80x128xf32, #tpu.memory_space<vmem_shared>>
        %dma_wait3A_151 = arith.constant 0 : i32
        %dma_wait3A_152 = tpu.memref_slice %arg16[%mul3A_142, %dma_wait3A_151] : memref<10000x128xf32, #tpu.memory_space<vmem_shared>> -> memref<80x128xf32, #tpu.memory_space<vmem_shared>>
        tpu.wait_dma2 semaphore(%run_scoped3A : memref<!tpu.dma_semaphore, #tpu.memory_space<semaphore_mem>>) src(%dma_wait3A_152 : memref<80x128xf32, #tpu.memory_space<vmem_shared>>) dst(%arg15 : memref<80x128xf32, #tpu.memory_space<vmem>>)
        tpu.yield
      }) : () -> ()
      %mul3A_143 = arith.constant 80 : i32
      %mul3A_144 = arith.muli %add3A_86, %mul3A_143 : i32
      "tpu.region"() ({
        %run_scoped3A = tpu.sem_alloc : memref<!tpu.dma_semaphore, #tpu.memory_space<semaphore_mem>>
        %dma_start3A_145 = arith.constant 0 : i32
        %dma_start3A_146 = tpu.memref_slice %arg5[%arg0, %mul3A_144, %dma_start3A_145] : memref<2x10000x128xf32, #tpu.memory_space<hbm>> -> memref<1x80x128xf32, #tpu.memory_space<hbm>>
        %dma_start3A_147 = tpu.memref_squeeze %dma_start3A_146 : memref<1x80x128xf32, #tpu.memory_space<hbm>> -> memref<80x128xf32, #tpu.memory_space<hbm>>
        %dma_start3A_148 = arith.constant 0 : i32
        %dma_start3A_149 = tpu.memref_slice %arg5[%arg0, %mul3A_144, %dma_start3A_148] : memref<2x10000x128xf32, #tpu.memory_space<hbm>> -> memref<1x80x128xf32, #tpu.memory_space<hbm>>
        %dma_start3A_150 = tpu.memref_squeeze %dma_start3A_149 : memref<1x80x128xf32, #tpu.memory_space<hbm>> -> memref<80x128xf32, #tpu.memory_space<hbm>>
        tpu.enqueue_dma source(%arg15 : memref<80x128xf32, #tpu.memory_space<vmem>>) target(%dma_start3A_150 : memref<80x128xf32, #tpu.memory_space<hbm>>) target_semaphore(%run_scoped3A : memref<!tpu.dma_semaphore, #tpu.memory_space<semaphore_mem>>)
        %dma_wait3A_151 = arith.constant 0 : i32
        %dma_wait3A_152 = tpu.memref_slice %arg5[%arg0, %mul3A_144, %dma_wait3A_151] : memref<2x10000x128xf32, #tpu.memory_space<hbm>> -> memref<1x80x128xf32, #tpu.memory_space<hbm>>
        %dma_wait3A_153 = tpu.memref_squeeze %dma_wait3A_152 : memref<1x80x128xf32, #tpu.memory_space<hbm>> -> memref<80x128xf32, #tpu.memory_space<hbm>>
        %dma_wait3A_154 = arith.constant 0 : i32
        %dma_wait3A_155 = tpu.memref_slice %arg5[%arg0, %mul3A_144, %dma_wait3A_154] : memref<2x10000x128xf32, #tpu.memory_space<hbm>> -> memref<1x80x128xf32, #tpu.memory_space<hbm>>
        %dma_wait3A_156 = tpu.memref_squeeze %dma_wait3A_155 : memref<1x80x128xf32, #tpu.memory_space<hbm>> -> memref<80x128xf32, #tpu.memory_space<hbm>>
        tpu.wait_dma2 semaphore(%run_scoped3A : memref<!tpu.dma_semaphore, #tpu.memory_space<semaphore_mem>>) src(%arg15 : memref<80x128xf32, #tpu.memory_space<vmem>>) dst(%dma_wait3A_156 : memref<80x128xf32, #tpu.memory_space<hbm>>)
        tpu.yield
      }) : () -> ()
    } else {
    }
    %add3A_92 = arith.constant 16 : i32
    %add3A_93 = arith.addi %arg1, %add3A_92 : i32
    %lt3A_94 = arith.constant 125 : i32
    %lt3A_95 = arith.cmpi slt, %add3A_93, %lt3A_94 : i32
    %convert_element_type3A_96 = arith.extui %lt3A_95 : i1 to i32
    %cond3A_97 = arith.constant 0 : i32
    %cond3A_98 = arith.cmpi ne, %convert_element_type3A_96, %cond3A_97 : i32
    scf.if %cond3A_98 {
      %mul3A_141 = arith.constant 80 : i32
      %mul3A_142 = arith.muli %add3A_93, %mul3A_141 : i32
      "tpu.region"() ({
        %run_scoped3A = tpu.sem_alloc : memref<!tpu.dma_semaphore, #tpu.memory_space<semaphore_mem>>
        %dma_start3A_145 = arith.constant 0 : i32
        %dma_start3A_146 = tpu.memref_slice %arg16[%mul3A_142, %dma_start3A_145] : memref<10000x128xf32, #tpu.memory_space<vmem_shared>> -> memref<80x128xf32, #tpu.memory_space<vmem_shared>>
        %dma_start3A_147 = arith.constant 0 : i32
        %dma_start3A_148 = tpu.memref_slice %arg16[%mul3A_142, %dma_start3A_147] : memref<10000x128xf32, #tpu.memory_space<vmem_shared>> -> memref<80x128xf32, #tpu.memory_space<vmem_shared>>
        tpu.enqueue_dma source(%dma_start3A_148 : memref<80x128xf32, #tpu.memory_space<vmem_shared>>) target(%arg15 : memref<80x128xf32, #tpu.memory_space<vmem>>) target_semaphore(%run_scoped3A : memref<!tpu.dma_semaphore, #tpu.memory_space<semaphore_mem>>)
        %dma_wait3A_149 = arith.constant 0 : i32
        %dma_wait3A_150 = tpu.memref_slice %arg16[%mul3A_142, %dma_wait3A_149] : memref<10000x128xf32, #tpu.memory_space<vmem_shared>> -> memref<80x128xf32, #tpu.memory_space<vmem_shared>>
        %dma_wait3A_151 = arith.constant 0 : i32
        %dma_wait3A_152 = tpu.memref_slice %arg16[%mul3A_142, %dma_wait3A_151] : memref<10000x128xf32, #tpu.memory_space<vmem_shared>> -> memref<80x128xf32, #tpu.memory_space<vmem_shared>>
        tpu.wait_dma2 semaphore(%run_scoped3A : memref<!tpu.dma_semaphore, #tpu.memory_space<semaphore_mem>>) src(%dma_wait3A_152 : memref<80x128xf32, #tpu.memory_space<vmem_shared>>) dst(%arg15 : memref<80x128xf32, #tpu.memory_space<vmem>>)
        tpu.yield
      }) : () -> ()
      %mul3A_143 = arith.constant 80 : i32
      %mul3A_144 = arith.muli %add3A_93, %mul3A_143 : i32
      "tpu.region"() ({
        %run_scoped3A = tpu.sem_alloc : memref<!tpu.dma_semaphore, #tpu.memory_space<semaphore_mem>>
        %dma_start3A_145 = arith.constant 0 : i32
        %dma_start3A_146 = tpu.memref_slice %arg5[%arg0, %mul3A_144, %dma_start3A_145] : memref<2x10000x128xf32, #tpu.memory_space<hbm>> -> memref<1x80x128xf32, #tpu.memory_space<hbm>>
        %dma_start3A_147 = tpu.memref_squeeze %dma_start3A_146 : memref<1x80x128xf32, #tpu.memory_space<hbm>> -> memref<80x128xf32, #tpu.memory_space<hbm>>
        %dma_start3A_148 = arith.constant 0 : i32
        %dma_start3A_149 = tpu.memref_slice %arg5[%arg0, %mul3A_144, %dma_start3A_148] : memref<2x10000x128xf32, #tpu.memory_space<hbm>> -> memref<1x80x128xf32, #tpu.memory_space<hbm>>
        %dma_start3A_150 = tpu.memref_squeeze %dma_start3A_149 : memref<1x80x128xf32, #tpu.memory_space<hbm>> -> memref<80x128xf32, #tpu.memory_space<hbm>>
        tpu.enqueue_dma source(%arg15 : memref<80x128xf32, #tpu.memory_space<vmem>>) target(%dma_start3A_150 : memref<80x128xf32, #tpu.memory_space<hbm>>) target_semaphore(%run_scoped3A : memref<!tpu.dma_semaphore, #tpu.memory_space<semaphore_mem>>)
        %dma_wait3A_151 = arith.constant 0 : i32
        %dma_wait3A_152 = tpu.memref_slice %arg5[%arg0, %mul3A_144, %dma_wait3A_151] : memref<2x10000x128xf32, #tpu.memory_space<hbm>> -> memref<1x80x128xf32, #tpu.memory_space<hbm>>
        %dma_wait3A_153 = tpu.memref_squeeze %dma_wait3A_152 : memref<1x80x128xf32, #tpu.memory_space<hbm>> -> memref<80x128xf32, #tpu.memory_space<hbm>>
        %dma_wait3A_154 = arith.constant 0 : i32
        %dma_wait3A_155 = tpu.memref_slice %arg5[%arg0, %mul3A_144, %dma_wait3A_154] : memref<2x10000x128xf32, #tpu.memory_space<hbm>> -> memref<1x80x128xf32, #tpu.memory_space<hbm>>
        %dma_wait3A_156 = tpu.memref_squeeze %dma_wait3A_155 : memref<1x80x128xf32, #tpu.memory_space<hbm>> -> memref<80x128xf32, #tpu.memory_space<hbm>>
        tpu.wait_dma2 semaphore(%run_scoped3A : memref<!tpu.dma_semaphore, #tpu.memory_space<semaphore_mem>>) src(%arg15 : memref<80x128xf32, #tpu.memory_space<vmem>>) dst(%dma_wait3A_156 : memref<80x128xf32, #tpu.memory_space<hbm>>)
        tpu.yield
      }) : () -> ()
    } else {
    }
    %add3A_99 = arith.constant 32 : i32
    %add3A_100 = arith.addi %arg1, %add3A_99 : i32
    %lt3A_101 = arith.constant 125 : i32
    %lt3A_102 = arith.cmpi slt, %add3A_100, %lt3A_101 : i32
    %convert_element_type3A_103 = arith.extui %lt3A_102 : i1 to i32
    %cond3A_104 = arith.constant 0 : i32
    %cond3A_105 = arith.cmpi ne, %convert_element_type3A_103, %cond3A_104 : i32
    scf.if %cond3A_105 {
      %mul3A_141 = arith.constant 80 : i32
      %mul3A_142 = arith.muli %add3A_100, %mul3A_141 : i32
      "tpu.region"() ({
        %run_scoped3A = tpu.sem_alloc : memref<!tpu.dma_semaphore, #tpu.memory_space<semaphore_mem>>
        %dma_start3A_145 = arith.constant 0 : i32
        %dma_start3A_146 = tpu.memref_slice %arg16[%mul3A_142, %dma_start3A_145] : memref<10000x128xf32, #tpu.memory_space<vmem_shared>> -> memref<80x128xf32, #tpu.memory_space<vmem_shared>>
        %dma_start3A_147 = arith.constant 0 : i32
        %dma_start3A_148 = tpu.memref_slice %arg16[%mul3A_142, %dma_start3A_147] : memref<10000x128xf32, #tpu.memory_space<vmem_shared>> -> memref<80x128xf32, #tpu.memory_space<vmem_shared>>
        tpu.enqueue_dma source(%dma_start3A_148 : memref<80x128xf32, #tpu.memory_space<vmem_shared>>) target(%arg15 : memref<80x128xf32, #tpu.memory_space<vmem>>) target_semaphore(%run_scoped3A : memref<!tpu.dma_semaphore, #tpu.memory_space<semaphore_mem>>)
        %dma_wait3A_149 = arith.constant 0 : i32
        %dma_wait3A_150 = tpu.memref_slice %arg16[%mul3A_142, %dma_wait3A_149] : memref<10000x128xf32, #tpu.memory_space<vmem_shared>> -> memref<80x128xf32, #tpu.memory_space<vmem_shared>>
        %dma_wait3A_151 = arith.constant 0 : i32
        %dma_wait3A_152 = tpu.memref_slice %arg16[%mul3A_142, %dma_wait3A_151] : memref<10000x128xf32, #tpu.memory_space<vmem_shared>> -> memref<80x128xf32, #tpu.memory_space<vmem_shared>>
        tpu.wait_dma2 semaphore(%run_scoped3A : memref<!tpu.dma_semaphore, #tpu.memory_space<semaphore_mem>>) src(%dma_wait3A_152 : memref<80x128xf32, #tpu.memory_space<vmem_shared>>) dst(%arg15 : memref<80x128xf32, #tpu.memory_space<vmem>>)
        tpu.yield
      }) : () -> ()
      %mul3A_143 = arith.constant 80 : i32
      %mul3A_144 = arith.muli %add3A_100, %mul3A_143 : i32
      "tpu.region"() ({
        %run_scoped3A = tpu.sem_alloc : memref<!tpu.dma_semaphore, #tpu.memory_space<semaphore_mem>>
        %dma_start3A_145 = arith.constant 0 : i32
        %dma_start3A_146 = tpu.memref_slice %arg5[%arg0, %mul3A_144, %dma_start3A_145] : memref<2x10000x128xf32, #tpu.memory_space<hbm>> -> memref<1x80x128xf32, #tpu.memory_space<hbm>>
        %dma_start3A_147 = tpu.memref_squeeze %dma_start3A_146 : memref<1x80x128xf32, #tpu.memory_space<hbm>> -> memref<80x128xf32, #tpu.memory_space<hbm>>
        %dma_start3A_148 = arith.constant 0 : i32
        %dma_start3A_149 = tpu.memref_slice %arg5[%arg0, %mul3A_144, %dma_start3A_148] : memref<2x10000x128xf32, #tpu.memory_space<hbm>> -> memref<1x80x128xf32, #tpu.memory_space<hbm>>
        %dma_start3A_150 = tpu.memref_squeeze %dma_start3A_149 : memref<1x80x128xf32, #tpu.memory_space<hbm>> -> memref<80x128xf32, #tpu.memory_space<hbm>>
        tpu.enqueue_dma source(%arg15 : memref<80x128xf32, #tpu.memory_space<vmem>>) target(%dma_start3A_150 : memref<80x128xf32, #tpu.memory_space<hbm>>) target_semaphore(%run_scoped3A : memref<!tpu.dma_semaphore, #tpu.memory_space<semaphore_mem>>)
        %dma_wait3A_151 = arith.constant 0 : i32
        %dma_wait3A_152 = tpu.memref_slice %arg5[%arg0, %mul3A_144, %dma_wait3A_151] : memref<2x10000x128xf32, #tpu.memory_space<hbm>> -> memref<1x80x128xf32, #tpu.memory_space<hbm>>
        %dma_wait3A_153 = tpu.memref_squeeze %dma_wait3A_152 : memref<1x80x128xf32, #tpu.memory_space<hbm>> -> memref<80x128xf32, #tpu.memory_space<hbm>>
        %dma_wait3A_154 = arith.constant 0 : i32
        %dma_wait3A_155 = tpu.memref_slice %arg5[%arg0, %mul3A_144, %dma_wait3A_154] : memref<2x10000x128xf32, #tpu.memory_space<hbm>> -> memref<1x80x128xf32, #tpu.memory_space<hbm>>
        %dma_wait3A_156 = tpu.memref_squeeze %dma_wait3A_155 : memref<1x80x128xf32, #tpu.memory_space<hbm>> -> memref<80x128xf32, #tpu.memory_space<hbm>>
        tpu.wait_dma2 semaphore(%run_scoped3A : memref<!tpu.dma_semaphore, #tpu.memory_space<semaphore_mem>>) src(%arg15 : memref<80x128xf32, #tpu.memory_space<vmem>>) dst(%dma_wait3A_156 : memref<80x128xf32, #tpu.memory_space<hbm>>)
        tpu.yield
      }) : () -> ()
    } else {
    }
    %add3A_106 = arith.constant 48 : i32
    %add3A_107 = arith.addi %arg1, %add3A_106 : i32
    %lt3A_108 = arith.constant 125 : i32
    %lt3A_109 = arith.cmpi slt, %add3A_107, %lt3A_108 : i32
    %convert_element_type3A_110 = arith.extui %lt3A_109 : i1 to i32
    %cond3A_111 = arith.constant 0 : i32
    %cond3A_112 = arith.cmpi ne, %convert_element_type3A_110, %cond3A_111 : i32
    scf.if %cond3A_112 {
      %mul3A_141 = arith.constant 80 : i32
      %mul3A_142 = arith.muli %add3A_107, %mul3A_141 : i32
      "tpu.region"() ({
        %run_scoped3A = tpu.sem_alloc : memref<!tpu.dma_semaphore, #tpu.memory_space<semaphore_mem>>
        %dma_start3A_145 = arith.constant 0 : i32
        %dma_start3A_146 = tpu.memref_slice %arg16[%mul3A_142, %dma_start3A_145] : memref<10000x128xf32, #tpu.memory_space<vmem_shared>> -> memref<80x128xf32, #tpu.memory_space<vmem_shared>>
        %dma_start3A_147 = arith.constant 0 : i32
        %dma_start3A_148 = tpu.memref_slice %arg16[%mul3A_142, %dma_start3A_147] : memref<10000x128xf32, #tpu.memory_space<vmem_shared>> -> memref<80x128xf32, #tpu.memory_space<vmem_shared>>
        tpu.enqueue_dma source(%dma_start3A_148 : memref<80x128xf32, #tpu.memory_space<vmem_shared>>) target(%arg15 : memref<80x128xf32, #tpu.memory_space<vmem>>) target_semaphore(%run_scoped3A : memref<!tpu.dma_semaphore, #tpu.memory_space<semaphore_mem>>)
        %dma_wait3A_149 = arith.constant 0 : i32
        %dma_wait3A_150 = tpu.memref_slice %arg16[%mul3A_142, %dma_wait3A_149] : memref<10000x128xf32, #tpu.memory_space<vmem_shared>> -> memref<80x128xf32, #tpu.memory_space<vmem_shared>>
        %dma_wait3A_151 = arith.constant 0 : i32
        %dma_wait3A_152 = tpu.memref_slice %arg16[%mul3A_142, %dma_wait3A_151] : memref<10000x128xf32, #tpu.memory_space<vmem_shared>> -> memref<80x128xf32, #tpu.memory_space<vmem_shared>>
        tpu.wait_dma2 semaphore(%run_scoped3A : memref<!tpu.dma_semaphore, #tpu.memory_space<semaphore_mem>>) src(%dma_wait3A_152 : memref<80x128xf32, #tpu.memory_space<vmem_shared>>) dst(%arg15 : memref<80x128xf32, #tpu.memory_space<vmem>>)
        tpu.yield
      }) : () -> ()
      %mul3A_143 = arith.constant 80 : i32
      %mul3A_144 = arith.muli %add3A_107, %mul3A_143 : i32
      "tpu.region"() ({
        %run_scoped3A = tpu.sem_alloc : memref<!tpu.dma_semaphore, #tpu.memory_space<semaphore_mem>>
        %dma_start3A_145 = arith.constant 0 : i32
        %dma_start3A_146 = tpu.memref_slice %arg5[%arg0, %mul3A_144, %dma_start3A_145] : memref<2x10000x128xf32, #tpu.memory_space<hbm>> -> memref<1x80x128xf32, #tpu.memory_space<hbm>>
        %dma_start3A_147 = tpu.memref_squeeze %dma_start3A_146 : memref<1x80x128xf32, #tpu.memory_space<hbm>> -> memref<80x128xf32, #tpu.memory_space<hbm>>
        %dma_start3A_148 = arith.constant 0 : i32
        %dma_start3A_149 = tpu.memref_slice %arg5[%arg0, %mul3A_144, %dma_start3A_148] : memref<2x10000x128xf32, #tpu.memory_space<hbm>> -> memref<1x80x128xf32, #tpu.memory_space<hbm>>
        %dma_start3A_150 = tpu.memref_squeeze %dma_start3A_149 : memref<1x80x128xf32, #tpu.memory_space<hbm>> -> memref<80x128xf32, #tpu.memory_space<hbm>>
        tpu.enqueue_dma source(%arg15 : memref<80x128xf32, #tpu.memory_space<vmem>>) target(%dma_start3A_150 : memref<80x128xf32, #tpu.memory_space<hbm>>) target_semaphore(%run_scoped3A : memref<!tpu.dma_semaphore, #tpu.memory_space<semaphore_mem>>)
        %dma_wait3A_151 = arith.constant 0 : i32
        %dma_wait3A_152 = tpu.memref_slice %arg5[%arg0, %mul3A_144, %dma_wait3A_151] : memref<2x10000x128xf32, #tpu.memory_space<hbm>> -> memref<1x80x128xf32, #tpu.memory_space<hbm>>
        %dma_wait3A_153 = tpu.memref_squeeze %dma_wait3A_152 : memref<1x80x128xf32, #tpu.memory_space<hbm>> -> memref<80x128xf32, #tpu.memory_space<hbm>>
        %dma_wait3A_154 = arith.constant 0 : i32
        %dma_wait3A_155 = tpu.memref_slice %arg5[%arg0, %mul3A_144, %dma_wait3A_154] : memref<2x10000x128xf32, #tpu.memory_space<hbm>> -> memref<1x80x128xf32, #tpu.memory_space<hbm>>
        %dma_wait3A_156 = tpu.memref_squeeze %dma_wait3A_155 : memref<1x80x128xf32, #tpu.memory_space<hbm>> -> memref<80x128xf32, #tpu.memory_space<hbm>>
        tpu.wait_dma2 semaphore(%run_scoped3A : memref<!tpu.dma_semaphore, #tpu.memory_space<semaphore_mem>>) src(%arg15 : memref<80x128xf32, #tpu.memory_space<vmem>>) dst(%dma_wait3A_156 : memref<80x128xf32, #tpu.memory_space<hbm>>)
        tpu.yield
      }) : () -> ()
    } else {
    }
    %add3A_113 = arith.constant 64 : i32
    %add3A_114 = arith.addi %arg1, %add3A_113 : i32
    %lt3A_115 = arith.constant 125 : i32
    %lt3A_116 = arith.cmpi slt, %add3A_114, %lt3A_115 : i32
    %convert_element_type3A_117 = arith.extui %lt3A_116 : i1 to i32
    %cond3A_118 = arith.constant 0 : i32
    %cond3A_119 = arith.cmpi ne, %convert_element_type3A_117, %cond3A_118 : i32
    scf.if %cond3A_119 {
      %mul3A_141 = arith.constant 80 : i32
      %mul3A_142 = arith.muli %add3A_114, %mul3A_141 : i32
      "tpu.region"() ({
        %run_scoped3A = tpu.sem_alloc : memref<!tpu.dma_semaphore, #tpu.memory_space<semaphore_mem>>
        %dma_start3A_145 = arith.constant 0 : i32
        %dma_start3A_146 = tpu.memref_slice %arg16[%mul3A_142, %dma_start3A_145] : memref<10000x128xf32, #tpu.memory_space<vmem_shared>> -> memref<80x128xf32, #tpu.memory_space<vmem_shared>>
        %dma_start3A_147 = arith.constant 0 : i32
        %dma_start3A_148 = tpu.memref_slice %arg16[%mul3A_142, %dma_start3A_147] : memref<10000x128xf32, #tpu.memory_space<vmem_shared>> -> memref<80x128xf32, #tpu.memory_space<vmem_shared>>
        tpu.enqueue_dma source(%dma_start3A_148 : memref<80x128xf32, #tpu.memory_space<vmem_shared>>) target(%arg15 : memref<80x128xf32, #tpu.memory_space<vmem>>) target_semaphore(%run_scoped3A : memref<!tpu.dma_semaphore, #tpu.memory_space<semaphore_mem>>)
        %dma_wait3A_149 = arith.constant 0 : i32
        %dma_wait3A_150 = tpu.memref_slice %arg16[%mul3A_142, %dma_wait3A_149] : memref<10000x128xf32, #tpu.memory_space<vmem_shared>> -> memref<80x128xf32, #tpu.memory_space<vmem_shared>>
        %dma_wait3A_151 = arith.constant 0 : i32
        %dma_wait3A_152 = tpu.memref_slice %arg16[%mul3A_142, %dma_wait3A_151] : memref<10000x128xf32, #tpu.memory_space<vmem_shared>> -> memref<80x128xf32, #tpu.memory_space<vmem_shared>>
        tpu.wait_dma2 semaphore(%run_scoped3A : memref<!tpu.dma_semaphore, #tpu.memory_space<semaphore_mem>>) src(%dma_wait3A_152 : memref<80x128xf32, #tpu.memory_space<vmem_shared>>) dst(%arg15 : memref<80x128xf32, #tpu.memory_space<vmem>>)
        tpu.yield
      }) : () -> ()
      %mul3A_143 = arith.constant 80 : i32
      %mul3A_144 = arith.muli %add3A_114, %mul3A_143 : i32
      "tpu.region"() ({
        %run_scoped3A = tpu.sem_alloc : memref<!tpu.dma_semaphore, #tpu.memory_space<semaphore_mem>>
        %dma_start3A_145 = arith.constant 0 : i32
        %dma_start3A_146 = tpu.memref_slice %arg5[%arg0, %mul3A_144, %dma_start3A_145] : memref<2x10000x128xf32, #tpu.memory_space<hbm>> -> memref<1x80x128xf32, #tpu.memory_space<hbm>>
        %dma_start3A_147 = tpu.memref_squeeze %dma_start3A_146 : memref<1x80x128xf32, #tpu.memory_space<hbm>> -> memref<80x128xf32, #tpu.memory_space<hbm>>
        %dma_start3A_148 = arith.constant 0 : i32
        %dma_start3A_149 = tpu.memref_slice %arg5[%arg0, %mul3A_144, %dma_start3A_148] : memref<2x10000x128xf32, #tpu.memory_space<hbm>> -> memref<1x80x128xf32, #tpu.memory_space<hbm>>
        %dma_start3A_150 = tpu.memref_squeeze %dma_start3A_149 : memref<1x80x128xf32, #tpu.memory_space<hbm>> -> memref<80x128xf32, #tpu.memory_space<hbm>>
        tpu.enqueue_dma source(%arg15 : memref<80x128xf32, #tpu.memory_space<vmem>>) target(%dma_start3A_150 : memref<80x128xf32, #tpu.memory_space<hbm>>) target_semaphore(%run_scoped3A : memref<!tpu.dma_semaphore, #tpu.memory_space<semaphore_mem>>)
        %dma_wait3A_151 = arith.constant 0 : i32
        %dma_wait3A_152 = tpu.memref_slice %arg5[%arg0, %mul3A_144, %dma_wait3A_151] : memref<2x10000x128xf32, #tpu.memory_space<hbm>> -> memref<1x80x128xf32, #tpu.memory_space<hbm>>
        %dma_wait3A_153 = tpu.memref_squeeze %dma_wait3A_152 : memref<1x80x128xf32, #tpu.memory_space<hbm>> -> memref<80x128xf32, #tpu.memory_space<hbm>>
        %dma_wait3A_154 = arith.constant 0 : i32
        %dma_wait3A_155 = tpu.memref_slice %arg5[%arg0, %mul3A_144, %dma_wait3A_154] : memref<2x10000x128xf32, #tpu.memory_space<hbm>> -> memref<1x80x128xf32, #tpu.memory_space<hbm>>
        %dma_wait3A_156 = tpu.memref_squeeze %dma_wait3A_155 : memref<1x80x128xf32, #tpu.memory_space<hbm>> -> memref<80x128xf32, #tpu.memory_space<hbm>>
        tpu.wait_dma2 semaphore(%run_scoped3A : memref<!tpu.dma_semaphore, #tpu.memory_space<semaphore_mem>>) src(%arg15 : memref<80x128xf32, #tpu.memory_space<vmem>>) dst(%dma_wait3A_156 : memref<80x128xf32, #tpu.memory_space<hbm>>)
        tpu.yield
      }) : () -> ()
    } else {
    }
    %add3A_120 = arith.constant 80 : i32
    %add3A_121 = arith.addi %arg1, %add3A_120 : i32
    %lt3A_122 = arith.constant 125 : i32
    %lt3A_123 = arith.cmpi slt, %add3A_121, %lt3A_122 : i32
    %convert_element_type3A_124 = arith.extui %lt3A_123 : i1 to i32
    %cond3A_125 = arith.constant 0 : i32
    %cond3A_126 = arith.cmpi ne, %convert_element_type3A_124, %cond3A_125 : i32
    scf.if %cond3A_126 {
      %mul3A_141 = arith.constant 80 : i32
      %mul3A_142 = arith.muli %add3A_121, %mul3A_141 : i32
      "tpu.region"() ({
        %run_scoped3A = tpu.sem_alloc : memref<!tpu.dma_semaphore, #tpu.memory_space<semaphore_mem>>
        %dma_start3A_145 = arith.constant 0 : i32
        %dma_start3A_146 = tpu.memref_slice %arg16[%mul3A_142, %dma_start3A_145] : memref<10000x128xf32, #tpu.memory_space<vmem_shared>> -> memref<80x128xf32, #tpu.memory_space<vmem_shared>>
        %dma_start3A_147 = arith.constant 0 : i32
        %dma_start3A_148 = tpu.memref_slice %arg16[%mul3A_142, %dma_start3A_147] : memref<10000x128xf32, #tpu.memory_space<vmem_shared>> -> memref<80x128xf32, #tpu.memory_space<vmem_shared>>
        tpu.enqueue_dma source(%dma_start3A_148 : memref<80x128xf32, #tpu.memory_space<vmem_shared>>) target(%arg15 : memref<80x128xf32, #tpu.memory_space<vmem>>) target_semaphore(%run_scoped3A : memref<!tpu.dma_semaphore, #tpu.memory_space<semaphore_mem>>)
        %dma_wait3A_149 = arith.constant 0 : i32
        %dma_wait3A_150 = tpu.memref_slice %arg16[%mul3A_142, %dma_wait3A_149] : memref<10000x128xf32, #tpu.memory_space<vmem_shared>> -> memref<80x128xf32, #tpu.memory_space<vmem_shared>>
        %dma_wait3A_151 = arith.constant 0 : i32
        %dma_wait3A_152 = tpu.memref_slice %arg16[%mul3A_142, %dma_wait3A_151] : memref<10000x128xf32, #tpu.memory_space<vmem_shared>> -> memref<80x128xf32, #tpu.memory_space<vmem_shared>>
        tpu.wait_dma2 semaphore(%run_scoped3A : memref<!tpu.dma_semaphore, #tpu.memory_space<semaphore_mem>>) src(%dma_wait3A_152 : memref<80x128xf32, #tpu.memory_space<vmem_shared>>) dst(%arg15 : memref<80x128xf32, #tpu.memory_space<vmem>>)
        tpu.yield
      }) : () -> ()
      %mul3A_143 = arith.constant 80 : i32
      %mul3A_144 = arith.muli %add3A_121, %mul3A_143 : i32
      "tpu.region"() ({
        %run_scoped3A = tpu.sem_alloc : memref<!tpu.dma_semaphore, #tpu.memory_space<semaphore_mem>>
        %dma_start3A_145 = arith.constant 0 : i32
        %dma_start3A_146 = tpu.memref_slice %arg5[%arg0, %mul3A_144, %dma_start3A_145] : memref<2x10000x128xf32, #tpu.memory_space<hbm>> -> memref<1x80x128xf32, #tpu.memory_space<hbm>>
        %dma_start3A_147 = tpu.memref_squeeze %dma_start3A_146 : memref<1x80x128xf32, #tpu.memory_space<hbm>> -> memref<80x128xf32, #tpu.memory_space<hbm>>
        %dma_start3A_148 = arith.constant 0 : i32
        %dma_start3A_149 = tpu.memref_slice %arg5[%arg0, %mul3A_144, %dma_start3A_148] : memref<2x10000x128xf32, #tpu.memory_space<hbm>> -> memref<1x80x128xf32, #tpu.memory_space<hbm>>
        %dma_start3A_150 = tpu.memref_squeeze %dma_start3A_149 : memref<1x80x128xf32, #tpu.memory_space<hbm>> -> memref<80x128xf32, #tpu.memory_space<hbm>>
        tpu.enqueue_dma source(%arg15 : memref<80x128xf32, #tpu.memory_space<vmem>>) target(%dma_start3A_150 : memref<80x128xf32, #tpu.memory_space<hbm>>) target_semaphore(%run_scoped3A : memref<!tpu.dma_semaphore, #tpu.memory_space<semaphore_mem>>)
        %dma_wait3A_151 = arith.constant 0 : i32
        %dma_wait3A_152 = tpu.memref_slice %arg5[%arg0, %mul3A_144, %dma_wait3A_151] : memref<2x10000x128xf32, #tpu.memory_space<hbm>> -> memref<1x80x128xf32, #tpu.memory_space<hbm>>
        %dma_wait3A_153 = tpu.memref_squeeze %dma_wait3A_152 : memref<1x80x128xf32, #tpu.memory_space<hbm>> -> memref<80x128xf32, #tpu.memory_space<hbm>>
        %dma_wait3A_154 = arith.constant 0 : i32
        %dma_wait3A_155 = tpu.memref_slice %arg5[%arg0, %mul3A_144, %dma_wait3A_154] : memref<2x10000x128xf32, #tpu.memory_space<hbm>> -> memref<1x80x128xf32, #tpu.memory_space<hbm>>
        %dma_wait3A_156 = tpu.memref_squeeze %dma_wait3A_155 : memref<1x80x128xf32, #tpu.memory_space<hbm>> -> memref<80x128xf32, #tpu.memory_space<hbm>>
        tpu.wait_dma2 semaphore(%run_scoped3A : memref<!tpu.dma_semaphore, #tpu.memory_space<semaphore_mem>>) src(%arg15 : memref<80x128xf32, #tpu.memory_space<vmem>>) dst(%dma_wait3A_156 : memref<80x128xf32, #tpu.memory_space<hbm>>)
        tpu.yield
      }) : () -> ()
    } else {
    }
    %add3A_127 = arith.constant 96 : i32
    %add3A_128 = arith.addi %arg1, %add3A_127 : i32
    %lt3A_129 = arith.constant 125 : i32
    %lt3A_130 = arith.cmpi slt, %add3A_128, %lt3A_129 : i32
    %convert_element_type3A_131 = arith.extui %lt3A_130 : i1 to i32
    %cond3A_132 = arith.constant 0 : i32
    %cond3A_133 = arith.cmpi ne, %convert_element_type3A_131, %cond3A_132 : i32
    scf.if %cond3A_133 {
      %mul3A_141 = arith.constant 80 : i32
      %mul3A_142 = arith.muli %add3A_128, %mul3A_141 : i32
      "tpu.region"() ({
        %run_scoped3A = tpu.sem_alloc : memref<!tpu.dma_semaphore, #tpu.memory_space<semaphore_mem>>
        %dma_start3A_145 = arith.constant 0 : i32
        %dma_start3A_146 = tpu.memref_slice %arg16[%mul3A_142, %dma_start3A_145] : memref<10000x128xf32, #tpu.memory_space<vmem_shared>> -> memref<80x128xf32, #tpu.memory_space<vmem_shared>>
        %dma_start3A_147 = arith.constant 0 : i32
        %dma_start3A_148 = tpu.memref_slice %arg16[%mul3A_142, %dma_start3A_147] : memref<10000x128xf32, #tpu.memory_space<vmem_shared>> -> memref<80x128xf32, #tpu.memory_space<vmem_shared>>
        tpu.enqueue_dma source(%dma_start3A_148 : memref<80x128xf32, #tpu.memory_space<vmem_shared>>) target(%arg15 : memref<80x128xf32, #tpu.memory_space<vmem>>) target_semaphore(%run_scoped3A : memref<!tpu.dma_semaphore, #tpu.memory_space<semaphore_mem>>)
        %dma_wait3A_149 = arith.constant 0 : i32
        %dma_wait3A_150 = tpu.memref_slice %arg16[%mul3A_142, %dma_wait3A_149] : memref<10000x128xf32, #tpu.memory_space<vmem_shared>> -> memref<80x128xf32, #tpu.memory_space<vmem_shared>>
        %dma_wait3A_151 = arith.constant 0 : i32
        %dma_wait3A_152 = tpu.memref_slice %arg16[%mul3A_142, %dma_wait3A_151] : memref<10000x128xf32, #tpu.memory_space<vmem_shared>> -> memref<80x128xf32, #tpu.memory_space<vmem_shared>>
        tpu.wait_dma2 semaphore(%run_scoped3A : memref<!tpu.dma_semaphore, #tpu.memory_space<semaphore_mem>>) src(%dma_wait3A_152 : memref<80x128xf32, #tpu.memory_space<vmem_shared>>) dst(%arg15 : memref<80x128xf32, #tpu.memory_space<vmem>>)
        tpu.yield
      }) : () -> ()
      %mul3A_143 = arith.constant 80 : i32
      %mul3A_144 = arith.muli %add3A_128, %mul3A_143 : i32
      "tpu.region"() ({
        %run_scoped3A = tpu.sem_alloc : memref<!tpu.dma_semaphore, #tpu.memory_space<semaphore_mem>>
        %dma_start3A_145 = arith.constant 0 : i32
        %dma_start3A_146 = tpu.memref_slice %arg5[%arg0, %mul3A_144, %dma_start3A_145] : memref<2x10000x128xf32, #tpu.memory_space<hbm>> -> memref<1x80x128xf32, #tpu.memory_space<hbm>>
        %dma_start3A_147 = tpu.memref_squeeze %dma_start3A_146 : memref<1x80x128xf32, #tpu.memory_space<hbm>> -> memref<80x128xf32, #tpu.memory_space<hbm>>
        %dma_start3A_148 = arith.constant 0 : i32
        %dma_start3A_149 = tpu.memref_slice %arg5[%arg0, %mul3A_144, %dma_start3A_148] : memref<2x10000x128xf32, #tpu.memory_space<hbm>> -> memref<1x80x128xf32, #tpu.memory_space<hbm>>
        %dma_start3A_150 = tpu.memref_squeeze %dma_start3A_149 : memref<1x80x128xf32, #tpu.memory_space<hbm>> -> memref<80x128xf32, #tpu.memory_space<hbm>>
        tpu.enqueue_dma source(%arg15 : memref<80x128xf32, #tpu.memory_space<vmem>>) target(%dma_start3A_150 : memref<80x128xf32, #tpu.memory_space<hbm>>) target_semaphore(%run_scoped3A : memref<!tpu.dma_semaphore, #tpu.memory_space<semaphore_mem>>)
        %dma_wait3A_151 = arith.constant 0 : i32
        %dma_wait3A_152 = tpu.memref_slice %arg5[%arg0, %mul3A_144, %dma_wait3A_151] : memref<2x10000x128xf32, #tpu.memory_space<hbm>> -> memref<1x80x128xf32, #tpu.memory_space<hbm>>
        %dma_wait3A_153 = tpu.memref_squeeze %dma_wait3A_152 : memref<1x80x128xf32, #tpu.memory_space<hbm>> -> memref<80x128xf32, #tpu.memory_space<hbm>>
        %dma_wait3A_154 = arith.constant 0 : i32
        %dma_wait3A_155 = tpu.memref_slice %arg5[%arg0, %mul3A_144, %dma_wait3A_154] : memref<2x10000x128xf32, #tpu.memory_space<hbm>> -> memref<1x80x128xf32, #tpu.memory_space<hbm>>
        %dma_wait3A_156 = tpu.memref_squeeze %dma_wait3A_155 : memref<1x80x128xf32, #tpu.memory_space<hbm>> -> memref<80x128xf32, #tpu.memory_space<hbm>>
        tpu.wait_dma2 semaphore(%run_scoped3A : memref<!tpu.dma_semaphore, #tpu.memory_space<semaphore_mem>>) src(%arg15 : memref<80x128xf32, #tpu.memory_space<vmem>>) dst(%dma_wait3A_156 : memref<80x128xf32, #tpu.memory_space<hbm>>)
        tpu.yield
      }) : () -> ()
    } else {
    }
    %add3A_134 = arith.constant 112 : i32
    %add3A_135 = arith.addi %arg1, %add3A_134 : i32
    %lt3A_136 = arith.constant 125 : i32
    %lt3A_137 = arith.cmpi slt, %add3A_135, %lt3A_136 : i32
    %convert_element_type3A_138 = arith.extui %lt3A_137 : i1 to i32
    %cond3A_139 = arith.constant 0 : i32
    %cond3A_140 = arith.cmpi ne, %convert_element_type3A_138, %cond3A_139 : i32
    scf.if %cond3A_140 {
      %mul3A_141 = arith.constant 80 : i32
      %mul3A_142 = arith.muli %add3A_135, %mul3A_141 : i32
      "tpu.region"() ({
        %run_scoped3A = tpu.sem_alloc : memref<!tpu.dma_semaphore, #tpu.memory_space<semaphore_mem>>
        %dma_start3A_145 = arith.constant 0 : i32
        %dma_start3A_146 = tpu.memref_slice %arg16[%mul3A_142, %dma_start3A_145] : memref<10000x128xf32, #tpu.memory_space<vmem_shared>> -> memref<80x128xf32, #tpu.memory_space<vmem_shared>>
        %dma_start3A_147 = arith.constant 0 : i32
        %dma_start3A_148 = tpu.memref_slice %arg16[%mul3A_142, %dma_start3A_147] : memref<10000x128xf32, #tpu.memory_space<vmem_shared>> -> memref<80x128xf32, #tpu.memory_space<vmem_shared>>
        tpu.enqueue_dma source(%dma_start3A_148 : memref<80x128xf32, #tpu.memory_space<vmem_shared>>) target(%arg15 : memref<80x128xf32, #tpu.memory_space<vmem>>) target_semaphore(%run_scoped3A : memref<!tpu.dma_semaphore, #tpu.memory_space<semaphore_mem>>)
        %dma_wait3A_149 = arith.constant 0 : i32
        %dma_wait3A_150 = tpu.memref_slice %arg16[%mul3A_142, %dma_wait3A_149] : memref<10000x128xf32, #tpu.memory_space<vmem_shared>> -> memref<80x128xf32, #tpu.memory_space<vmem_shared>>
        %dma_wait3A_151 = arith.constant 0 : i32
        %dma_wait3A_152 = tpu.memref_slice %arg16[%mul3A_142, %dma_wait3A_151] : memref<10000x128xf32, #tpu.memory_space<vmem_shared>> -> memref<80x128xf32, #tpu.memory_space<vmem_shared>>
        tpu.wait_dma2 semaphore(%run_scoped3A : memref<!tpu.dma_semaphore, #tpu.memory_space<semaphore_mem>>) src(%dma_wait3A_152 : memref<80x128xf32, #tpu.memory_space<vmem_shared>>) dst(%arg15 : memref<80x128xf32, #tpu.memory_space<vmem>>)
        tpu.yield
      }) : () -> ()
      %mul3A_143 = arith.constant 80 : i32
      %mul3A_144 = arith.muli %add3A_135, %mul3A_143 : i32
      "tpu.region"() ({
        %run_scoped3A = tpu.sem_alloc : memref<!tpu.dma_semaphore, #tpu.memory_space<semaphore_mem>>
        %dma_start3A_145 = arith.constant 0 : i32
        %dma_start3A_146 = tpu.memref_slice %arg5[%arg0, %mul3A_144, %dma_start3A_145] : memref<2x10000x128xf32, #tpu.memory_space<hbm>> -> memref<1x80x128xf32, #tpu.memory_space<hbm>>
        %dma_start3A_147 = tpu.memref_squeeze %dma_start3A_146 : memref<1x80x128xf32, #tpu.memory_space<hbm>> -> memref<80x128xf32, #tpu.memory_space<hbm>>
        %dma_start3A_148 = arith.constant 0 : i32
        %dma_start3A_149 = tpu.memref_slice %arg5[%arg0, %mul3A_144, %dma_start3A_148] : memref<2x10000x128xf32, #tpu.memory_space<hbm>> -> memref<1x80x128xf32, #tpu.memory_space<hbm>>
        %dma_start3A_150 = tpu.memref_squeeze %dma_start3A_149 : memref<1x80x128xf32, #tpu.memory_space<hbm>> -> memref<80x128xf32, #tpu.memory_space<hbm>>
        tpu.enqueue_dma source(%arg15 : memref<80x128xf32, #tpu.memory_space<vmem>>) target(%dma_start3A_150 : memref<80x128xf32, #tpu.memory_space<hbm>>) target_semaphore(%run_scoped3A : memref<!tpu.dma_semaphore, #tpu.memory_space<semaphore_mem>>)
        %dma_wait3A_151 = arith.constant 0 : i32
        %dma_wait3A_152 = tpu.memref_slice %arg5[%arg0, %mul3A_144, %dma_wait3A_151] : memref<2x10000x128xf32, #tpu.memory_space<hbm>> -> memref<1x80x128xf32, #tpu.memory_space<hbm>>
        %dma_wait3A_153 = tpu.memref_squeeze %dma_wait3A_152 : memref<1x80x128xf32, #tpu.memory_space<hbm>> -> memref<80x128xf32, #tpu.memory_space<hbm>>
        %dma_wait3A_154 = arith.constant 0 : i32
        %dma_wait3A_155 = tpu.memref_slice %arg5[%arg0, %mul3A_144, %dma_wait3A_154] : memref<2x10000x128xf32, #tpu.memory_space<hbm>> -> memref<1x80x128xf32, #tpu.memory_space<hbm>>
        %dma_wait3A_156 = tpu.memref_squeeze %dma_wait3A_155 : memref<1x80x128xf32, #tpu.memory_space<hbm>> -> memref<80x128xf32, #tpu.memory_space<hbm>>
        tpu.wait_dma2 semaphore(%run_scoped3A : memref<!tpu.dma_semaphore, #tpu.memory_space<semaphore_mem>>) src(%arg15 : memref<80x128xf32, #tpu.memory_space<vmem>>) dst(%dma_wait3A_156 : memref<80x128xf32, #tpu.memory_space<hbm>>)
        tpu.yield
      }) : () -> ()
    } else {
    }
    return
  }
}

module attributes {stable_mosaic.version = 14 : i64} {
  func.func @_combine_mm_bias(%arg0: memref<2x10000x128xf32, #tpu.memory_space<vmem>>, %arg1: memref<128x64xf32, #tpu.memory_space<vmem>>, %arg2: memref<1x64xf32, #tpu.memory_space<vmem>>, %arg3: memref<10000x64xf32, #tpu.memory_space<vmem>>) attributes {dimension_semantics = [], scalar_prefetch = 0 : i64, scratch_operands = 0 : i64, tpu.core_type = #tpu.core_type<tc>} {
    %get3A = arith.constant 0 : index
    %get3A_0 = arith.constant 0 : index
    %get3A_1 = arith.constant 0 : index
    %get3A_2 = vector.load %arg0[%get3A, %get3A_0, %get3A_1] : memref<2x10000x128xf32, #tpu.memory_space<vmem>>, vector<1x10000x128xf32>
    %get3A_3 = vector.shape_cast %get3A_2 : vector<1x10000x128xf32> to vector<10000x128xf32>
    %get3A_4 = arith.constant 1 : index
    %get3A_5 = arith.constant 0 : index
    %get3A_6 = arith.constant 0 : index
    %get3A_7 = vector.load %arg0[%get3A_4, %get3A_5, %get3A_6] : memref<2x10000x128xf32, #tpu.memory_space<vmem>>, vector<1x10000x128xf32>
    %get3A_8 = vector.shape_cast %get3A_7 : vector<1x10000x128xf32> to vector<10000x128xf32>
    %add3A = arith.addf %get3A_3, %get3A_8 : vector<10000x128xf32>
    %max3A = arith.constant 0.000000e+00 : f32
    %max3A_9 = vector.broadcast %max3A : f32 to vector<10000x128xf32>
    %max3A_10 = arith.maximumf %add3A, %max3A_9 : vector<10000x128xf32>
    %get3A_11 = arith.constant 0 : index
    %get3A_12 = arith.constant 0 : index
    %get3A_13 = vector.load %arg1[%get3A_11, %get3A_12] : memref<128x64xf32, #tpu.memory_space<vmem>>, vector<128x64xf32>
    %dot_general3A = arith.constant dense<0.000000e+00> : vector<10000x64xf32>
    %dot_general3A_14 = tpu.matmul %max3A_10, %get3A_13, %dot_general3A {dimension_numbers = #tpu.dot_dimension_numbers<[1], [0], [0], [1], [0, 0, 1, 1], [], []>, transpose_lhs_hint = false} : vector<10000x128xf32>, vector<128x64xf32>, vector<10000x64xf32> -> vector<10000x64xf32>
    %get3A_15 = arith.constant 0 : index
    %get3A_16 = arith.constant 0 : index
    %get3A_17 = vector.load %arg2[%get3A_15, %get3A_16] : memref<1x64xf32, #tpu.memory_space<vmem>>, vector<1x64xf32>
    %add3A_18 = vector.broadcast %get3A_17 : vector<1x64xf32> to vector<10000x64xf32>
    %add3A_19 = arith.addf %dot_general3A_14, %add3A_18 : vector<10000x64xf32>
    %swap3A = arith.constant 0 : index
    %swap3A_20 = arith.constant 0 : index
    %swap3A_21 = vector.load %arg3[%swap3A, %swap3A_20] : memref<10000x64xf32, #tpu.memory_space<vmem>>, vector<10000x64xf32>
    tpu.vector_store %arg3[%swap3A, %swap3A_20], %add3A_19 {strides = array<i32>} : memref<10000x64xf32, #tpu.memory_space<vmem>>, vector<10000x64xf32>,
    return
  }
}

module attributes {stable_mosaic.version = 14 : i64} {
  func.func @_mm_bias(%arg0: memref<10000x128xf32, #tpu.memory_space<vmem>>, %arg1: memref<128x128xf32, #tpu.memory_space<vmem>>, %arg2: memref<1x128xf32, #tpu.memory_space<vmem>>, %arg3: memref<10000x128xf32, #tpu.memory_space<vmem>>) attributes {dimension_semantics = [], scalar_prefetch = 0 : i64, scratch_operands = 0 : i64, tpu.core_type = #tpu.core_type<tc>} {
    %get3A = arith.constant 0 : index
    %get3A_0 = arith.constant 0 : index
    %get3A_1 = vector.load %arg0[%get3A, %get3A_0] : memref<10000x128xf32, #tpu.memory_space<vmem>>, vector<10000x128xf32>
    %get3A_2 = arith.constant 0 : index
    %get3A_3 = arith.constant 0 : index
    %get3A_4 = vector.load %arg1[%get3A_2, %get3A_3] : memref<128x128xf32, #tpu.memory_space<vmem>>, vector<128x128xf32>
    %dot_general3A = arith.constant dense<0.000000e+00> : vector<10000x128xf32>
    %dot_general3A_5 = tpu.matmul %get3A_1, %get3A_4, %dot_general3A {dimension_numbers = #tpu.dot_dimension_numbers<[1], [0], [0], [1], [0, 0, 1, 1], [], []>, transpose_lhs_hint = false} : vector<10000x128xf32>, vector<128x128xf32>, vector<10000x128xf32> -> vector<10000x128xf32>
    %get3A_6 = arith.constant 0 : index
    %get3A_7 = arith.constant 0 : index
    %get3A_8 = vector.load %arg2[%get3A_6, %get3A_7] : memref<1x128xf32, #tpu.memory_space<vmem>>, vector<1x128xf32>
    %add3A = vector.broadcast %get3A_8 : vector<1x128xf32> to vector<10000x128xf32>
    %add3A_9 = arith.addf %dot_general3A_5, %add3A : vector<10000x128xf32>
    %swap3A = arith.constant 0 : index
    %swap3A_10 = arith.constant 0 : index
    %swap3A_11 = vector.load %arg3[%swap3A, %swap3A_10] : memref<10000x128xf32, #tpu.memory_space<vmem>>, vector<10000x128xf32>
    tpu.vector_store %arg3[%swap3A, %swap3A_10], %add3A_9 {strides = array<i32>} : memref<10000x128xf32, #tpu.memory_space<vmem>>, vector<10000x128xf32>,
    return
  }
}

module attributes {stable_mosaic.version = 14 : i64} {
  func.func @_combine_relu(%arg0: memref<2x10000x64xf32, #tpu.memory_space<vmem>>, %arg1: memref<10000x64xf32, #tpu.memory_space<vmem>>) attributes {dimension_semantics = [], scalar_prefetch = 0 : i64, scratch_operands = 0 : i64, tpu.core_type = #tpu.core_type<tc>} {
    %get3A = arith.constant 0 : index
    %get3A_0 = arith.constant 0 : index
    %get3A_1 = arith.constant 0 : index
    %get3A_2 = vector.load %arg0[%get3A, %get3A_0, %get3A_1] : memref<2x10000x64xf32, #tpu.memory_space<vmem>>, vector<1x10000x64xf32>
    %get3A_3 = vector.shape_cast %get3A_2 : vector<1x10000x64xf32> to vector<10000x64xf32>
    %get3A_4 = arith.constant 1 : index
    %get3A_5 = arith.constant 0 : index
    %get3A_6 = arith.constant 0 : index
    %get3A_7 = vector.load %arg0[%get3A_4, %get3A_5, %get3A_6] : memref<2x10000x64xf32, #tpu.memory_space<vmem>>, vector<1x10000x64xf32>
    %get3A_8 = vector.shape_cast %get3A_7 : vector<1x10000x64xf32> to vector<10000x64xf32>
    %add3A = arith.addf %get3A_3, %get3A_8 : vector<10000x64xf32>
    %max3A = arith.constant 0.000000e+00 : f32
    %max3A_9 = vector.broadcast %max3A : f32 to vector<10000x64xf32>
    %max3A_10 = arith.maximumf %add3A, %max3A_9 : vector<10000x64xf32>
    %swap3A = arith.constant 0 : index
    %swap3A_11 = arith.constant 0 : index
    %swap3A_12 = vector.load %arg1[%swap3A, %swap3A_11] : memref<10000x64xf32, #tpu.memory_space<vmem>>, vector<10000x64xf32>
    tpu.vector_store %arg1[%swap3A, %swap3A_11], %max3A_10 {strides = array<i32>} : memref<10000x64xf32, #tpu.memory_space<vmem>>, vector<10000x64xf32>,
    return
  }
}

</mosaic_0001>

<sc_bundles>
// kernel: kernel.10.cloned.1.call-start
scs
__scs_entry_jumppad:
0x0: {  	(pc) =	sbr.rel $0x88, $3  }
0x1: {  	(tag) =	ssettag $0x0;
	lr =	simm.s32 $0x1  }
0x2: {  	[smem:$0x3F9B] =	sst lr;
	_ =	strace $0xD0000000  }
0x3: {  	_ = 	snop  }
0x4: {  	_ = 	snop  }
0x5: {  	_ = 	snop  }
0x6: {  	_ = 	snop  }
0x7: {  	_ = 	snop  }
__scs_overlays_trampoline_lowered:
0x8: {  	[smem:$0x3FAA] =	sst s0  }
0x9: {  	[smem:$0x3FAB] =	sst s1  }
0xa: {  	[smem:$0x3FAC] =	sst s2  }
0xb: {  	[smem:$0x3FAD] =	sst s3  }
0xc: {  	[smem:$0x3FAE] =	sst s4  }
0xd: {  	[smem:$0x3FAF] =	sst s5  }
0xe: {  	[smem:$0x3FB0] =	sst s6  }
0xf: {  	[smem:$0x3FB1] =	sst s7  }
0x10: {  	[smem:$0x3FB2] =	sst s8  }
0x11: {  	[smem:$0x3FB3] =	sst s9;
	s0 =	simm.s32 @!p0 $0x0  }
0x12: {  	s1 =	sld [smem:$0x3F99];
	s0 =	simm.s32 @p0 $0x1  }
0x13: {  	[smem:$0x3FB4] =	sst s0;
	s0 =	simm.s32 @!p1 $0x0  }
0x14: {  	s2 =	sld [smem:$0x3F98];
	s0 =	simm.s32 @p1 $0x1  }
0x15: {  	[smem:$0x3FB5] =	sst s0;
	s0 =	simm.s32 @!p2 $0x0  }
0x16: {  	s3 =	sld [smem:$0x3FDB];
	s0 =	simm.s32 @p2 $0x1  }
0x17: {  	s4 =	simm.s32 $0x1BF5;
	[smem:$0x3FB7] =	sst s0  }
0x18: {  	s0 =	sld [smem:$0x3F9A];
	_ =	swait.ge [sflag:s4], $0x0  }
0x19: {  	s7 =	sld [smem:$0x3F9B]  }
0x1a: {  	s8 =	sadd.s32 $0xFFFFE003, lr  }
0x1b: {  	s9 =	sadd.s32 $0xFFFFFEF7, lr;
	s5 =	simm.s32 $0xFFFFFFFF;
	p2 =	slt.u32 s8, $0xFFFFF086  }
0x1c: {  	p1 =	slt.u32 s9, $0xF7A;
	s5 =	simm.s32 @!p2 $0x0  }
0x1d: {  	s5 =	simm.s32 @p1 $0x1;
	p0 =	seq.s32 s7, s2  }
0x1e: {  	s7 =	smul.u32 @!p0 $0xF7A, s2;
	p2 =	seq.s32 @!p0 s5, $0x0  }
0x1f: {  	s9 =	smul.u32 $0xF7A, s1;
	s8 =	simm.s32 @!p0 $0x1BF5;
	p2 =	por !p2, p0  }
0x20: {  	[sflag:s8] =	ssyncset.s32 @!p0 $0xFFFFF086;
	s6 =	sadd.s32 @!p0 s3, s7;
	s7 =	simm.s32 @!p0 $0x108  }
0x21: {  	s3 =	sadd.s32 s3, s9;
	s6 =	sadd.s32 @!p0 $0x88, s6;
	s7 =	simm.s32 @p2 $0x1082  }
0x22: {  	[simem:s7], [sflag:s8] =	dma.local @!p0 [hbm:s6], $0xF7A  }
0x23: {  	s9 =	sor.u32 $0xD0000000, s2;
	s6 =	simm.s32 $0x108;
	_ =	swait.ge @!p0 [sflag:s8], $0x0  }
0x24: {  	s3 =	sadd.s32 $0x88, s3;
	s6 =	simm.s32 @!p1 $0x1082;
	[sflag:s4] =	ssyncset.s32 $0xFFFFF086  }
0x25: {  	[simem:s6], [sflag:s4] =	dma.local [hbm:s3], $0xF7A  }
0x26: {  	[smem:$0x3F9B] =	sst s1;
	(tag) =	ssettag s2;
	_ =	strace s9  }
0x27: {  	s1 =	sld [smem:$0x3FAB]  }
0x28: {  	s2 =	sld [smem:$0x3FAC]  }
0x29: {  	s4 =	sld [smem:$0x3FAE]  }
0x2a: {  	p0 =	seq.s32 s5, $0x0;
	s5 =	sld [smem:$0x3FAF]  }
0x2b: {  	s6 =	sld [smem:$0x3FB0]  }
0x2c: {  	s7 =	sld [smem:$0x3FB1]  }
0x2d: {  	s3 =	simm.s32 $0x108;
	s8 =	sld [smem:$0x3FB2]  }
0x2e: {  	s3 =	simm.s32 @!p0 $0x1082;
	s9 =	sld [smem:$0x3FB3]  }
0x2f: {  	lr =	sadd.s32 s0, s3;
	s0 =	sld [smem:$0x3FAA]  }
0x30: {  	s3 =	sld [smem:$0x3FAD]  }
0x31: {  	[smem:$0x3FB6] =	sst s10  }
0x32: {  	s10 =	sld [smem:$0x3FB4];
	_ =	sdelay $0x3  }
0x33: {  	p0 =	seq.s32 s10, $0x1;
	s10 =	sld [smem:$0x3FB6];
	_ =	sdelay $0x3  }
0x34: {  	[smem:$0x3FB6] =	sst s10  }
0x35: {  	s10 =	sld [smem:$0x3FB5];
	_ =	sdelay $0x3  }
0x36: {  	p1 =	seq.s32 s10, $0x1;
	s10 =	sld [smem:$0x3FB6];
	_ =	sdelay $0x3  }
0x37: {  	[smem:$0x3FB6] =	sst s10  }
0x38: {  	s10 =	sld [smem:$0x3FB7]  }
0x39: {  	_ = 	snop;
	(pc) =	sbr.ind lr, $3  }
0x3a: {  	_ = 	snop  }
0x3b: {  	_ = 	snop  }
0x3c: {  	p2 =	seq.s32 s10, $0x1;
	s10 =	sld [smem:$0x3FB6]  }
0x3d: {  	_ =	shalt  }
0x3e: {  	_ =	shalt  }
0x3f: {  	_ =	shalt  }
0x40: {  	_ =	shalt  }
0x41: {  	_ =	shalt  }
0x42: {  	_ =	shalt  }
0x43: {  	_ =	shalt  }
0x44: {  	_ =	shalt  }
0x45: {  	_ =	shalt  }
0x46: {  	_ =	shalt  }
0x47: {  	_ =	shalt  }
0x48: {  	_ =	shalt  }
0x49: {  	_ =	shalt  }
0x4a: {  	_ =	shalt  }
0x4b: {  	_ =	shalt  }
0x4c: {  	_ =	shalt  }
0x4d: {  	_ =	shalt  }
0x4e: {  	_ =	shalt  }
0x4f: {  	_ =	shalt  }
0x50: {  	_ =	shalt  }
0x51: {  	_ =	shalt  }
0x52: {  	_ =	shalt  }
0x53: {  	_ =	shalt  }
0x54: {  	_ =	shalt  }
0x55: {  	_ =	shalt  }
0x56: {  	_ =	shalt  }
0x57: {  	_ =	shalt  }
0x58: {  	_ =	shalt  }
0x59: {  	_ =	shalt  }
0x5a: {  	_ =	shalt  }
0x5b: {  	_ =	shalt  }
0x5c: {  	_ =	shalt  }
0x5d: {  	_ =	shalt  }
0x5e: {  	_ =	shalt  }
0x5f: {  	_ =	shalt  }
0x60: {  	_ =	shalt  }
0x61: {  	_ =	shalt  }
0x62: {  	_ =	shalt  }
0x63: {  	_ =	shalt  }
0x64: {  	_ =	shalt  }
0x65: {  	_ =	shalt  }
0x66: {  	_ =	shalt  }
0x67: {  	_ =	shalt  }
0x68: {  	_ =	shalt  }
0x69: {  	_ =	shalt  }
0x6a: {  	_ =	shalt  }
0x6b: {  	_ =	shalt  }
0x6c: {  	_ =	shalt  }
0x6d: {  	_ =	shalt  }
0x6e: {  	_ =	shalt  }
0x6f: {  	_ =	shalt  }
0x70: {  	_ =	shalt  }
0x71: {  	_ =	shalt  }
0x72: {  	_ =	shalt  }
0x73: {  	_ =	shalt  }
0x74: {  	_ =	shalt  }
0x75: {  	_ =	shalt  }
0x76: {  	_ =	shalt  }
0x77: {  	_ =	shalt  }
0x78: {  	_ =	shalt  }
0x79: {  	_ =	shalt  }
0x7a: {  	_ =	shalt  }
0x7b: {  	_ =	shalt  }
0x7c: {  	_ =	shalt  }
0x7d: {  	_ =	shalt  }
0x7e: {  	_ =	shalt  }
0x7f: {  	_ =	shalt  }
0x80: {  	_ =	shalt  }
0x81: {  	_ =	shalt  }
0x82: {  	_ =	shalt  }
0x83: {  	_ =	shalt  }
0x84: {  	_ =	shalt  }
0x85: {  	_ =	shalt  }
0x86: {  	_ =	shalt  }
0x87: {  	_ =	shalt  }
.Lfunc_end0:
.L_simem_size_0:
called_computation.1_lowered:
.L_overlay_start_0:
0x88: {  	s2 =	sld [smem:$0x3FD9]  }
0x89: {  	s3 =	sld [smem:$0x3FFE];
	_ =	sdelay $0x1  }
0x8a: {  	s1 =	srdreg.scid  }
0x8b: {  	s0 =	sand.u32 $0x1, s1  }
0x8c: {  	s17 =	sshll.u32 s0, $0xA;
	s2 =	sadd.s32 s3, s2  }
0x8d: {  	s2 =	sadd.s32 s2, s17  }
0x8e: {  	[smem:$0x3FC2] =	sst s2  }
0x8f: {  	_ = 	snop  }
0x90: {  	s2 =	sld [smem:$0x3FD0];
	(tm) =	ssettm $0x1  }
0x91: {  	s18 =	sld [smem:$0x3FFB];
	_ =	sdelay $0x3  }
0x92: {  	_ =	strace s18  }
0x93: {  	s3 =	sld [smem:$0x3FFC];
	_ =	sdelay $0x3  }
0x94: {  	_ =	strace s3  }
0x95: {  	s3 =	sld [smem:$0x3FFD];
	_ =	sdelay $0x3  }
0x96: {  	_ =	strace s3  }
0x97: {  	_ =	strace $0x8FFFFFFF  }
0x98: {  	s19 =	sld [smem:$0x3FDB];
	_ =	sdelay $0x1  }
0x99: {  	s4 =	simm.s32 $_scs_section_size  }
0x9a: {  	s5 =	simm.s32 $_size__tile_overlayer_lowered;
	s6 =	simm.s32 $_tile_overlayer_lowered  }
0x9b: {  	s22 =	simm.s32 $0x1BFF;
	s21 =	sshll.u32 s6, $0x1;
	s3 =	sadd.s32 s4, s19  }
0x9c: {  	s7 =	simm.s32 $0x0;
	s20 =	sshll.u32 s5, $0x1;
	s5 =	sadd.s32 s21, s3  }
0x9d: {  	[timem:s7], [sflag:s22] =	dma.local [hbm:s5], s20  }
0x9e: {  	_ =	swait.ge [sflag:s22], s20  }
0x9f: {  	s4 =	ssub.s32 $0x0, s20;
	[sflag:s22] =	ssyncset.done $0x0  }
0xa0: {  	[sflag:s22] =	ssyncadd.s32 s4;
	_ =	sdelay $0x1  }
0xa1: {  	s23 =	simm.s32 $0x1B8B  }
0xa2: {  	_ =	swait.ge [sflag:s23], $0x1  }
0xa3: {  	[sflag:s23] =	ssyncset.done $0x0  }
0xa4: {  	s25 =	simm.s32 $0x1B8E;
	s24 =	sld [smem:$0x3FFE];
	[sflag:s23] =	ssyncadd.s32 $0xFFFFFFFF  }
0xa5: {  	s26 =	simm.s32 $execute0_lowered;
	[smem:$0x3FD2] =	sst s25  }
0xa6: {  	s5 =	sshll.u32 s26, $0x1;
	_ =	strace $0x80000049;
	[dreg:$0x1] =	wrdreg $0xFFFFFFFF  }
0xa7: {  	s28 =	simm.s32 $_size_execute0_lowered;
	s3 =	sadd.s32 s3, s5;
	[dreg:$0x0] =	wrdreg $0x0  }
0xa8: {  	s5 =	sshll.u32 s28, $0x1;
	[dreg:$0x2] =	wrdreg s3  }
0xa9: {  	[dreg:$0x3] =	wrdreg s5  }
0xaa: {  	[dreg:$0x4] =	wrdreg $0xC0  }
0xab: {  	_ =	task [dreg:s7], $0x5FFFF  }
0xac: {  	[dreg:$0x1] =	wrdreg $0xFFFFFFFF  }
0xad: {  	[dreg:$0x0] =	wrdreg $0x60  }
0xae: {  	[dreg:$0x2] =	wrdreg s2  }
0xaf: {  	[dreg:$0x3] =	wrdreg s24  }
0xb0: {  	[dreg:$0x4] =	wrdreg $0x7B200  }
0xb1: {  	[dreg:$0x5] =	wrdreg $0x9  }
0xb2: {  	_ =	task.clear_ibuf [dreg:s7], $0x6FFFF;
	_ =	strace $0x90000049  }
0xb3: {  	s29 =	simm.s32 $0x9;
	_ =	strace $0x8000004B  }
0xb4: {  	_ =	swait.ge [sflag:s29], $0x1  }
0xb5: {  	[sflag:s29] =	ssyncadd.s32 $0xFFFFFFFF  }
0xb6: {  	_ =	strace $0x9000004B  }
0xb7: {  	_ =	sfence  }
0xb8: {  	s30 =	sld [smem:$0x0];
	_ =	sdelay $0x2  }
0xb9: {  	s31 =	sshll.u32 s1, $0xD;
	s1 =	sshrl.u32 s1, $0x2  }
0xba: {  	s3 =	sand.u32 $0x4000, s31;
	s1 =	sadd.s32 s1, s30  }
0xbb: {  	s0 =	sor.u32 s3, s0;
	s1 =	sshll.u32 s1, $0x11  }
0xbc: {  	s0 =	sor.u32 s1, s0  }
0xbd: {  	s0 =	sadd.s32 $0x8F2B, s0  }
0xbe: {  	[sflag:s0] =	ssyncadd.remote.s32 $0x1  }
0xbf: {  	_ =	sfence.sel $0xFFFF  }
0xc0: {  	[dreg:$0x0] =	wrdreg $0xFFFFFFFF;
	(pc) =	sbr.abs _section_cstart, $3  }
0xc1: {  	[dreg:$0x1] =	wrdreg $0xFFFFFFFF  }
0xc2: {  	_ =	task.clear_ibuf [dreg:s7], $0x2FFFF;
	_ =	strace $0x9FFFFFFF  }
0xc3: {  	(tm) =	ssettm $0x7FFFFFFF  }
tec
execute0_lowered:
.L_overlay_start_1:
0x0: {  	(tag) =	ssettag $0x1  }
0x1: {  	s1 =	rddreg [dreg:$0x0]  }
0x2: {  	s10 =	rddreg [dreg:$0x1]  }
0x3: {  	s3 =	rddreg [dreg:$0x2];
	s29 =	stileid.u32  }
0x4: {  	s0 =	srdreg.scid;
	s2 =	smul.u32 $0x1400, s29  }
0x5: {  	s4 =	simm.s32 $0x0;
	s9 =	sand.u32 $0x1, s0;
	s20 =	smul.u32 $0x4E20, s29  }
0x6: {  	s31 =	simm.s32 $0x6310;
	s15 =	sor.u32 $0x20, s29;
	s12 =	smul.u32 $0x9C400, s9  }
0x7: {  	s23 =	sshll.u32 s29, $0x1;
	s16 =	sor.u32 $0x30, s29;
	s6 =	smul.u32 $0x1400, s15  }
0x8: {  	[smem:$0x7FF] =	sst s4;
	s13 =	sadd.s32 $0x14A00, s10;
	s8 =	smul.u32 $0x1400, s16  }
0x9: {  	s17 =	sor.u32 $0x40, s29;
	s18 =	sor.u32 $0x50, s29;
	s21 =	smul.u32 $0x2710, s9  }
0xa: {  	s0 =	sor.u32 s9, s23;
	s24 =	ssub.s32 $0x2, s9;
	s9 =	smul.u32 $0x1400, s17  }
0xb: {  	s14 =	sor.u32 $0x10, s29;
	s19 =	sor.u32 $0x60, s29;
	s23 =	smul.u32 $0x1400, s18  }
0xc: {  	p0 =	sgt.u32 s29, $0xC;
	s15 =	smul.u32 $0x5000, s15;
	s5 =	sshrl.u32 s24, $0x1  }
0xd: {  	_ =	strace $0x8000004A;
	s7 =	smul.u32 $0x2710, s0;
	s0 =	ssub.s32 s24, s5  }
0xe: {  	s5 =	smul.u32 $0x1400, s14;
	s11 =	sadd.s32 s2, s12;
	s22 =	sadd.s32 s12, s6  }
0xf: {  	s26 =	sadd.s32 s12, s8;
	s30 =	sadd.s32 s12, s9;
	s24 =	smul.u32 $0x1400, s19  }
0x10: {  	s2 =	sadd.s32 s2, s3;
	s11 =	sshrl.u32 s11, $0x3;
	s22 =	sshrl.u32 s22, $0x3  }
0x11: {  	s7 =	sshrl.u32 s7, $0x3;
	[dreg:$0x1b] =	wrdreg s2;
	s0 =	smax.u32 s0, $0x1  }
0x12: {  	s11 =	sadd.s32 s13, s11;
	s25 =	sadd.s32 s12, s5;
	[smem:$0x7FD] =	sst s0  }
0x13: {  	s22 =	sadd.s32 s13, s22;
	[dreg:$0x5] =	wrdreg s11;
	s11 =	sshrl.u32 s25, $0x3  }
0x14: {  	[dreg:$0x7] =	wrdreg s22;
	s25 =	sadd.s32 s12, s23;
	s23 =	sadd.s32 s23, s3  }
0x15: {  	s2 =	simm.s32 $0x6320;
	s11 =	sadd.s32 s13, s11;
	[smem:$0x7FA] =	sst s23  }
0x16: {  	s23 =	simm.s32 $0x100;
	[dreg:$0x6] =	wrdreg s11;
	s11 =	sadd.s32 s21, s20  }
0x17: {  	s20 =	sshrl.u32 s26, $0x3;
	s26 =	sadd.s32 s12, s24;
	s24 =	sadd.s32 s24, s3  }
0x18: {  	s21 =	sshrl.u32 s30, $0x3;
	s20 =	sadd.s32 s13, s20;
	[smem:$0x7FB] =	sst s24  }
0x19: {  	s22 =	sadd.s32 s13, s21;
	s21 =	sshrl.u32 s25, $0x3;
	[dreg:$0x8] =	wrdreg s20  }
0x1a: {  	s24 =	simm.s32 $0x280;
	[dreg:$0x9] =	wrdreg s22;
	s20 =	sor.u32 $0x70, s29  }
0x1b: {  	s22 =	sshrl.u32 s26, $0x3;
	s21 =	sadd.s32 s13, s21;
	s25 =	smul.u32 $0x1400, s20  }
0x1c: {  	[dreg:$0xa] =	wrdreg s21;
	s30 =	sadd.s32 s13, s22;
	s22 =	sadd.s32 $0x200, s11  }
0x1d: {  	[dreg:$0xb] =	wrdreg s30;
	s21 =	sshrl.u32 s22, $0x3;
	s30 =	smul.u32 $0x5000, s14  }
0x1e: {  	s14 =	sadd.s32 $0xE00, s10;
	s26 =	sadd.s32 s12, s25;
	s12 =	sadd.s32 $0xAC00, s10  }
0x1f: {  	s22 =	sshrl.u32 s26, $0x3;
	s26 =	smul.u32 $0x5000, s29;
	s28 =	sadd.s32 s21, s12  }
0x20: {  	s29 =	simm.s32 $0x3;
	s13 =	sadd.s32 s13, s22;
	[dreg:$0x4] =	wrdreg s28  }
0x21: {  	s22 =	sshrl.u32 s26, $0x2;
	s26 =	sshrl.u32 s30, $0x2;
	s30 =	smul.u32 $0x5000, s16  }
0x22: {  	[dreg:$0xc] =	wrdreg s13;
	s10 =	sadd.s32 s22, s3;
	s22 =	smul.u32 $0x5000, s17  }
0x23: {  	s16 =	sshrl.u32 s15, $0x2;
	s15 =	sadd.s32 s14, s7;
	s17 =	smul.u32 $0x5000, s19  }
0x24: {  	s28 =	simm.s32 $0x2;
	s19 =	smul.u32 $0x5000, s20;
	[dreg:$0x17] =	wrdreg s15  }
0x25: {  	[dreg:$0xd] =	wrdreg s10;
	s10 =	sadd.s32 s26, s3;
	s26 =	sshrl.u32 s30, $0x2  }
0x26: {  	[dreg:$0xe] =	wrdreg s10;
	s10 =	sadd.s32 s16, s3;
	s16 =	sshrl.u32 s22, $0x2  }
0x27: {  	s22 =	sshrl.u32 s19, $0x2;
	s19 =	sadd.s32 s6, s3;
	[dreg:$0xf] =	wrdreg s10  }
0x28: {  	s30 =	smul.u32 $0x5000, s18;
	s10 =	sadd.s32 s26, s3;
	[dreg:$0x1d] =	wrdreg s19  }
0x29: {  	s26 =	sadd.s32 $0x10, s7;
	[dreg:$0x10] =	wrdreg s10;
	s10 =	sadd.s32 s16, s3  }
0x2a: {  	s18 =	sshrl.u32 s30, $0x2;
	s30 =	sadd.s32 s14, s26;
	[dreg:$0x11] =	wrdreg s10  }
0x2b: {  	s20 =	sshrl.u32 s17, $0x2;
	s13 =	sadd.s32 s12, s26;
	[dreg:$0x15] =	wrdreg s30  }
0x2c: {  	s19 =	simm.s32 $0x80;
	s16 =	sadd.s32 s12, s7;
	[dreg:$0x16] =	wrdreg s13  }
0x2d: {  	s7 =	sadd.s32 $0x4E0, s7;
	s26 =	sadd.s32 s25, s3;
	[dreg:$0x18] =	wrdreg s16  }
0x2e: {  	s25 =	simm.s32 $0x1;
	s10 =	sadd.s32 s18, s3;
	[smem:$0x7FC] =	sst s26  }
0x2f: {  	s17 =	sadd.s32 s14, s7;
	s7 =	sadd.s32 s12, s7;
	[dreg:$0x12] =	wrdreg s10  }
0x30: {  	s18 =	sadd.s32 s5, s3;
	s30 =	sadd.s32 $0x100, s11;
	[dreg:$0x19] =	wrdreg s17  }
0x31: {  	s16 =	simm.s32 $0x6720;
	s26 =	simm.s32 $0x4300;
	[dreg:$0x1a] =	wrdreg s7  }
0x32: {  	s5 =	simm.s32 $0x0;
	s10 =	sadd.s32 s20, s3;
	[dreg:$0x1c] =	wrdreg s18  }
0x33: {  	s20 =	sadd.s32 s8, s3;
	s7 =	sadd.s32 $0x180, s11;
	s0 =	sshrl.u32 s30, $0x3  }
0x34: {  	s17 =	simm.s32 $0x4;
	s18 =	simm.s32 $0x180;
	[dreg:$0x13] =	wrdreg s10  }
0x35: {  	s10 =	sadd.s32 s22, s3;
	[dreg:$0x1e] =	wrdreg s20;
	s22 =	sadd.s32 s9, s3  }
0x36: {  	s13 =	sadd.s32 s0, s12;
	s15 =	sadd.s32 s0, s14;
	[dreg:$0x14] =	wrdreg s10  }
0x37: {  	s20 =	simm.s32 $0x300;
	s0 =	simm.s32 $0x10;
	[dreg:$0x1f] =	wrdreg s22  }
0x38: {  	v0 =	vimm.f32 $0.0e+00;
	s10 =	sadd.s32 s21, s14;
	s21 =	simm.s32 $0x200;
	s22 =	simm.s32 $0x2300  }
.LBB2_1:
0x39: {  	s8 =	simm.s32 $0x100;
	s6 =	simm.s32 $0x0  }
.LBB2_2:
0x3a: {  	p1 =	sne.s32 s8, $0x4F00;
	[tilespmem:s6+$0x6750] =	vst v0;
	s11 =	smov.u32 s8;
	s8 =	sadd.s32 $0x100, s8  }
.Ltmp0:
0x3b: {  	[tilespmem:s6+$0x6740] =	vst v0;
	(pc) =	sbr.rel @p1 .LBB2_2-.Ltmp0, $3  }
0x3c: {  	[tilespmem:s6+$0x6720] =	vst v0  }
0x3d: {  	[tilespmem:s6+$0x6730] =	vst v0;
	_ =	sdelay $0x1  }
0x3e: {  	s6 =	sshra.s32 s11, $0x2  }
0x3f: {  	[tilespmem:s6+$0x6750] =	vst v0  }
0x40: {  	[tilespmem:s6+$0x6740] =	vst v0  }
0x41: {  	[tilespmem:s6+$0x6720] =	vst v0  }
0x42: {  	[tilespmem:s6+$0x6730] =	vst v0;
	s8 =	rddreg [dreg:$0xd]  }
0x43: {  	[spmem:s8] =	stream.linear.scatter [tilespmem:s16], [sflag:$0x4], $0x1400, $0x38;
	[tilespmem:$0x11760] =	vst v63  }
0x44: {  	_ =	swait.ge [sflag:s17], $0x1400  }
0x45: {  	[sflag:s17] =	ssyncset.done $0x0  }
0x46: {  	s9 =	rddreg [dreg:$0xe];
	[sflag:s17] =	ssyncadd.s32 $0xFFFFEC00  }
0x47: {  	[spmem:s9] =	stream.linear.scatter [tilespmem:s16], [sflag:$0x4], $0x1400, $0x38;
	[tilespmem:$0x11760] =	vst v63  }
0x48: {  	_ =	swait.ge [sflag:s17], $0x1400  }
0x49: {  	[sflag:s17] =	ssyncset.done $0x0  }
0x4a: {  	s11 =	rddreg [dreg:$0xf];
	[sflag:s17] =	ssyncadd.s32 $0xFFFFEC00  }
0x4b: {  	[spmem:s11] =	stream.linear.scatter [tilespmem:s16], [sflag:$0x4], $0x1400, $0x38;
	[tilespmem:$0x11760] =	vst v63  }
0x4c: {  	_ =	swait.ge [sflag:s17], $0x1400  }
0x4d: {  	[sflag:s17] =	ssyncset.done $0x0  }
0x4e: {  	s30 =	rddreg [dreg:$0x10];
	[sflag:s17] =	ssyncadd.s32 $0xFFFFEC00  }
0x4f: {  	[spmem:s30] =	stream.linear.scatter [tilespmem:s16], [sflag:$0x4], $0x1400, $0x38;
	[tilespmem:$0x11760] =	vst v63  }
0x50: {  	_ =	swait.ge [sflag:s17], $0x1400  }
0x51: {  	[sflag:s17] =	ssyncset.done $0x0  }
0x52: {  	s8 =	rddreg [dreg:$0x11];
	[sflag:s17] =	ssyncadd.s32 $0xFFFFEC00  }
0x53: {  	[spmem:s8] =	stream.linear.scatter [tilespmem:s16], [sflag:$0x4], $0x1400, $0x38;
	[tilespmem:$0x11760] =	vst v63  }
0x54: {  	_ =	swait.ge [sflag:s17], $0x1400  }
0x55: {  	[sflag:s17] =	ssyncset.done $0x0  }
0x56: {  	s9 =	rddreg [dreg:$0x12];
	[sflag:s17] =	ssyncadd.s32 $0xFFFFEC00  }
0x57: {  	[spmem:s9] =	stream.linear.scatter [tilespmem:s16], [sflag:$0x4], $0x1400, $0x38;
	[tilespmem:$0x11760] =	vst v63  }
0x58: {  	_ =	swait.ge [sflag:s17], $0x1400  }
0x59: {  	[sflag:s17] =	ssyncset.done $0x0  }
0x5a: {  	s11 =	rddreg [dreg:$0x13];
	[sflag:s17] =	ssyncadd.s32 $0xFFFFEC00  }
0x5b: {  	[spmem:s11] =	stream.linear.scatter [tilespmem:s16], [sflag:$0x4], $0x1400, $0x38;
	[tilespmem:$0x11760] =	vst v63  }
0x5c: {  	_ =	swait.ge [sflag:s17], $0x1400  }
0x5d: {  	[sflag:s17] =	ssyncset.done $0x0  }
0x5e: {  	s6 =	simm.s32 @!p0 $0x6720;
	s8 =	rddreg [dreg:$0x14];
	[sflag:s17] =	ssyncadd.s32 $0xFFFFEC00  }
0x5f: {  	[spmem:s8] =	stream.linear.scatter @!p0 [tilespmem:s6], [sflag:$0x4], $0x1400, $0x38;
	[tilespmem:$0x11760] =	vst v63  }
0x60: {  	s6 =	simm.s32 @!p0 $0x4  }
0x61: {  	_ =	swait.ge @!p0 [sflag:s6], $0x1400  }
0x62: {  	[sflag:s6] =	ssyncset.done @!p0 $0x0  }
0x63: {  	[sflag:s6] =	ssyncadd.s32 @!p0 $0xFFFFEC00  }
0x64: {  	[bflag:$0x0] =	sbarrier.arrive $0xFFFF  }
0x65: {  	s6 =	simm.s32 $0x0;
	s30 =	rddreg [dreg:$0x17]  }
0x66: {  	[tilespmem:s6], [sflag:$0x4] =	stream.linear.gather [hbm4b:s30+s6], $0x80, $0x38;
	[tilespmem:$0x11760] =	vst v63  }
0x67: {  	_ =	swait.ge [sflag:s17], $0x80  }
0x68: {  	[sflag:s17] =	ssyncset.done $0x0  }
0x69: {  	s9 =	rddreg [dreg:$0x18];
	[sflag:s17] =	ssyncadd.s32 $0xFFFFFF80  }
0x6a: {  	[tilespmem:s18], [sflag:$0x4] =	stream.linear.gather [hbm4b:s9+s6], $0x80, $0x38;
	[tilespmem:$0x11760] =	vst v63  }
0x6b: {  	_ =	swait.ge [sflag:s17], $0x80  }
0x6c: {  	[sflag:s17] =	ssyncset.done $0x0  }
0x6d: {  	[sflag:s17] =	ssyncadd.s32 $0xFFFFFF80  }
0x6e: {  	[tilespmem:s20], [sflag:$0x1] =	stream.indirect.gather [hbm4b:s1+s19], $0x40, s6, s19, $0xb8;
	[tilespmem:$0x11760] =	vst v63  }
0x6f: {  	s11 =	rddreg [dreg:$0x15]  }
0x70: {  	[tilespmem:s19], [sflag:$0x4] =	stream.linear.gather [hbm4b:s11+s6], $0x80, $0x38;
	[tilespmem:$0x11760] =	vst v63  }
0x71: {  	_ =	swait.ge [sflag:s17], $0x80  }
0x72: {  	[sflag:s17] =	ssyncset.done $0x0  }
0x73: {  	s30 =	rddreg [dreg:$0x16];
	[sflag:s17] =	ssyncadd.s32 $0xFFFFFF80  }
0x74: {  	[tilespmem:s21], [sflag:$0x4] =	stream.linear.gather [hbm4b:s30+s6], $0x80, $0x38;
	[tilespmem:$0x11760] =	vst v63  }
0x75: {  	_ =	swait.ge [sflag:s17], $0x80  }
0x76: {  	[sflag:s17] =	ssyncset.done $0x0  }
0x77: {  	[sflag:s17] =	ssyncadd.s32 $0xFFFFFF80  }
0x78: {  	[tilespmem:s22], [sflag:$0x2] =	stream.indirect.gather [hbm4b:s1+s19], $0x40, s19, s19, $0xb8;
	[tilespmem:$0x11760] =	vst v63  }
0x79: {  	s9 =	sadd.s32 $0x0, s15  }
0x7a: {  	[tilespmem:s23], [sflag:$0x4] =	stream.linear.gather [hbm4b:s9+s4], $0x80, $0x38;
	[tilespmem:$0x11760] =	vst v63  }
0x7b: {  	_ =	swait.ge [sflag:s17], $0x80  }
0x7c: {  	[sflag:s17] =	ssyncset.done $0x0  }
0x7d: {  	s11 =	sadd.s32 $0x0, s13;
	[sflag:s17] =	ssyncadd.s32 $0xFFFFFF80  }
0x7e: {  	[tilespmem:s24], [sflag:$0x4] =	stream.linear.gather [hbm4b:s11+s4], $0x80, $0x38;
	[tilespmem:$0x11760] =	vst v63  }
0x7f: {  	_ =	swait.ge [sflag:s17], $0x80  }
0x80: {  	[sflag:s17] =	ssyncset.done $0x0  }
0x81: {  	[sflag:s17] =	ssyncadd.s32 $0xFFFFFF80  }
0x82: {  	_ =	swait.ge [sflag:s25], $0x2000  }
0x83: {  	[sflag:s25] =	ssyncset.done $0x0  }
0x84: {  	[sflag:s25] =	ssyncadd.s32 $0xFFFFE000  }
0x85: {  	[tilespmem:s26], [sflag:$0x3] =	stream.indirect.gather [hbm4b:s1+s19], $0x40, s23, s19, $0xb8;
	[tilespmem:$0x11760] =	vst v63  }
0x86: {  	_ = 	snop  }
0x87: {  	[spmem:s3] =	stream.indirect.scatter.add.f32 [tilespmem:s20], [sflag:$0x4], $0x40, s18, s19, $0xb8;
	[tilespmem:$0x11760] =	vst v63  }
0x88: {  	_ =	swait.ge [sflag:s17], $0x2000  }
0x89: {  	s30 =	sshrl.u32 s7, $0x3;
	[sflag:s17] =	ssyncset.done $0x0  }
0x8a: {  	s9 =	sadd.s32 s14, s30;
	[sflag:s17] =	ssyncadd.s32 $0xFFFFE000  }
0x8b: {  	[tilespmem:s4], [sflag:$0x4] =	stream.linear.gather [hbm4b:s9+s4], $0x80, $0x38;
	[tilespmem:$0x11760] =	vst v63  }
0x8c: {  	_ =	swait.ge [sflag:s17], $0x80  }
0x8d: {  	[sflag:s17] =	ssyncset.done $0x0  }
0x8e: {  	s6 =	sadd.s32 s12, s30;
	[sflag:s17] =	ssyncadd.s32 $0xFFFFFF80  }
0x8f: {  	[tilespmem:s18], [sflag:$0x4] =	stream.linear.gather [hbm4b:s6+s4], $0x80, $0x38;
	[tilespmem:$0x11760] =	vst v63  }
0x90: {  	_ =	swait.ge [sflag:s17], $0x80  }
0x91: {  	[sflag:s17] =	ssyncset.done $0x0  }
0x92: {  	[sflag:s17] =	ssyncadd.s32 $0xFFFFFF80  }
0x93: {  	_ =	swait.ge [sflag:s28], $0x2000  }
0x94: {  	[sflag:s28] =	ssyncset.done $0x0  }
0x95: {  	[sflag:s28] =	ssyncadd.s32 $0xFFFFE000  }
0x96: {  	[tilespmem:s20], [sflag:$0x1] =	stream.indirect.gather [hbm4b:s1+s19], $0x40, s4, s19, $0xb8;
	[tilespmem:$0x11760] =	vst v63  }
0x97: {  	_ = 	snop  }
0x98: {  	[spmem:s3] =	stream.indirect.scatter.add.f32 [tilespmem:s22], [sflag:$0x4], $0x40, s21, s19, $0xb8;
	[tilespmem:$0x11760] =	vst v63  }
0x99: {  	_ =	swait.ge [sflag:s17], $0x2000  }
0x9a: {  	[sflag:s17] =	ssyncset.done $0x0  }
0x9b: {  	s11 =	sadd.s32 $0x0, s10;
	[sflag:s17] =	ssyncadd.s32 $0xFFFFE000  }
0x9c: {  	[tilespmem:s19], [sflag:$0x4] =	stream.linear.gather [hbm4b:s11+s4], $0x80, $0x38;
	[tilespmem:$0x11760] =	vst v63  }
0x9d: {  	_ =	swait.ge [sflag:s17], $0x80  }
0x9e: {  	s30 =	rddreg [dreg:$0x4];
	[sflag:s17] =	ssyncset.done $0x0  }
0x9f: {  	[sflag:s17] =	ssyncadd.s32 $0xFFFFFF80;
	s6 =	sadd.s32 $0x0, s30  }
0xa0: {  	[tilespmem:s21], [sflag:$0x4] =	stream.linear.gather [hbm4b:s6+s4], $0x80, $0x38;
	[tilespmem:$0x11760] =	vst v63  }
0xa1: {  	_ =	swait.ge [sflag:s17], $0x80  }
0xa2: {  	[sflag:s17] =	ssyncset.done $0x0  }
0xa3: {  	[sflag:s17] =	ssyncadd.s32 $0xFFFFFF80  }
0xa4: {  	_ =	swait.ge [sflag:s29], $0x2000  }
0xa5: {  	[sflag:s29] =	ssyncset.done $0x0  }
0xa6: {  	[sflag:s29] =	ssyncadd.s32 $0xFFFFE000  }
0xa7: {  	[tilespmem:s22], [sflag:$0x2] =	stream.indirect.gather [hbm4b:s1+s19], $0x40, s19, s19, $0xb8;
	[tilespmem:$0x11760] =	vst v63  }
0xa8: {  	_ = 	snop  }
0xa9: {  	[spmem:s3] =	stream.indirect.scatter.add.f32 [tilespmem:s26], [sflag:$0x4], $0x40, s24, s19, $0xb8;
	[tilespmem:$0x11760] =	vst v63  }
0xaa: {  	_ =	swait.ge [sflag:s17], $0x2000  }
0xab: {  	s11 =	smov.u32 s7;
	s6 =	simm.s32 $0x30;
	[sflag:s17] =	ssyncset.done $0x0  }
.LBB2_4:
0xac: {  	[sflag:s17] =	ssyncadd.s32 $0xFFFFE000;
	s9 =	sadd.s32 s6, s15  }
0xad: {  	[tilespmem:s23], [sflag:$0x4] =	stream.linear.gather [hbm4b:s9+s4], $0x80, $0x38;
	[tilespmem:$0x11760] =	vst v63  }
0xae: {  	_ =	swait.ge [sflag:s17], $0x80  }
0xaf: {  	s8 =	smov.u32 s6;
	[sflag:s17] =	ssyncset.done $0x0  }
0xb0: {  	s30 =	sadd.s32 s8, s13;
	[sflag:s17] =	ssyncadd.s32 $0xFFFFFF80  }
0xb1: {  	[tilespmem:s24], [sflag:$0x4] =	stream.linear.gather [hbm4b:s30+s4], $0x80, $0x38;
	[tilespmem:$0x11760] =	vst v63  }
0xb2: {  	_ =	swait.ge [sflag:s17], $0x80  }
0xb3: {  	[sflag:s17] =	ssyncset.done $0x0  }
0xb4: {  	[sflag:s17] =	ssyncadd.s32 $0xFFFFFF80  }
0xb5: {  	_ =	swait.ge [sflag:s25], $0x2000  }
0xb6: {  	[sflag:s25] =	ssyncset.done $0x0  }
0xb7: {  	[sflag:s25] =	ssyncadd.s32 $0xFFFFE000  }
0xb8: {  	[tilespmem:s26], [sflag:$0x3] =	stream.indirect.gather [hbm4b:s1+s19], $0x40, s23, s19, $0xb8;
	[tilespmem:$0x11760] =	vst v63  }
0xb9: {  	_ = 	snop  }
0xba: {  	[spmem:s3] =	stream.indirect.scatter.add.f32 [tilespmem:s20], [sflag:$0x4], $0x40, s18, s19, $0xb8;
	[tilespmem:$0x11760] =	vst v63  }
0xbb: {  	s11 =	sadd.s32 $0x180, s11;
	_ =	swait.ge [sflag:s17], $0x2000  }
0xbc: {  	s9 =	sshrl.u32 s11, $0x3;
	[sflag:s17] =	ssyncset.done $0x0  }
0xbd: {  	s30 =	sadd.s32 s14, s9;
	[sflag:s17] =	ssyncadd.s32 $0xFFFFE000  }
0xbe: {  	[tilespmem:s4], [sflag:$0x4] =	stream.linear.gather [hbm4b:s30+s4], $0x80, $0x38;
	[tilespmem:$0x11760] =	vst v63  }
0xbf: {  	_ =	swait.ge [sflag:s17], $0x80  }
0xc0: {  	[sflag:s17] =	ssyncset.done $0x0  }
0xc1: {  	s9 =	sadd.s32 s12, s9;
	[sflag:s17] =	ssyncadd.s32 $0xFFFFFF80  }
0xc2: {  	[tilespmem:s18], [sflag:$0x4] =	stream.linear.gather [hbm4b:s9+s4], $0x80, $0x38;
	[tilespmem:$0x11760] =	vst v63  }
0xc3: {  	_ =	swait.ge [sflag:s17], $0x80  }
0xc4: {  	[sflag:s17] =	ssyncset.done $0x0  }
0xc5: {  	[sflag:s17] =	ssyncadd.s32 $0xFFFFFF80  }
0xc6: {  	_ =	swait.ge [sflag:s28], $0x2000  }
0xc7: {  	[sflag:s28] =	ssyncset.done $0x0  }
0xc8: {  	[sflag:s28] =	ssyncadd.s32 $0xFFFFE000  }
0xc9: {  	[tilespmem:s20], [sflag:$0x1] =	stream.indirect.gather [hbm4b:s1+s19], $0x40, s4, s19, $0xb8;
	[tilespmem:$0x11760] =	vst v63  }
0xca: {  	_ = 	snop  }
0xcb: {  	[spmem:s3] =	stream.indirect.scatter.add.f32 [tilespmem:s22], [sflag:$0x4], $0x40, s21, s19, $0xb8;
	[tilespmem:$0x11760] =	vst v63  }
0xcc: {  	_ =	swait.ge [sflag:s17], $0x2000  }
0xcd: {  	[sflag:s17] =	ssyncset.done $0x0  }
0xce: {  	s30 =	sadd.s32 s8, s10;
	[sflag:s17] =	ssyncadd.s32 $0xFFFFE000  }
0xcf: {  	[tilespmem:s19], [sflag:$0x4] =	stream.linear.gather [hbm4b:s30+s4], $0x80, $0x38;
	[tilespmem:$0x11760] =	vst v63  }
0xd0: {  	_ =	swait.ge [sflag:s17], $0x80  }
0xd1: {  	s30 =	rddreg [dreg:$0x4];
	[sflag:s17] =	ssyncset.done $0x0  }
0xd2: {  	[sflag:s17] =	ssyncadd.s32 $0xFFFFFF80;
	s8 =	sadd.s32 s8, s30  }
0xd3: {  	[tilespmem:s21], [sflag:$0x4] =	stream.linear.gather [hbm4b:s8+s4], $0x80, $0x38;
	[tilespmem:$0x11760] =	vst v63  }
0xd4: {  	_ =	swait.ge [sflag:s17], $0x80  }
0xd5: {  	[sflag:s17] =	ssyncset.done $0x0  }
0xd6: {  	[sflag:s17] =	ssyncadd.s32 $0xFFFFFF80  }
0xd7: {  	_ =	swait.ge [sflag:s29], $0x2000  }
0xd8: {  	[sflag:s29] =	ssyncset.done $0x0  }
0xd9: {  	p1 =	sne.s32 s6, $0x4B0;
	[sflag:s29] =	ssyncadd.s32 $0xFFFFE000  }
0xda: {  	[tilespmem:s22], [sflag:$0x2] =	stream.indirect.gather [hbm4b:s1+s19], $0x40, s19, s19, $0xb8;
	[tilespmem:$0x11760] =	vst v63  }
.Ltmp1:
0xdb: {  	_ = 	snop;
	(pc) =	sbr.rel @p1 .LBB2_4-.Ltmp1, $4  }
0xdc: {  	_ = 	snop  }
0xdd: {  	[spmem:s3] =	stream.indirect.scatter.add.f32 [tilespmem:s26], [sflag:$0x4], $0x40, s24, s19, $0xb8;
	[tilespmem:$0x11760] =	vst v63  }
0xde: {  	_ =	swait.ge [sflag:s17], $0x2000  }
0xdf: {  	s6 =	sadd.s32 $0x30, s6;
	[sflag:s17] =	ssyncset.done $0x0  }
0xe0: {  	[sflag:s17] =	ssyncadd.s32 $0xFFFFE000  }
0xe1: {  	_ =	swait.ge [sflag:s25], $0x2000  }
0xe2: {  	[sflag:s25] =	ssyncset.done $0x0  }
0xe3: {  	[sflag:s25] =	ssyncadd.s32 $0xFFFFE000  }
0xe4: {  	_ =	swait.ge [sflag:s28], $0x2000  }
0xe5: {  	[sflag:s28] =	ssyncset.done $0x0  }
0xe6: {  	s8 =	simm.s32 $0x6300;
	s6 =	rddreg [dreg:$0x19];
	[sflag:s28] =	ssyncadd.s32 $0xFFFFE000  }
0xe7: {  	[tilespmem:s8], [sflag:$0x4] =	stream.linear.gather [hbm4b:s6+s4], $0x10, $0x38;
	[tilespmem:$0x11760] =	vst v63  }
0xe8: {  	_ =	swait.ge [sflag:s17], $0x10  }
0xe9: {  	[sflag:s17] =	ssyncset.done $0x0  }
0xea: {  	s30 =	rddreg [dreg:$0x1a];
	[sflag:s17] =	ssyncadd.s32 $0xFFFFFFF0  }
0xeb: {  	[tilespmem:s31], [sflag:$0x4] =	stream.linear.gather [hbm4b:s30+s4], $0x10, $0x38;
	[tilespmem:$0x11760] =	vst v63  }
0xec: {  	_ =	swait.ge [sflag:s17], $0x10  }
0xed: {  	[sflag:s17] =	ssyncset.done $0x0  }
0xee: {  	[sflag:s17] =	ssyncadd.s32 $0xFFFFFFF0  }
0xef: {  	[tilespmem:s2], [sflag:$0x1] =	stream.indirect.gather [hbm4b:s1+s0], $0x40, s8, s0, $0xb8;
	[tilespmem:$0x11760] =	vst v63  }
0xf0: {  	_ =	swait.ge [sflag:s25], $0x400  }
0xf1: {  	[sflag:s25] =	ssyncset.done $0x0  }
0xf2: {  	[sflag:s25] =	ssyncadd.s32 $0xFFFFFC00  }
0xf3: {  	[spmem:s3] =	stream.indirect.scatter.add.f32 [tilespmem:s2], [sflag:$0x4], $0x40, s31, s0, $0xb8;
	[tilespmem:$0x11760] =	vst v63  }
0xf4: {  	_ =	swait.ge [sflag:s17], $0x400  }
0xf5: {  	[sflag:s17] =	ssyncset.done $0x0  }
0xf6: {  	[sflag:s17] =	ssyncadd.s32 $0xFFFFFC00  }
0xf7: {  	[bflag:$0x0] =	sbarrier.arrive $0xFFFF  }
0xf8: {  	s9 =	rddreg [dreg:$0x1b]  }
0xf9: {  	[tilespmem:s16], [sflag:$0x4] =	stream.linear.gather [spmem:s9], $0x1400, $0x38;
	[tilespmem:$0x11760] =	vst v63  }
0xfa: {  	_ =	swait.ge [sflag:s17], $0x1400  }
0xfb: {  	[sflag:s17] =	ssyncset.done $0x0  }
0xfc: {  	s11 =	rddreg [dreg:$0x5];
	[sflag:s17] =	ssyncadd.s32 $0xFFFFEC00  }
0xfd: {  	[hbm4b:s11+s4] =	stream.linear.scatter [tilespmem:s16], [sflag:$0x4], $0x1400, $0x38;
	[tilespmem:$0x11760] =	vst v63  }
0xfe: {  	_ =	swait.ge [sflag:s17], $0x1400  }
0xff: {  	[sflag:s17] =	ssyncset.done $0x0  }
0x100: {  	s30 =	rddreg [dreg:$0x1c];
	[sflag:s17] =	ssyncadd.s32 $0xFFFFEC00  }
0x101: {  	[tilespmem:s16], [sflag:$0x4] =	stream.linear.gather [spmem:s30], $0x1400, $0x38;
	[tilespmem:$0x11760] =	vst v63  }
0x102: {  	_ =	swait.ge [sflag:s17], $0x1400  }
0x103: {  	[sflag:s17] =	ssyncset.done $0x0  }
0x104: {  	s8 =	rddreg [dreg:$0x6];
	[sflag:s17] =	ssyncadd.s32 $0xFFFFEC00  }
0x105: {  	[hbm4b:s8+s4] =	stream.linear.scatter [tilespmem:s16], [sflag:$0x4], $0x1400, $0x38;
	[tilespmem:$0x11760] =	vst v63  }
0x106: {  	_ =	swait.ge [sflag:s17], $0x1400  }
0x107: {  	[sflag:s17] =	ssyncset.done $0x0  }
0x108: {  	s9 =	rddreg [dreg:$0x1d];
	[sflag:s17] =	ssyncadd.s32 $0xFFFFEC00  }
0x109: {  	[tilespmem:s16], [sflag:$0x4] =	stream.linear.gather [spmem:s9], $0x1400, $0x38;
	[tilespmem:$0x11760] =	vst v63  }
0x10a: {  	_ =	swait.ge [sflag:s17], $0x1400  }
0x10b: {  	[sflag:s17] =	ssyncset.done $0x0  }
0x10c: {  	s11 =	rddreg [dreg:$0x7];
	[sflag:s17] =	ssyncadd.s32 $0xFFFFEC00  }
0x10d: {  	[hbm4b:s11+s4] =	stream.linear.scatter [tilespmem:s16], [sflag:$0x4], $0x1400, $0x38;
	[tilespmem:$0x11760] =	vst v63  }
0x10e: {  	_ =	swait.ge [sflag:s17], $0x1400  }
0x10f: {  	[sflag:s17] =	ssyncset.done $0x0  }
0x110: {  	s30 =	rddreg [dreg:$0x1e];
	[sflag:s17] =	ssyncadd.s32 $0xFFFFEC00  }
0x111: {  	[tilespmem:s16], [sflag:$0x4] =	stream.linear.gather [spmem:s30], $0x1400, $0x38;
	[tilespmem:$0x11760] =	vst v63  }
0x112: {  	_ =	swait.ge [sflag:s17], $0x1400  }
0x113: {  	[sflag:s17] =	ssyncset.done $0x0  }
0x114: {  	s8 =	rddreg [dreg:$0x8];
	[sflag:s17] =	ssyncadd.s32 $0xFFFFEC00  }
0x115: {  	[hbm4b:s8+s4] =	stream.linear.scatter [tilespmem:s16], [sflag:$0x4], $0x1400, $0x38;
	[tilespmem:$0x11760] =	vst v63  }
0x116: {  	_ =	swait.ge [sflag:s17], $0x1400  }
0x117: {  	[sflag:s17] =	ssyncset.done $0x0  }
0x118: {  	s9 =	rddreg [dreg:$0x1f];
	[sflag:s17] =	ssyncadd.s32 $0xFFFFEC00  }
0x119: {  	[tilespmem:s16], [sflag:$0x4] =	stream.linear.gather [spmem:s9], $0x1400, $0x38;
	[tilespmem:$0x11760] =	vst v63  }
0x11a: {  	_ =	swait.ge [sflag:s17], $0x1400  }
0x11b: {  	[sflag:s17] =	ssyncset.done $0x0  }
0x11c: {  	s11 =	rddreg [dreg:$0x9];
	[sflag:s17] =	ssyncadd.s32 $0xFFFFEC00  }
0x11d: {  	[hbm4b:s11+s4] =	stream.linear.scatter [tilespmem:s16], [sflag:$0x4], $0x1400, $0x38;
	[tilespmem:$0x11760] =	vst v63  }
0x11e: {  	_ =	swait.ge [sflag:s17], $0x1400  }
0x11f: {  	s30 =	sld [smem:$0x7FA]  }
0x120: {  	[sflag:s17] =	ssyncset.done $0x0  }
0x121: {  	[sflag:s17] =	ssyncadd.s32 $0xFFFFEC00  }
0x122: {  	[tilespmem:s16], [sflag:$0x4] =	stream.linear.gather [spmem:s30], $0x1400, $0x38;
	[tilespmem:$0x11760] =	vst v63  }
0x123: {  	_ =	swait.ge [sflag:s17], $0x1400  }
0x124: {  	[sflag:s17] =	ssyncset.done $0x0  }
0x125: {  	s8 =	rddreg [dreg:$0xa];
	[sflag:s17] =	ssyncadd.s32 $0xFFFFEC00  }
0x126: {  	[hbm4b:s8+s4] =	stream.linear.scatter [tilespmem:s16], [sflag:$0x4], $0x1400, $0x38;
	[tilespmem:$0x11760] =	vst v63  }
0x127: {  	_ =	swait.ge [sflag:s17], $0x1400  }
0x128: {  	s9 =	sld [smem:$0x7FB]  }
0x129: {  	[sflag:s17] =	ssyncset.done $0x0  }
0x12a: {  	[sflag:s17] =	ssyncadd.s32 $0xFFFFEC00  }
0x12b: {  	[tilespmem:s16], [sflag:$0x4] =	stream.linear.gather [spmem:s9], $0x1400, $0x38;
	[tilespmem:$0x11760] =	vst v63  }
0x12c: {  	_ =	swait.ge [sflag:s17], $0x1400  }
0x12d: {  	[sflag:s17] =	ssyncset.done $0x0  }
0x12e: {  	s11 =	rddreg [dreg:$0xb];
	[sflag:s17] =	ssyncadd.s32 $0xFFFFEC00  }
0x12f: {  	[hbm4b:s11+s4] =	stream.linear.scatter [tilespmem:s16], [sflag:$0x4], $0x1400, $0x38;
	[tilespmem:$0x11760] =	vst v63  }
0x130: {  	_ =	swait.ge [sflag:s17], $0x1400  }
0x131: {  	s8 =	sld [smem:$0x7FC]  }
0x132: {  	[sflag:s17] =	ssyncset.done $0x0  }
0x133: {  	s6 =	simm.s32 @!p0 $0x6720;
	[sflag:s17] =	ssyncadd.s32 $0xFFFFEC00  }
0x134: {  	[tilespmem:s6], [sflag:$0x4] =	stream.linear.gather @!p0 [spmem:s8], $0x1400, $0x38;
	[tilespmem:$0x11760] =	vst v63  }
0x135: {  	s8 =	simm.s32 @!p0 $0x4  }
0x136: {  	_ =	swait.ge @!p0 [sflag:s8], $0x1400  }
0x137: {  	[sflag:s8] =	ssyncset.done @!p0 $0x0  }
0x138: {  	s9 =	simm.s32 @!p0 $0x0;
	s11 =	rddreg [dreg:$0xc];
	[sflag:s8] =	ssyncadd.s32 @!p0 $0xFFFFEC00  }
0x139: {  	[hbm4b:s11+s9] =	stream.linear.scatter @!p0 [tilespmem:s6], [sflag:$0x4], $0x1400, $0x38;
	[tilespmem:$0x11760] =	vst v63  }
0x13a: {  	_ =	swait.ge @!p0 [sflag:s8], $0x1400  }
0x13b: {  	s30 =	sld [smem:$0x7FD];
	_ =	sdelay $0x1  }
0x13c: {  	s5 =	sadd.s32 $0x1, s5  }
0x13d: {  	p1 =	sne.s32 s5, s30  }
.Ltmp2:
0x13e: {  	_ = 	snop;
	(pc) =	sbr.rel @p1 .LBB2_1-.Ltmp2, $3  }
0x13f: {  	_ =	sdelay $0x1  }
0x140: {  	[sflag:s8] =	ssyncset.done @!p0 $0x0  }
0x141: {  	[sflag:s8] =	ssyncadd.s32 @!p0 $0xFFFFEC00  }
0x142: {  	_ =	sfence.sel $0x180000  }
0x143: {  	[bflag:$0x0] =	sbarrier.arrive $0xFFFF  }
0x144: {  	_ =	strace $0x9000004A  }
0x145: {  	s0 =	stileid.u32;
	[bflag:$0x2] =	sbarrier.arrive $0xFFFF  }
0x146: {  	p0 =	sne.s32 s0, $0x0;
	s0 =	rddreg [dreg:$0x3]  }
0x147: {  	s0 =	sadd.s32 @!p0 $0x100000, s0  }
0x148: {  	[sflag:s0] =	ssyncadd.tile.s32 @!p0 $0x1;
	_ =	shalt  }
.Lfunc_end2:
_tile_overlayer_lowered:
.L_overlay_start_2:
0x149: {  	(tag) =	ssettag $0x2  }
0x14a: {  	s0 =	rddreg [dreg:$0x0];
	s2 =	stileid.u32  }
0x14b: {  	s1 =	rddreg [dreg:$0x1];
	p0 =	sne.s32 s2, $0x0  }
0x14c: {  	s3 =	rddreg [dreg:$0x2];
	[bflag:$0x3] =	sbarrier.arrive $0xFFFF;
	s2 =	simm.s32 @!p0 $0x1C04  }
0x14d: {  	[timem:s3], [sflag:s2] =	dma.local @!p0 [hbm:s0], s1  }
0x14e: {  	s0 =	simm.s32 @!p0 $0x4  }
0x14f: {  	_ =	swait.ge @!p0 [sflag:s0], s1  }
0x150: {  	s1 =	ssub.s32 @!p0 $0x0, s1;
	[sflag:s0] =	ssyncset.done @!p0 $0x0  }
0x151: {  	[sflag:s0] =	ssyncadd.s32 @!p0 s1  }
0x152: {  	[bflag:$0x3] =	sbarrier.arrive $0xFFFF  }
0x153: {  	_ =	shalt  }

// kernel: kernel.7.cloned.1.call-start
scs
__scs_entry_jumppad:
0x0: {  	(pc) =	sbr.rel $0x88, $3  }
0x1: {  	(tag) =	ssettag $0x0;
	lr =	simm.s32 $0x1  }
0x2: {  	[smem:$0x3F9B] =	sst lr;
	_ =	strace $0xD0000000  }
0x3: {  	_ = 	snop  }
0x4: {  	_ = 	snop  }
0x5: {  	_ = 	snop  }
0x6: {  	_ = 	snop  }
0x7: {  	_ = 	snop  }
__scs_overlays_trampoline_lowered:
0x8: {  	[smem:$0x3FAA] =	sst s0  }
0x9: {  	[smem:$0x3FAB] =	sst s1  }
0xa: {  	[smem:$0x3FAC] =	sst s2  }
0xb: {  	[smem:$0x3FAD] =	sst s3  }
0xc: {  	[smem:$0x3FAE] =	sst s4  }
0xd: {  	[smem:$0x3FAF] =	sst s5  }
0xe: {  	[smem:$0x3FB0] =	sst s6  }
0xf: {  	[smem:$0x3FB1] =	sst s7  }
0x10: {  	[smem:$0x3FB2] =	sst s8  }
0x11: {  	[smem:$0x3FB3] =	sst s9;
	s0 =	simm.s32 @!p0 $0x0  }
0x12: {  	s1 =	sld [smem:$0x3F99];
	s0 =	simm.s32 @p0 $0x1  }
0x13: {  	[smem:$0x3FB4] =	sst s0;
	s0 =	simm.s32 @!p1 $0x0  }
0x14: {  	s2 =	sld [smem:$0x3F98];
	s0 =	simm.s32 @p1 $0x1  }
0x15: {  	[smem:$0x3FB5] =	sst s0;
	s0 =	simm.s32 @!p2 $0x0  }
0x16: {  	s3 =	sld [smem:$0x3FDB];
	s0 =	simm.s32 @p2 $0x1  }
0x17: {  	s4 =	simm.s32 $0x1BF5;
	[smem:$0x3FB7] =	sst s0  }
0x18: {  	s0 =	sld [smem:$0x3F9A];
	_ =	swait.ge [sflag:s4], $0x0  }
0x19: {  	s7 =	sld [smem:$0x3F9B]  }
0x1a: {  	s8 =	sadd.s32 $0xFFFFE003, lr  }
0x1b: {  	s9 =	sadd.s32 $0xFFFFFEF7, lr;
	s5 =	simm.s32 $0xFFFFFFFF;
	p2 =	slt.u32 s8, $0xFFFFF086  }
0x1c: {  	p1 =	slt.u32 s9, $0xF7A;
	s5 =	simm.s32 @!p2 $0x0  }
0x1d: {  	s5 =	simm.s32 @p1 $0x1;
	p0 =	seq.s32 s7, s2  }
0x1e: {  	s7 =	smul.u32 @!p0 $0xF7A, s2;
	p2 =	seq.s32 @!p0 s5, $0x0  }
0x1f: {  	s9 =	smul.u32 $0xF7A, s1;
	s8 =	simm.s32 @!p0 $0x1BF5;
	p2 =	por !p2, p0  }
0x20: {  	[sflag:s8] =	ssyncset.s32 @!p0 $0xFFFFF086;
	s6 =	sadd.s32 @!p0 s3, s7;
	s7 =	simm.s32 @!p0 $0x108  }
0x21: {  	s3 =	sadd.s32 s3, s9;
	s6 =	sadd.s32 @!p0 $0x88, s6;
	s7 =	simm.s32 @p2 $0x1082  }
0x22: {  	[simem:s7], [sflag:s8] =	dma.local @!p0 [hbm:s6], $0xF7A  }
0x23: {  	s9 =	sor.u32 $0xD0000000, s2;
	s6 =	simm.s32 $0x108;
	_ =	swait.ge @!p0 [sflag:s8], $0x0  }
0x24: {  	s3 =	sadd.s32 $0x88, s3;
	s6 =	simm.s32 @!p1 $0x1082;
	[sflag:s4] =	ssyncset.s32 $0xFFFFF086  }
0x25: {  	[simem:s6], [sflag:s4] =	dma.local [hbm:s3], $0xF7A  }
0x26: {  	[smem:$0x3F9B] =	sst s1;
	(tag) =	ssettag s2;
	_ =	strace s9  }
0x27: {  	s1 =	sld [smem:$0x3FAB]  }
0x28: {  	s2 =	sld [smem:$0x3FAC]  }
0x29: {  	s4 =	sld [smem:$0x3FAE]  }
0x2a: {  	p0 =	seq.s32 s5, $0x0;
	s5 =	sld [smem:$0x3FAF]  }
0x2b: {  	s6 =	sld [smem:$0x3FB0]  }
0x2c: {  	s7 =	sld [smem:$0x3FB1]  }
0x2d: {  	s3 =	simm.s32 $0x108;
	s8 =	sld [smem:$0x3FB2]  }
0x2e: {  	s3 =	simm.s32 @!p0 $0x1082;
	s9 =	sld [smem:$0x3FB3]  }
0x2f: {  	lr =	sadd.s32 s0, s3;
	s0 =	sld [smem:$0x3FAA]  }
0x30: {  	s3 =	sld [smem:$0x3FAD]  }
0x31: {  	[smem:$0x3FB6] =	sst s10  }
0x32: {  	s10 =	sld [smem:$0x3FB4];
	_ =	sdelay $0x3  }
0x33: {  	p0 =	seq.s32 s10, $0x1;
	s10 =	sld [smem:$0x3FB6];
	_ =	sdelay $0x3  }
0x34: {  	[smem:$0x3FB6] =	sst s10  }
0x35: {  	s10 =	sld [smem:$0x3FB5];
	_ =	sdelay $0x3  }
0x36: {  	p1 =	seq.s32 s10, $0x1;
	s10 =	sld [smem:$0x3FB6];
	_ =	sdelay $0x3  }
0x37: {  	[smem:$0x3FB6] =	sst s10  }
0x38: {  	s10 =	sld [smem:$0x3FB7]  }
0x39: {  	_ = 	snop;
	(pc) =	sbr.ind lr, $3  }
0x3a: {  	_ = 	snop  }
0x3b: {  	_ = 	snop  }
0x3c: {  	p2 =	seq.s32 s10, $0x1;
	s10 =	sld [smem:$0x3FB6]  }
0x3d: {  	_ =	shalt  }
0x3e: {  	_ =	shalt  }
0x3f: {  	_ =	shalt  }
0x40: {  	_ =	shalt  }
0x41: {  	_ =	shalt  }
0x42: {  	_ =	shalt  }
0x43: {  	_ =	shalt  }
0x44: {  	_ =	shalt  }
0x45: {  	_ =	shalt  }
0x46: {  	_ =	shalt  }
0x47: {  	_ =	shalt  }
0x48: {  	_ =	shalt  }
0x49: {  	_ =	shalt  }
0x4a: {  	_ =	shalt  }
0x4b: {  	_ =	shalt  }
0x4c: {  	_ =	shalt  }
0x4d: {  	_ =	shalt  }
0x4e: {  	_ =	shalt  }
0x4f: {  	_ =	shalt  }
0x50: {  	_ =	shalt  }
0x51: {  	_ =	shalt  }
0x52: {  	_ =	shalt  }
0x53: {  	_ =	shalt  }
0x54: {  	_ =	shalt  }
0x55: {  	_ =	shalt  }
0x56: {  	_ =	shalt  }
0x57: {  	_ =	shalt  }
0x58: {  	_ =	shalt  }
0x59: {  	_ =	shalt  }
0x5a: {  	_ =	shalt  }
0x5b: {  	_ =	shalt  }
0x5c: {  	_ =	shalt  }
0x5d: {  	_ =	shalt  }
0x5e: {  	_ =	shalt  }
0x5f: {  	_ =	shalt  }
0x60: {  	_ =	shalt  }
0x61: {  	_ =	shalt  }
0x62: {  	_ =	shalt  }
0x63: {  	_ =	shalt  }
0x64: {  	_ =	shalt  }
0x65: {  	_ =	shalt  }
0x66: {  	_ =	shalt  }
0x67: {  	_ =	shalt  }
0x68: {  	_ =	shalt  }
0x69: {  	_ =	shalt  }
0x6a: {  	_ =	shalt  }
0x6b: {  	_ =	shalt  }
0x6c: {  	_ =	shalt  }
0x6d: {  	_ =	shalt  }
0x6e: {  	_ =	shalt  }
0x6f: {  	_ =	shalt  }
0x70: {  	_ =	shalt  }
0x71: {  	_ =	shalt  }
0x72: {  	_ =	shalt  }
0x73: {  	_ =	shalt  }
0x74: {  	_ =	shalt  }
0x75: {  	_ =	shalt  }
0x76: {  	_ =	shalt  }
0x77: {  	_ =	shalt  }
0x78: {  	_ =	shalt  }
0x79: {  	_ =	shalt  }
0x7a: {  	_ =	shalt  }
0x7b: {  	_ =	shalt  }
0x7c: {  	_ =	shalt  }
0x7d: {  	_ =	shalt  }
0x7e: {  	_ =	shalt  }
0x7f: {  	_ =	shalt  }
0x80: {  	_ =	shalt  }
0x81: {  	_ =	shalt  }
0x82: {  	_ =	shalt  }
0x83: {  	_ =	shalt  }
0x84: {  	_ =	shalt  }
0x85: {  	_ =	shalt  }
0x86: {  	_ =	shalt  }
0x87: {  	_ =	shalt  }
.Lfunc_end0:
.L_simem_size_0:
called_computation_lowered:
.L_overlay_start_0:
0x88: {  	s2 =	sld [smem:$0x3FD9]  }
0x89: {  	s3 =	sld [smem:$0x3FFE];
	_ =	sdelay $0x1  }
0x8a: {  	s1 =	srdreg.scid  }
0x8b: {  	s0 =	sand.u32 $0x1, s1  }
0x8c: {  	s16 =	sshll.u32 s0, $0xA;
	s2 =	sadd.s32 s3, s2  }
0x8d: {  	s2 =	sadd.s32 s2, s16  }
0x8e: {  	[smem:$0x3FC2] =	sst s2  }
0x8f: {  	_ = 	snop  }
0x90: {  	(tm) =	ssettm $0x1  }
0x91: {  	s17 =	sld [smem:$0x3FFB];
	_ =	sdelay $0x3  }
0x92: {  	_ =	strace s17  }
0x93: {  	s2 =	sld [smem:$0x3FFC];
	_ =	sdelay $0x3  }
0x94: {  	_ =	strace s2  }
0x95: {  	s2 =	sld [smem:$0x3FFD];
	_ =	sdelay $0x3  }
0x96: {  	_ =	strace s2  }
0x97: {  	_ =	strace $0x8FFFFFFF  }
0x98: {  	s18 =	sld [smem:$0x3FDB];
	_ =	sdelay $0x1  }
0x99: {  	s19 =	simm.s32 $_scs_section_size  }
0x9a: {  	s4 =	simm.s32 $_size__tile_overlayer_lowered;
	s5 =	simm.s32 $_tile_overlayer_lowered  }
0x9b: {  	s22 =	simm.s32 $0x1BFF;
	s21 =	sshll.u32 s5, $0x1;
	s2 =	sadd.s32 s19, s18  }
0x9c: {  	s6 =	simm.s32 $0x0;
	s20 =	sshll.u32 s4, $0x1;
	s4 =	sadd.s32 s21, s2  }
0x9d: {  	[timem:s6], [sflag:s22] =	dma.local [hbm:s4], s20  }
0x9e: {  	_ =	swait.ge [sflag:s22], s20  }
0x9f: {  	s3 =	ssub.s32 $0x0, s20;
	[sflag:s22] =	ssyncset.done $0x0  }
0xa0: {  	[sflag:s22] =	ssyncadd.s32 s3;
	_ =	sdelay $0x1  }
0xa1: {  	s23 =	simm.s32 $0x1B8B  }
0xa2: {  	_ =	swait.ge [sflag:s23], $0x1  }
0xa3: {  	[sflag:s23] =	ssyncset.done $0x0  }
0xa4: {  	s25 =	simm.s32 $0x1B8E;
	s24 =	sld [smem:$0x3FFE];
	[sflag:s23] =	ssyncadd.s32 $0xFFFFFFFF  }
0xa5: {  	s26 =	simm.s32 $execute0_lowered;
	[smem:$0x3FD2] =	sst s25  }
0xa6: {  	s4 =	sshll.u32 s26, $0x1;
	_ =	strace $0x80000046;
	[dreg:$0x1] =	wrdreg $0xFFFFFFFF  }
0xa7: {  	s28 =	simm.s32 $_size_execute0_lowered;
	s2 =	sadd.s32 s2, s4;
	[dreg:$0x0] =	wrdreg $0x0  }
0xa8: {  	s4 =	sshll.u32 s28, $0x1;
	[dreg:$0x2] =	wrdreg s2  }
0xa9: {  	[dreg:$0x3] =	wrdreg s4  }
0xaa: {  	[dreg:$0x4] =	wrdreg $0xC0  }
0xab: {  	_ =	task [dreg:s6], $0x5FFFF  }
0xac: {  	[dreg:$0x1] =	wrdreg $0xFFFFFFFF  }
0xad: {  	[dreg:$0x0] =	wrdreg $0x60  }
0xae: {  	[dreg:$0x2] =	wrdreg s24  }
0xaf: {  	[dreg:$0x3] =	wrdreg $0xB3000  }
0xb0: {  	[dreg:$0x4] =	wrdreg $0x9  }
0xb1: {  	_ =	task.clear_ibuf [dreg:s6], $0x5FFFF;
	_ =	strace $0x90000046  }
0xb2: {  	s29 =	simm.s32 $0x9;
	_ =	strace $0x80000048  }
0xb3: {  	_ =	swait.ge [sflag:s29], $0x1  }
0xb4: {  	[sflag:s29] =	ssyncadd.s32 $0xFFFFFFFF  }
0xb5: {  	_ =	strace $0x90000048  }
0xb6: {  	_ =	sfence  }
0xb7: {  	s30 =	sld [smem:$0x0];
	_ =	sdelay $0x2  }
0xb8: {  	s31 =	sshll.u32 s1, $0xD;
	s1 =	sshrl.u32 s1, $0x2  }
0xb9: {  	s3 =	sand.u32 $0x4000, s31;
	s1 =	sadd.s32 s1, s30  }
0xba: {  	s0 =	sor.u32 s3, s0;
	s1 =	sshll.u32 s1, $0x11  }
0xbb: {  	s0 =	sor.u32 s1, s0  }
0xbc: {  	s0 =	sadd.s32 $0x8F2B, s0  }
0xbd: {  	[sflag:s0] =	ssyncadd.remote.s32 $0x1  }
0xbe: {  	_ =	sfence.sel $0xFFFF  }
0xbf: {  	[dreg:$0x0] =	wrdreg $0xFFFFFFFF;
	(pc) =	sbr.abs _section_cstart, $3  }
0xc0: {  	[dreg:$0x1] =	wrdreg $0xFFFFFFFF  }
0xc1: {  	_ =	task.clear_ibuf [dreg:s6], $0x2FFFF;
	_ =	strace $0x9FFFFFFF  }
0xc2: {  	(tm) =	ssettm $0x7FFFFFFF  }
0xc3: {  	_ =	shalt  }
tec
execute0_lowered:
.L_overlay_start_1:
0x0: {  	(tag) =	ssettag $0x1  }
0x1: {  	s23 =	stileid.u32  }
0x2: {  	s0 =	srdreg.scid;
	s6 =	smul.u32 $0xA000, s23  }
0x3: {  	s5 =	sand.u32 $0x1, s0;
	s10 =	smul.u32 $0x2800, s23  }
0x4: {  	s4 =	rddreg [dreg:$0x0];
	s11 =	sor.u32 $0x20, s23;
	s9 =	smul.u32 $0x138800, s5  }
0x5: {  	s2 =	rddreg [dreg:$0x1];
	s15 =	sor.u32 $0x30, s23;
	s13 =	smul.u32 $0x2800, s11  }
0x6: {  	s3 =	simm.s32 $0x0;
	s17 =	sor.u32 $0x40, s23;
	s24 =	smul.u32 $0x2800, s15  }
0x7: {  	s19 =	sshll.u32 s23, $0x1;
	s18 =	sor.u32 $0x50, s23;
	s26 =	smul.u32 $0x2800, s17  }
0x8: {  	[smem:$0x7FF] =	sst s3;
	s7 =	sadd.s32 $0x3BC00, s4;
	s29 =	smul.u32 $0x2800, s18  }
0x9: {  	s0 =	sor.u32 s5, s19;
	s20 =	ssub.s32 $0x2, s5;
	s5 =	smul.u32 $0x2710, s5  }
0xa: {  	s19 =	sor.u32 $0x60, s23;
	s1 =	smul.u32 $0x2710, s0;
	s8 =	sshrl.u32 s20, $0x1  }
0xb: {  	p0 =	sgt.u32 s23, $0xC;
	s14 =	smul.u32 $0x2800, s19;
	s0 =	ssub.s32 s20, s8  }
0xc: {  	s8 =	sor.u32 $0x10, s23;
	s28 =	sadd.s32 s9, s24;
	s24 =	smul.u32 $0xA000, s11  }
0xd: {  	s22 =	sadd.s32 s9, s13;
	s13 =	sadd.s32 s9, s29;
	s29 =	smul.u32 $0xA000, s18  }
0xe: {  	_ =	strace $0x80000047;
	s20 =	sor.u32 $0x70, s23;
	s12 =	smul.u32 $0x2800, s8  }
0xf: {  	s6 =	sshrl.u32 s6, $0x2;
	s10 =	sadd.s32 s10, s9;
	s16 =	smul.u32 $0x2800, s20  }
0x10: {  	s10 =	sshrl.u32 s10, $0x3;
	s25 =	sshrl.u32 s22, $0x3;
	s22 =	smul.u32 $0xA000, s8  }
0x11: {  	s13 =	sshrl.u32 s13, $0x3;
	s14 =	sadd.s32 s9, s14;
	s11 =	smul.u32 $0xA000, s20  }
0x12: {  	s1 =	sshrl.u32 s1, $0x3;
	s0 =	smax.u32 s0, $0x1;
	s8 =	simm.s32 $0x1  }
0x13: {  	s10 =	sadd.s32 s7, s10;
	[dreg:$0xf] =	wrdreg s0;
	s0 =	simm.s32 $0x3  }
0x14: {  	[dreg:$0x3] =	wrdreg s10;
	s21 =	sadd.s32 s9, s12;
	s12 =	sadd.s32 s9, s26  }
0x15: {  	s9 =	sadd.s32 s9, s16;
	s16 =	smul.u32 $0x4E20, s23;
	s10 =	sshrl.u32 s21, $0x3  }
0x16: {  	s26 =	smul.u32 $0xA000, s17;
	s12 =	sshrl.u32 s12, $0x3;
	s10 =	sadd.s32 s7, s10  }
0x17: {  	s9 =	sshrl.u32 s9, $0x3;
	s12 =	sadd.s32 s7, s12;
	[dreg:$0x4] =	wrdreg s10  }
0x18: {  	s5 =	sadd.s32 s5, s16;
	s10 =	sadd.s32 s7, s25;
	[dreg:$0x7] =	wrdreg s12  }
0x19: {  	s12 =	sshrl.u32 s14, $0x3;
	s14 =	sadd.s32 $0xAC00, s4;
	s25 =	smul.u32 $0xA000, s15  }
0x1a: {  	s15 =	sadd.s32 s6, s2;
	s6 =	sshrl.u32 s26, $0x2;
	[dreg:$0x5] =	wrdreg s10  }
0x1b: {  	s10 =	sshrl.u32 s28, $0x3;
	s21 =	sadd.s32 s7, s12;
	s12 =	sadd.s32 $0x14A00, s4  }
0x1c: {  	s10 =	sadd.s32 s7, s10;
	[dreg:$0x9] =	wrdreg s21;
	s28 =	sshrl.u32 s25, $0x2  }
0x1d: {  	s25 =	sadd.s32 $0x4E0, s1;
	[dreg:$0x6] =	wrdreg s10;
	s10 =	sadd.s32 s7, s13  }
0x1e: {  	s7 =	sadd.s32 s7, s9;
	s13 =	sadd.s32 $0xE00, s4;
	s4 =	sshrl.u32 s24, $0x2  }
0x1f: {  	s18 =	sadd.s32 s28, s2;
	s9 =	smul.u32 $0xA000, s19;
	s19 =	sadd.s32 s6, s2  }
0x20: {  	s28 =	sadd.s32 $0x80, s5;
	s6 =	simm.s32 $0x200;
	[dreg:$0x8] =	wrdreg s10  }
0x21: {  	[dreg:$0xa] =	wrdreg s7;
	s7 =	sshrl.u32 s22, $0x2;
	s17 =	sadd.s32 s4, s2  }
0x22: {  	s10 =	sshrl.u32 s29, $0x2;
	s22 =	sshrl.u32 s11, $0x2;
	s24 =	sadd.s32 s13, s1  }
0x23: {  	s1 =	sadd.s32 s14, s1;
	s26 =	sadd.s32 s13, s25;
	s29 =	sshrl.u32 s28, $0x3  }
0x24: {  	s11 =	sadd.s32 $0x100, s5;
	s5 =	simm.s32 $0x80;
	[dreg:$0xb] =	wrdreg s24  }
0x25: {  	s16 =	sadd.s32 s7, s2;
	s20 =	sadd.s32 s10, s2;
	[dreg:$0xc] =	wrdreg s1  }
0x26: {  	s4 =	sshrl.u32 s9, $0x2;
	s22 =	sadd.s32 s22, s2;
	[dreg:$0xd] =	wrdreg s26  }
0x27: {  	s30 =	sadd.s32 s29, s14;
	s31 =	sadd.s32 s29, s13;
	s1 =	simm.s32 $0x8B00  }
0x28: {  	s7 =	simm.s32 $0x180;
	s9 =	simm.s32 $0x4200;
	s10 =	simm.s32 $0x2  }
0x29: {  	s26 =	simm.s32 $0x0;
	s21 =	sadd.s32 s4, s2;
	s4 =	sadd.s32 s14, s25  }
0x2a: {  	v0 =	vimm.f32 $0.0e+00;
	s25 =	simm.s32 $0x8300;
	[dreg:$0xe] =	wrdreg s4;
	s4 =	simm.s32 $0x100  }
.LBB2_1:
0x2b: {  	s28 =	simm.s32 $0x0;
	s29 =	simm.s32 $0x200  }
.LBB2_2:
0x2c: {  	p1 =	sne.s32 s29, $0x9E00;
	[tilespmem:s28+$0x8B70] =	vst v0  }
0x2d: {  	[tilespmem:s28+$0x8B00] =	vst v0  }
0x2e: {  	[tilespmem:s28+$0x8B10] =	vst v0  }
.Ltmp0:
0x2f: {  	[tilespmem:s28+$0x8B20] =	vst v0;
	(pc) =	sbr.rel @p1 .LBB2_2-.Ltmp0, $4  }
0x30: {  	[tilespmem:s28+$0x8B30] =	vst v0  }
0x31: {  	[tilespmem:s28+$0x8B40] =	vst v0  }
0x32: {  	[tilespmem:s28+$0x8B50] =	vst v0  }
0x33: {  	[tilespmem:s28+$0x8B60] =	vst v0;
	s28 =	sshra.s32 s29, $0x2;
	s29 =	sadd.s32 $0x200, s29  }
0x34: {  	[tilespmem:s28+$0x8B70] =	vst v0  }
0x35: {  	[tilespmem:s28+$0x8B00] =	vst v0  }
0x36: {  	[tilespmem:s28+$0x8B10] =	vst v0  }
0x37: {  	[tilespmem:s28+$0x8B20] =	vst v0  }
0x38: {  	[tilespmem:s28+$0x8B30] =	vst v0  }
0x39: {  	[tilespmem:s28+$0x8B40] =	vst v0  }
0x3a: {  	[tilespmem:s28+$0x8B50] =	vst v0  }
0x3b: {  	[tilespmem:s28+$0x8B60] =	vst v0  }
0x3c: {  	[spmem:s15] =	stream.linear.scatter [tilespmem:s1], [sflag:$0x3], $0x2800, $0x38;
	[tilespmem:$0x1EB80] =	vst v63  }
0x3d: {  	_ =	swait.ge [sflag:s0], $0x2800  }
0x3e: {  	[sflag:s0] =	ssyncset.done $0x0  }
0x3f: {  	[sflag:s0] =	ssyncadd.s32 $0xFFFFD800  }
0x40: {  	[spmem:s16] =	stream.linear.scatter [tilespmem:s1], [sflag:$0x3], $0x2800, $0x38;
	[tilespmem:$0x1EB80] =	vst v63  }
0x41: {  	_ =	swait.ge [sflag:s0], $0x2800  }
0x42: {  	[sflag:s0] =	ssyncset.done $0x0  }
0x43: {  	[sflag:s0] =	ssyncadd.s32 $0xFFFFD800  }
0x44: {  	[spmem:s17] =	stream.linear.scatter [tilespmem:s1], [sflag:$0x3], $0x2800, $0x38;
	[tilespmem:$0x1EB80] =	vst v63  }
0x45: {  	_ =	swait.ge [sflag:s0], $0x2800  }
0x46: {  	[sflag:s0] =	ssyncset.done $0x0  }
0x47: {  	[sflag:s0] =	ssyncadd.s32 $0xFFFFD800  }
0x48: {  	[spmem:s18] =	stream.linear.scatter [tilespmem:s1], [sflag:$0x3], $0x2800, $0x38;
	[tilespmem:$0x1EB80] =	vst v63  }
0x49: {  	_ =	swait.ge [sflag:s0], $0x2800  }
0x4a: {  	[sflag:s0] =	ssyncset.done $0x0  }
0x4b: {  	[sflag:s0] =	ssyncadd.s32 $0xFFFFD800  }
0x4c: {  	[spmem:s19] =	stream.linear.scatter [tilespmem:s1], [sflag:$0x3], $0x2800, $0x38;
	[tilespmem:$0x1EB80] =	vst v63  }
0x4d: {  	_ =	swait.ge [sflag:s0], $0x2800  }
0x4e: {  	[sflag:s0] =	ssyncset.done $0x0  }
0x4f: {  	[sflag:s0] =	ssyncadd.s32 $0xFFFFD800  }
0x50: {  	[spmem:s20] =	stream.linear.scatter [tilespmem:s1], [sflag:$0x3], $0x2800, $0x38;
	[tilespmem:$0x1EB80] =	vst v63  }
0x51: {  	_ =	swait.ge [sflag:s0], $0x2800  }
0x52: {  	[sflag:s0] =	ssyncset.done $0x0  }
0x53: {  	[sflag:s0] =	ssyncadd.s32 $0xFFFFD800  }
0x54: {  	[spmem:s21] =	stream.linear.scatter [tilespmem:s1], [sflag:$0x3], $0x2800, $0x38;
	[tilespmem:$0x1EB80] =	vst v63  }
0x55: {  	_ =	swait.ge [sflag:s0], $0x2800  }
0x56: {  	[sflag:s0] =	ssyncset.done $0x0  }
0x57: {  	s28 =	simm.s32 @!p0 $0x8B00;
	[sflag:s0] =	ssyncadd.s32 $0xFFFFD800  }
0x58: {  	[spmem:s22] =	stream.linear.scatter @!p0 [tilespmem:s28], [sflag:$0x3], $0x2800, $0x38;
	[tilespmem:$0x1EB80] =	vst v63  }
0x59: {  	s28 =	simm.s32 @!p0 $0x3  }
0x5a: {  	_ =	swait.ge @!p0 [sflag:s28], $0x2800  }
0x5b: {  	[sflag:s28] =	ssyncset.done @!p0 $0x0  }
0x5c: {  	[sflag:s28] =	ssyncadd.s32 @!p0 $0xFFFFD800  }
0x5d: {  	[bflag:$0x0] =	sbarrier.arrive $0xFFFF  }
0x5e: {  	s28 =	simm.s32 $0x0;
	s23 =	rddreg [dreg:$0xb]  }
0x5f: {  	[tilespmem:s28], [sflag:$0x3] =	stream.linear.gather [hbm4b:s23+s28], $0x80, $0x38;
	[tilespmem:$0x1EB80] =	vst v63  }
0x60: {  	_ =	swait.ge [sflag:s0], $0x80  }
0x61: {  	[sflag:s0] =	ssyncset.done $0x0  }
0x62: {  	s24 =	rddreg [dreg:$0xc];
	[sflag:s0] =	ssyncadd.s32 $0xFFFFFF80  }
0x63: {  	[tilespmem:s4], [sflag:$0x3] =	stream.linear.gather [hbm4b:s24+s28], $0x80, $0x38;
	[tilespmem:$0x1EB80] =	vst v63  }
0x64: {  	_ =	swait.ge [sflag:s0], $0x80  }
0x65: {  	[sflag:s0] =	ssyncset.done $0x0  }
0x66: {  	[sflag:s0] =	ssyncadd.s32 $0xFFFFFF80  }
0x67: {  	[tilespmem:s6], [sflag:$0x1] =	stream.indirect.gather [hbm4b:s12+s5], $0x80, s28, s5, $0xb8;
	[tilespmem:$0x1EB80] =	vst v63  }
0x68: {  	s28 =	sadd.s32 $0x0, s31  }
0x69: {  	[tilespmem:s5], [sflag:$0x3] =	stream.linear.gather [hbm4b:s28+s3], $0x80, $0x38;
	[tilespmem:$0x1EB80] =	vst v63  }
0x6a: {  	_ =	swait.ge [sflag:s0], $0x80  }
0x6b: {  	[sflag:s0] =	ssyncset.done $0x0  }
0x6c: {  	s28 =	sadd.s32 $0x0, s30;
	[sflag:s0] =	ssyncadd.s32 $0xFFFFFF80  }
0x6d: {  	[tilespmem:s7], [sflag:$0x3] =	stream.linear.gather [hbm4b:s28+s3], $0x80, $0x38;
	[tilespmem:$0x1EB80] =	vst v63  }
0x6e: {  	_ =	swait.ge [sflag:s0], $0x80  }
0x6f: {  	[sflag:s0] =	ssyncset.done $0x0  }
0x70: {  	[sflag:s0] =	ssyncadd.s32 $0xFFFFFF80  }
0x71: {  	_ =	swait.ge [sflag:s8], $0x4000  }
0x72: {  	[sflag:s8] =	ssyncset.done $0x0  }
0x73: {  	[sflag:s8] =	ssyncadd.s32 $0xFFFFC000  }
0x74: {  	[tilespmem:s9], [sflag:$0x2] =	stream.indirect.gather [hbm4b:s12+s5], $0x80, s5, s5, $0xb8;
	[tilespmem:$0x1EB80] =	vst v63  }
0x75: {  	_ = 	snop  }
0x76: {  	[spmem:s2] =	stream.indirect.scatter.add.f32 [tilespmem:s6], [sflag:$0x3], $0x80, s4, s5, $0xb8;
	[tilespmem:$0x1EB80] =	vst v63  }
0x77: {  	_ =	swait.ge [sflag:s0], $0x4000  }
0x78: {  	s28 =	sshrl.u32 s11, $0x3;
	[sflag:s0] =	ssyncset.done $0x0  }
0x79: {  	s29 =	sadd.s32 s13, s28;
	[sflag:s0] =	ssyncadd.s32 $0xFFFFC000  }
0x7a: {  	[tilespmem:s3], [sflag:$0x3] =	stream.linear.gather [hbm4b:s29+s3], $0x80, $0x38;
	[tilespmem:$0x1EB80] =	vst v63  }
0x7b: {  	_ =	swait.ge [sflag:s0], $0x80  }
0x7c: {  	[sflag:s0] =	ssyncset.done $0x0  }
0x7d: {  	s28 =	sadd.s32 s14, s28;
	[sflag:s0] =	ssyncadd.s32 $0xFFFFFF80  }
0x7e: {  	[tilespmem:s4], [sflag:$0x3] =	stream.linear.gather [hbm4b:s28+s3], $0x80, $0x38;
	[tilespmem:$0x1EB80] =	vst v63  }
0x7f: {  	_ =	swait.ge [sflag:s0], $0x80  }
0x80: {  	[sflag:s0] =	ssyncset.done $0x0  }
0x81: {  	[sflag:s0] =	ssyncadd.s32 $0xFFFFFF80  }
0x82: {  	_ =	swait.ge [sflag:s10], $0x4000  }
0x83: {  	[sflag:s10] =	ssyncset.done $0x0  }
0x84: {  	[sflag:s10] =	ssyncadd.s32 $0xFFFFC000  }
0x85: {  	[tilespmem:s6], [sflag:$0x1] =	stream.indirect.gather [hbm4b:s12+s5], $0x80, s3, s5, $0xb8;
	[tilespmem:$0x1EB80] =	vst v63  }
0x86: {  	_ = 	snop  }
0x87: {  	[spmem:s2] =	stream.indirect.scatter.add.f32 [tilespmem:s9], [sflag:$0x3], $0x80, s7, s5, $0xb8;
	[tilespmem:$0x1EB80] =	vst v63  }
0x88: {  	_ =	swait.ge [sflag:s0], $0x4000  }
0x89: {  	s29 =	smov.u32 s11;
	s28 =	simm.s32 $0x20;
	[sflag:s0] =	ssyncset.done $0x0  }
.LBB2_4:
0x8a: {  	p1 =	sne.s32 s28, $0x4C0;
	[sflag:s0] =	ssyncadd.s32 $0xFFFFC000;
	s29 =	sadd.s32 $0x100, s29  }
0x8b: {  	s23 =	sadd.s32 s28, s31;
	s24 =	smov.u32 s28;
	s28 =	sadd.s32 $0x20, s28  }
0x8c: {  	[tilespmem:s5], [sflag:$0x3] =	stream.linear.gather [hbm4b:s23+s3], $0x80, $0x38;
	[tilespmem:$0x1EB80] =	vst v63  }
0x8d: {  	_ =	swait.ge [sflag:s0], $0x80  }
0x8e: {  	[sflag:s0] =	ssyncset.done $0x0  }
0x8f: {  	s23 =	sadd.s32 s24, s30;
	[sflag:s0] =	ssyncadd.s32 $0xFFFFFF80  }
0x90: {  	[tilespmem:s7], [sflag:$0x3] =	stream.linear.gather [hbm4b:s23+s3], $0x80, $0x38;
	[tilespmem:$0x1EB80] =	vst v63  }
0x91: {  	_ =	swait.ge [sflag:s0], $0x80  }
0x92: {  	[sflag:s0] =	ssyncset.done $0x0  }
0x93: {  	[sflag:s0] =	ssyncadd.s32 $0xFFFFFF80  }
0x94: {  	_ =	swait.ge [sflag:s8], $0x4000  }
0x95: {  	[sflag:s8] =	ssyncset.done $0x0  }
0x96: {  	[sflag:s8] =	ssyncadd.s32 $0xFFFFC000  }
0x97: {  	[tilespmem:s9], [sflag:$0x2] =	stream.indirect.gather [hbm4b:s12+s5], $0x80, s5, s5, $0xb8;
	[tilespmem:$0x1EB80] =	vst v63  }
0x98: {  	_ = 	snop  }
0x99: {  	[spmem:s2] =	stream.indirect.scatter.add.f32 [tilespmem:s6], [sflag:$0x3], $0x80, s4, s5, $0xb8;
	[tilespmem:$0x1EB80] =	vst v63  }
0x9a: {  	_ =	swait.ge [sflag:s0], $0x4000  }
0x9b: {  	s23 =	sshrl.u32 s29, $0x3;
	[sflag:s0] =	ssyncset.done $0x0  }
0x9c: {  	s24 =	sadd.s32 s13, s23;
	[sflag:s0] =	ssyncadd.s32 $0xFFFFC000  }
0x9d: {  	[tilespmem:s3], [sflag:$0x3] =	stream.linear.gather [hbm4b:s24+s3], $0x80, $0x38;
	[tilespmem:$0x1EB80] =	vst v63  }
0x9e: {  	_ =	swait.ge [sflag:s0], $0x80  }
0x9f: {  	[sflag:s0] =	ssyncset.done $0x0  }
0xa0: {  	s23 =	sadd.s32 s14, s23;
	[sflag:s0] =	ssyncadd.s32 $0xFFFFFF80  }
0xa1: {  	[tilespmem:s4], [sflag:$0x3] =	stream.linear.gather [hbm4b:s23+s3], $0x80, $0x38;
	[tilespmem:$0x1EB80] =	vst v63  }
0xa2: {  	_ =	swait.ge [sflag:s0], $0x80  }
0xa3: {  	[sflag:s0] =	ssyncset.done $0x0  }
0xa4: {  	[sflag:s0] =	ssyncadd.s32 $0xFFFFFF80  }
0xa5: {  	_ =	swait.ge [sflag:s10], $0x4000  }
0xa6: {  	[sflag:s10] =	ssyncset.done $0x0  }
0xa7: {  	[sflag:s10] =	ssyncadd.s32 $0xFFFFC000  }
0xa8: {  	[tilespmem:s6], [sflag:$0x1] =	stream.indirect.gather [hbm4b:s12+s5], $0x80, s3, s5, $0xb8;
	[tilespmem:$0x1EB80] =	vst v63  }
.Ltmp1:
0xa9: {  	_ = 	snop;
	(pc) =	sbr.rel @p1 .LBB2_4-.Ltmp1, $4  }
0xaa: {  	_ = 	snop  }
0xab: {  	[spmem:s2] =	stream.indirect.scatter.add.f32 [tilespmem:s9], [sflag:$0x3], $0x80, s7, s5, $0xb8;
	[tilespmem:$0x1EB80] =	vst v63  }
0xac: {  	_ =	swait.ge [sflag:s0], $0x4000  }
0xad: {  	[sflag:s0] =	ssyncset.done $0x0  }
0xae: {  	[sflag:s0] =	ssyncadd.s32 $0xFFFFC000  }
0xaf: {  	_ =	swait.ge [sflag:s8], $0x4000  }
0xb0: {  	[sflag:s8] =	ssyncset.done $0x0  }
0xb1: {  	s24 =	simm.s32 $0x8200;
	s23 =	rddreg [dreg:$0xd];
	[sflag:s8] =	ssyncadd.s32 $0xFFFFC000  }
0xb2: {  	[tilespmem:s24], [sflag:$0x3] =	stream.linear.gather [hbm4b:s23+s3], $0x10, $0x38;
	[tilespmem:$0x1EB80] =	vst v63  }
0xb3: {  	_ =	swait.ge [sflag:s0], $0x10  }
0xb4: {  	[sflag:s0] =	ssyncset.done $0x0  }
0xb5: {  	s28 =	simm.s32 $0x8280;
	s29 =	rddreg [dreg:$0xe];
	[sflag:s0] =	ssyncadd.s32 $0xFFFFFFF0  }
0xb6: {  	[tilespmem:s28], [sflag:$0x3] =	stream.linear.gather [hbm4b:s29+s3], $0x10, $0x38;
	[tilespmem:$0x1EB80] =	vst v63  }
0xb7: {  	_ =	swait.ge [sflag:s0], $0x10  }
0xb8: {  	[sflag:s0] =	ssyncset.done $0x0  }
0xb9: {  	s29 =	simm.s32 $0x10;
	[sflag:s0] =	ssyncadd.s32 $0xFFFFFFF0  }
0xba: {  	[tilespmem:s25], [sflag:$0x1] =	stream.indirect.gather [hbm4b:s12+s29], $0x80, s24, s29, $0xb8;
	[tilespmem:$0x1EB80] =	vst v63  }
0xbb: {  	_ =	swait.ge [sflag:s8], $0x800  }
0xbc: {  	[sflag:s8] =	ssyncset.done $0x0  }
0xbd: {  	[sflag:s8] =	ssyncadd.s32 $0xFFFFF800  }
0xbe: {  	[spmem:s2] =	stream.indirect.scatter.add.f32 [tilespmem:s25], [sflag:$0x3], $0x80, s28, s29, $0xb8;
	[tilespmem:$0x1EB80] =	vst v63  }
0xbf: {  	_ =	swait.ge [sflag:s0], $0x800  }
0xc0: {  	[sflag:s0] =	ssyncset.done $0x0  }
0xc1: {  	[sflag:s0] =	ssyncadd.s32 $0xFFFFF800  }
0xc2: {  	[bflag:$0x0] =	sbarrier.arrive $0xFFFF  }
0xc3: {  	[tilespmem:s1], [sflag:$0x3] =	stream.linear.gather [spmem:s15], $0x2800, $0x38;
	[tilespmem:$0x1EB80] =	vst v63  }
0xc4: {  	_ =	swait.ge [sflag:s0], $0x2800  }
0xc5: {  	[sflag:s0] =	ssyncset.done $0x0  }
0xc6: {  	s28 =	rddreg [dreg:$0x3];
	[sflag:s0] =	ssyncadd.s32 $0xFFFFD800  }
0xc7: {  	[hbm4b:s28+s3] =	stream.linear.scatter [tilespmem:s1], [sflag:$0x3], $0x2800, $0x38;
	[tilespmem:$0x1EB80] =	vst v63  }
0xc8: {  	_ =	swait.ge [sflag:s0], $0x2800  }
0xc9: {  	[sflag:s0] =	ssyncset.done $0x0  }
0xca: {  	[sflag:s0] =	ssyncadd.s32 $0xFFFFD800  }
0xcb: {  	[tilespmem:s1], [sflag:$0x3] =	stream.linear.gather [spmem:s16], $0x2800, $0x38;
	[tilespmem:$0x1EB80] =	vst v63  }
0xcc: {  	_ =	swait.ge [sflag:s0], $0x2800  }
0xcd: {  	[sflag:s0] =	ssyncset.done $0x0  }
0xce: {  	s29 =	rddreg [dreg:$0x4];
	[sflag:s0] =	ssyncadd.s32 $0xFFFFD800  }
0xcf: {  	[hbm4b:s29+s3] =	stream.linear.scatter [tilespmem:s1], [sflag:$0x3], $0x2800, $0x38;
	[tilespmem:$0x1EB80] =	vst v63  }
0xd0: {  	_ =	swait.ge [sflag:s0], $0x2800  }
0xd1: {  	[sflag:s0] =	ssyncset.done $0x0  }
0xd2: {  	[sflag:s0] =	ssyncadd.s32 $0xFFFFD800  }
0xd3: {  	[tilespmem:s1], [sflag:$0x3] =	stream.linear.gather [spmem:s17], $0x2800, $0x38;
	[tilespmem:$0x1EB80] =	vst v63  }
0xd4: {  	_ =	swait.ge [sflag:s0], $0x2800  }
0xd5: {  	[sflag:s0] =	ssyncset.done $0x0  }
0xd6: {  	s24 =	rddreg [dreg:$0x5];
	[sflag:s0] =	ssyncadd.s32 $0xFFFFD800  }
0xd7: {  	[hbm4b:s24+s3] =	stream.linear.scatter [tilespmem:s1], [sflag:$0x3], $0x2800, $0x38;
	[tilespmem:$0x1EB80] =	vst v63  }
0xd8: {  	_ =	swait.ge [sflag:s0], $0x2800  }
0xd9: {  	[sflag:s0] =	ssyncset.done $0x0  }
0xda: {  	[sflag:s0] =	ssyncadd.s32 $0xFFFFD800  }
0xdb: {  	[tilespmem:s1], [sflag:$0x3] =	stream.linear.gather [spmem:s18], $0x2800, $0x38;
	[tilespmem:$0x1EB80] =	vst v63  }
0xdc: {  	_ =	swait.ge [sflag:s0], $0x2800  }
0xdd: {  	[sflag:s0] =	ssyncset.done $0x0  }
0xde: {  	s28 =	rddreg [dreg:$0x6];
	[sflag:s0] =	ssyncadd.s32 $0xFFFFD800  }
0xdf: {  	[hbm4b:s28+s3] =	stream.linear.scatter [tilespmem:s1], [sflag:$0x3], $0x2800, $0x38;
	[tilespmem:$0x1EB80] =	vst v63  }
0xe0: {  	_ =	swait.ge [sflag:s0], $0x2800  }
0xe1: {  	[sflag:s0] =	ssyncset.done $0x0  }
0xe2: {  	[sflag:s0] =	ssyncadd.s32 $0xFFFFD800  }
0xe3: {  	[tilespmem:s1], [sflag:$0x3] =	stream.linear.gather [spmem:s19], $0x2800, $0x38;
	[tilespmem:$0x1EB80] =	vst v63  }
0xe4: {  	_ =	swait.ge [sflag:s0], $0x2800  }
0xe5: {  	[sflag:s0] =	ssyncset.done $0x0  }
0xe6: {  	s29 =	rddreg [dreg:$0x7];
	[sflag:s0] =	ssyncadd.s32 $0xFFFFD800  }
0xe7: {  	[hbm4b:s29+s3] =	stream.linear.scatter [tilespmem:s1], [sflag:$0x3], $0x2800, $0x38;
	[tilespmem:$0x1EB80] =	vst v63  }
0xe8: {  	_ =	swait.ge [sflag:s0], $0x2800  }
0xe9: {  	[sflag:s0] =	ssyncset.done $0x0  }
0xea: {  	[sflag:s0] =	ssyncadd.s32 $0xFFFFD800  }
0xeb: {  	[tilespmem:s1], [sflag:$0x3] =	stream.linear.gather [spmem:s20], $0x2800, $0x38;
	[tilespmem:$0x1EB80] =	vst v63  }
0xec: {  	_ =	swait.ge [sflag:s0], $0x2800  }
0xed: {  	[sflag:s0] =	ssyncset.done $0x0  }
0xee: {  	s24 =	rddreg [dreg:$0x8];
	[sflag:s0] =	ssyncadd.s32 $0xFFFFD800  }
0xef: {  	[hbm4b:s24+s3] =	stream.linear.scatter [tilespmem:s1], [sflag:$0x3], $0x2800, $0x38;
	[tilespmem:$0x1EB80] =	vst v63  }
0xf0: {  	_ =	swait.ge [sflag:s0], $0x2800  }
0xf1: {  	[sflag:s0] =	ssyncset.done $0x0  }
0xf2: {  	[sflag:s0] =	ssyncadd.s32 $0xFFFFD800  }
0xf3: {  	[tilespmem:s1], [sflag:$0x3] =	stream.linear.gather [spmem:s21], $0x2800, $0x38;
	[tilespmem:$0x1EB80] =	vst v63  }
0xf4: {  	_ =	swait.ge [sflag:s0], $0x2800  }
0xf5: {  	[sflag:s0] =	ssyncset.done $0x0  }
0xf6: {  	s28 =	rddreg [dreg:$0x9];
	[sflag:s0] =	ssyncadd.s32 $0xFFFFD800  }
0xf7: {  	[hbm4b:s28+s3] =	stream.linear.scatter [tilespmem:s1], [sflag:$0x3], $0x2800, $0x38;
	[tilespmem:$0x1EB80] =	vst v63  }
0xf8: {  	_ =	swait.ge [sflag:s0], $0x2800  }
0xf9: {  	[sflag:s0] =	ssyncset.done $0x0  }
0xfa: {  	s23 =	simm.s32 @!p0 $0x8B00;
	s24 =	simm.s32 @!p0 $0x3;
	[sflag:s0] =	ssyncadd.s32 $0xFFFFD800  }
0xfb: {  	[tilespmem:s23], [sflag:$0x3] =	stream.linear.gather @!p0 [spmem:s22], $0x2800, $0x38;
	[tilespmem:$0x1EB80] =	vst v63  }
0xfc: {  	_ =	swait.ge @!p0 [sflag:s24], $0x2800  }
0xfd: {  	[sflag:s24] =	ssyncset.done @!p0 $0x0  }
0xfe: {  	s28 =	simm.s32 @!p0 $0x0;
	s29 =	rddreg [dreg:$0xa];
	[sflag:s24] =	ssyncadd.s32 @!p0 $0xFFFFD800  }
0xff: {  	[hbm4b:s29+s28] =	stream.linear.scatter @!p0 [tilespmem:s23], [sflag:$0x3], $0x2800, $0x38;
	[tilespmem:$0x1EB80] =	vst v63  }
0x100: {  	_ =	swait.ge @!p0 [sflag:s24], $0x2800  }
0x101: {  	s26 =	sadd.s32 $0x1, s26;
	s29 =	rddreg [dreg:$0xf]  }
0x102: {  	p1 =	sne.s32 s26, s29  }
.Ltmp2:
0x103: {  	_ = 	snop;
	(pc) =	sbr.rel @p1 .LBB2_1-.Ltmp2, $3  }
0x104: {  	_ =	sdelay $0x1  }
0x105: {  	[sflag:s24] =	ssyncset.done @!p0 $0x0  }
0x106: {  	[sflag:s24] =	ssyncadd.s32 @!p0 $0xFFFFD800  }
0x107: {  	_ =	sfence.sel $0x180000  }
0x108: {  	[bflag:$0x0] =	sbarrier.arrive $0xFFFF  }
0x109: {  	_ =	strace $0x90000047  }
0x10a: {  	s0 =	stileid.u32;
	[bflag:$0x2] =	sbarrier.arrive $0xFFFF  }
0x10b: {  	p0 =	sne.s32 s0, $0x0;
	s0 =	rddreg [dreg:$0x2]  }
0x10c: {  	s0 =	sadd.s32 @!p0 $0x100000, s0  }
0x10d: {  	[sflag:s0] =	ssyncadd.tile.s32 @!p0 $0x1;
	_ =	shalt  }
.Lfunc_end2:
_tile_overlayer_lowered:
.L_overlay_start_2:
0x10e: {  	(tag) =	ssettag $0x2  }
0x10f: {  	s0 =	rddreg [dreg:$0x0];
	s2 =	stileid.u32  }
0x110: {  	s1 =	rddreg [dreg:$0x1];
	p0 =	sne.s32 s2, $0x0  }
0x111: {  	s3 =	rddreg [dreg:$0x2];
	[bflag:$0x3] =	sbarrier.arrive $0xFFFF;
	s2 =	simm.s32 @!p0 $0x1C03  }
0x112: {  	[timem:s3], [sflag:s2] =	dma.local @!p0 [hbm:s0], s1  }
0x113: {  	s0 =	simm.s32 @!p0 $0x3  }
0x114: {  	_ =	swait.ge @!p0 [sflag:s0], s1  }
0x115: {  	s1 =	ssub.s32 @!p0 $0x0, s1;
	[sflag:s0] =	ssyncset.done @!p0 $0x0  }
0x116: {  	[sflag:s0] =	ssyncadd.s32 @!p0 s1  }
0x117: {  	[bflag:$0x3] =	sbarrier.arrive $0xFFFF  }
0x118: {  	_ =	shalt  }

</sc_bundles>
